<compile_context>
chip_gen: v7x
topology: tpu7x:2x2x1
jax: 0.10.2.dev20260603
libtpu: 0.0.44.dev20260713+nightly
codegen_flags: <defaults>
</compile_context>

<pallas_src>
import jax
import jax.numpy as jnp
from jax import lax
from jax.experimental import pallas as pl
from jax.experimental.pallas import tpu as pltpu
from jax.experimental.pallas import tpu_sc as plsc

N_NODES = 10000
IN_CH = 256
HID = 128

NP = 10240
N_TILES = 32
N_CHUNKS = 40
CHUNK = 128
EP = N_TILES * N_CHUNKS * CHUNK
N_CROWS = EP // CHUNK
SEG_C0 = 40
SEG_C1 = 40
ROWS_PER_TILE = NP // 16


def _make_segsum(with_cnt):
  mesh = plsc.VectorSubcoreMesh(core_axis_name="c", subcore_axis_name="s")

  dst_rows = 8 if with_cnt else SEG_C0
  out_type = [jax.ShapeDtypeStruct((2, NP, HID), jnp.float32)]
  scratch = [
      pltpu.VMEM((SEG_C0, CHUNK), jnp.int32),
      pltpu.VMEM((dst_rows, CHUNK), jnp.int32),
      pltpu.VMEM((CHUNK, HID), jnp.float32),
      pltpu.VMEM((CHUNK, HID), jnp.float32),
      pltpu.VMEM_SHARED((NP, HID), jnp.float32),
      pltpu.SemaphoreType.DMA,
      pltpu.SemaphoreType.DMA,
  ]
  if with_cnt:
    out_type.append(jax.ShapeDtypeStruct((N_TILES, NP), jnp.float32))
    scratch += [
        pltpu.VMEM((NP,), jnp.float32),
    ]

  def body(*refs):
    if with_cnt:
      (y_hbm, srci_hbm, dsti_hbm, zf_hbm, s_out, cnt_out,
       srci_v, dsti_v, rows0_v, rows1_v, acc_sh, sem0, sem1, hist_v) = refs
    else:
      (y_hbm, srci_hbm, dsti_hbm, zf_hbm, s_out,
       srci_v, dsti_v, rows0_v, rows1_v, acc_sh, sem0, sem1) = refs
    bufs = ((rows0_v, sem0), (rows1_v, sem1))

    c = lax.axis_index("c")
    s = lax.axis_index("s")
    r0 = s * ROWS_PER_TILE
    off = jnp.where(c == 0, s * SEG_C0, 16 * SEG_C0 + s * SEG_C1)
    n = jnp.where(c == 0, SEG_C0, SEG_C1)

    pltpu.sync_copy(zf_hbm.at[pl.ds(r0, ROWS_PER_TILE)],
                    acc_sh.at[pl.ds(r0, ROWS_PER_TILE)])
    ones16 = jnp.full((16,), 1.0, jnp.float32)
    zeros16 = jnp.zeros((16,), jnp.float32)
    if with_cnt:
      def zero_row(i, carry):
        for k in range(8):
          hist_v[pl.ds(i * 128 + k * 16, 16)] = zeros16
        return carry

      lax.fori_loop(0, NP // 128, zero_row, 0)
    plsc.subcore_barrier()

    pltpu.sync_copy(srci_hbm.at[pl.ds(off, SEG_C0)], srci_v)
    if not with_cnt:
      pltpu.sync_copy(dsti_hbm.at[pl.ds(off, SEG_C0)], dsti_v)

    for k, (buf, sem) in enumerate(bufs):
      pltpu.async_copy(y_hbm.at[srci_v.at[k]], buf, sem)

    if with_cnt:
      def window_step(w, carry):
        pltpu.sync_copy(dsti_hbm.at[pl.ds(off + w * 8, 8)], dsti_v)
        for jj in range(8):
          buf, sem = bufs[jj % 2]
          j = w * 8 + jj
          pltpu.make_async_copy(y_hbm.at[srci_v.at[j]], buf, sem).wait()
          pltpu.sync_copy(buf, acc_sh.at[dsti_v.at[jj]], add=True)
          nxt = jnp.minimum(j + 2, n - 1)
          pltpu.async_copy(y_hbm.at[srci_v.at[nxt]], buf, sem)
          for k8 in range(8):
            d = dsti_v[jj, pl.ds(k8 * 16, 16)]
            plsc.addupdate_scatter(hist_v, [d], ones16)
        return carry

      lax.fori_loop(0, n // 8, window_step, 0)
    else:
      def chunk_step(i, carry):
        for k, (buf, sem) in enumerate(bufs):
          j = 2 * i + k
          pltpu.make_async_copy(y_hbm.at[srci_v.at[j]], buf, sem).wait()
          pltpu.sync_copy(buf, acc_sh.at[dsti_v.at[j]], add=True)
          nxt = jnp.minimum(j + 2, n - 1)
          pltpu.async_copy(y_hbm.at[srci_v.at[nxt]], buf, sem)
        return carry

      lax.fori_loop(0, n // 2, chunk_step, 0)
    for buf, sem in bufs:
      pltpu.make_async_copy(y_hbm.at[srci_v.at[0]], buf, sem).wait()
    plsc.subcore_barrier()

    pltpu.sync_copy(acc_sh.at[pl.ds(r0, ROWS_PER_TILE)],
                    s_out.at[c, pl.ds(r0, ROWS_PER_TILE)])
    if with_cnt:
      pltpu.sync_copy(hist_v, cnt_out.at[c * 16 + s])

  params = pltpu.CompilerParams(needs_layout_passes=False) if with_cnt else None
  return pl.kernel(body, mesh=mesh, out_type=out_type, scratch_types=scratch,
                   compiler_params=params)


_segsum_cnt = _make_segsum(True)
_segsum = _make_segsum(False)


_BM = 2000


def _tc_proj2(xp, WlT, WrT, b):
  M, K = xp.shape
  N = WlT.shape[1]

  def body(x_ref, wl_ref, wr_ref, b_ref, y_ref, z_ref):
    x = x_ref[...]
    y_ref[...] = jnp.dot(x, wl_ref[...], preferred_element_type=jnp.float32)
    z_ref[...] = (jnp.dot(x, wr_ref[...], preferred_element_type=jnp.float32)
                  + b_ref[...])

  return pl.pallas_call(
      body,
      grid=(M // _BM,),
      in_specs=[
          pl.BlockSpec((_BM, K), lambda i: (i, 0)),
          pl.BlockSpec((K, N), lambda i: (0, 0)),
          pl.BlockSpec((K, N), lambda i: (0, 0)),
          pl.BlockSpec((1, N), lambda i: (0, 0)),
      ],
      out_specs=[
          pl.BlockSpec((_BM, N), lambda i: (i, 0)),
          pl.BlockSpec((_BM, N), lambda i: (i, 0)),
      ],
      out_shape=[
          jax.ShapeDtypeStruct((M, N), jnp.float32),
          jax.ShapeDtypeStruct((M, N), jnp.float32),
      ],
  )(xp, WlT, WrT, b)


def _tc_combine_proj2(s_pair, cnt_t, z, WrT, b):
  N = WrT.shape[1]

  def body(sa_ref, sb_ref, c_ref, z_ref, wr_ref, b_ref, h_ref, z2_ref):
    ssum = sa_ref[0] + sb_ref[0]
    cnt = jnp.sum(c_ref[...], axis=1, keepdims=True)
    mean = ssum / jnp.maximum(cnt, 1.0)
    h = jnp.maximum(mean + z_ref[...], 0.0)
    h_ref[...] = h
    z2_ref[...] = (jnp.dot(h, wr_ref[...], preferred_element_type=jnp.float32)
                   + b_ref[...])

  return pl.pallas_call(
      body,
      grid=(N_NODES // _BM,),
      in_specs=[
          pl.BlockSpec((1, _BM, HID), lambda i: (0, i, 0)),
          pl.BlockSpec((1, _BM, HID), lambda i: (1, i, 0)),
          pl.BlockSpec((_BM, N_TILES), lambda i: (i, 0)),
          pl.BlockSpec((_BM, HID), lambda i: (i, 0)),
          pl.BlockSpec((HID, N), lambda i: (0, 0)),
          pl.BlockSpec((1, N), lambda i: (0, 0)),
      ],
      out_specs=[
          pl.BlockSpec((_BM, HID), lambda i: (i, 0)),
          pl.BlockSpec((_BM, N), lambda i: (i, 0)),
      ],
      out_shape=[
          jax.ShapeDtypeStruct((N_NODES, HID), jnp.float32),
          jax.ShapeDtypeStruct((N_NODES, N), jnp.float32),
      ],
  )(s_pair, s_pair, cnt_t, z, WrT, b)


def _tc_combine_mlp(s_pair, cnt_t, z, WlT, W1T, b1, W2T, b2, W3T, b3):

  def body(sa_ref, sb_ref, c_ref, z_ref, wl_ref, w1_ref, b1_ref,
           w2_ref, b2_ref, w3_ref, b3_ref, o_ref):
    ssum = sa_ref[0] + sb_ref[0]
    cnt = jnp.sum(c_ref[...], axis=1, keepdims=True)
    mean = ssum / jnp.maximum(cnt, 1.0)
    h = (jnp.dot(mean, wl_ref[...], preferred_element_type=jnp.float32)
         + z_ref[...])
    a = jnp.maximum(
        jnp.dot(h, w1_ref[...], preferred_element_type=jnp.float32)
        + b1_ref[...], 0.0)
    a = jnp.maximum(
        jnp.dot(a, w2_ref[...], preferred_element_type=jnp.float32)
        + b2_ref[...], 0.0)
    o_ref[...] = jnp.sum(a * w3_ref[...], axis=1, keepdims=True) + b3_ref[...]

  return pl.pallas_call(
      body,
      grid=(N_NODES // _BM,),
      in_specs=[
          pl.BlockSpec((1, _BM, HID), lambda i: (0, i, 0)),
          pl.BlockSpec((1, _BM, HID), lambda i: (1, i, 0)),
          pl.BlockSpec((_BM, N_TILES), lambda i: (i, 0)),
          pl.BlockSpec((_BM, HID), lambda i: (i, 0)),
          pl.BlockSpec((HID, HID), lambda i: (0, 0)),
          pl.BlockSpec((HID, 64), lambda i: (0, 0)),
          pl.BlockSpec((1, 64), lambda i: (0, 0)),
          pl.BlockSpec((64, 32), lambda i: (0, 0)),
          pl.BlockSpec((1, 32), lambda i: (0, 0)),
          pl.BlockSpec((1, 32), lambda i: (0, 0)),
          pl.BlockSpec((1, 1), lambda i: (0, 0)),
      ],
      out_specs=pl.BlockSpec((_BM, 1), lambda i: (i, 0)),
      out_shape=jax.ShapeDtypeStruct((N_NODES, 1), jnp.float32),
  )(s_pair, s_pair, cnt_t, z, WlT, W1T, b1, W2T, b2, W3T, b3)


def kernel(x, edge_index, W1l, W1r, b1, W2l, W2r, b2, Wr1, br1, Wr2, br2,
           Wr3, br3):
  f32 = jnp.float32

  xp = x.astype(f32)

  src = edge_index[0].astype(jnp.int32)
  dst = edge_index[1].astype(jnp.int32)
  n_e = src.shape[0]
  src = jnp.arange(EP, dtype=jnp.int32) % N_NODES
  src = src.at[:n_e].set(edge_index[0].astype(jnp.int32))
  dst = jnp.full((EP,), N_NODES, jnp.int32).at[:n_e].set(dst)
  src = src.reshape(N_CROWS, CHUNK)
  dst = dst.reshape(N_CROWS, CHUNK)

  zeros_f = jnp.zeros((NP, HID), f32)

  y1, z1 = _tc_proj2(xp, W1l.T.astype(f32), W1r.T.astype(f32),
                     b1.reshape(1, HID).astype(f32))
  s1, cnt_h = _segsum_cnt(y1, src, dst, zeros_f)
  cnt = cnt_h.T

  h1, z2 = _tc_combine_proj2(s1, cnt, z1, W2r.T.astype(f32),
                             b2.reshape(1, HID).astype(f32))

  (s2,) = _segsum(h1, src, dst, zeros_f)
  out = _tc_combine_mlp(s2, cnt, z2, W2l.T.astype(f32),
                        Wr1.T.astype(f32), br1.reshape(1, 64).astype(f32),
                        Wr2.T.astype(f32), br2.reshape(1, 32).astype(f32),
                        Wr3.astype(f32), br3.reshape(1, 1).astype(f32))
  return out[:, 0]

# --- scband reference (transcript-rebuilt; emitter-appended) ---
"""Pipeline reference for scband-graph-sagechurn-46291157516325 (READ-ONLY COPY).

The authoritative reference and input builder live on the scoring server;
editing this copy changes nothing except your own understanding.
"""

import jax, jax.numpy as jnp
import numpy as np

N_NODES = 10000
N_EDGES = 160000
IN_CH = 256
HID = 128


def _glorot(key, shape):
    fan_in, fan_out = shape[1], shape[0]
    limit = np.sqrt(6.0 / (fan_in + fan_out))
    return jax.random.uniform(key, shape, jnp.float32, -limit, limit)


def setup_inputs(seed: int = 0) -> dict:
    key = jax.random.key(seed)
    ks = jax.random.split(key, 12)
    x = jax.random.normal(ks[0], (N_NODES, IN_CH), dtype=jnp.float32)
    edge_index = jax.random.randint(ks[1], (2, N_EDGES), 0, N_NODES, dtype=jnp.int64)
    return {
        "x": x,
        "edge_index": edge_index,
        "W1l": _glorot(ks[2], (HID, IN_CH)),
        "W1r": _glorot(ks[3], (HID, IN_CH)),
        "b1": jnp.zeros((HID,), jnp.float32),
        "W2l": _glorot(ks[4], (HID, HID)),
        "W2r": _glorot(ks[5], (HID, HID)),
        "b2": jnp.zeros((HID,), jnp.float32),
        "Wr1": _glorot(ks[6], (64, HID)),
        "br1": jnp.zeros((64,), jnp.float32),
        "Wr2": _glorot(ks[7], (32, 64)),
        "br2": jnp.zeros((32,), jnp.float32),
        "Wr3": _glorot(ks[8], (1, 32)),
        "br3": jnp.zeros((1,), jnp.float32),
    }


def _sage_conv(x, edge_index, Wl, Wr, b):
    src = edge_index[0]
    dst = edge_index[1]
    msg = jnp.take(x, src, axis=0)
    agg = jax.ops.segment_sum(msg, dst, num_segments=N_NODES)
    cnt = jax.ops.segment_sum(jnp.ones((msg.shape[0],), jnp.float32), dst, num_segments=N_NODES)
    mean = agg / jnp.maximum(cnt, 1.0)[:, None]
    return mean @ Wl.T + b + x @ Wr.T


def reference(x, edge_index, W1l, W1r, b1, W2l, W2r, b2, Wr1, br1, Wr2, br2, Wr3, br3):
    h = _sage_conv(x, edge_index, W1l, W1r, b1)
    h = jax.nn.relu(h)
    # dropout is identity in eval mode
    h = _sage_conv(h, edge_index, W2l, W2r, b2)
    h = jax.nn.relu(h @ Wr1.T + br1)
    h = jax.nn.relu(h @ Wr2.T + br2)
    out = h @ Wr3.T + br3
    return out.squeeze(-1)

if __name__ == "__main__":
    import jax
    _d = setup_inputs()
    print(jax.jit(kernel)(*tuple(_d.values())))

</pallas_src>

<mosaic_0001>
#map = affine_map<(d0, d1) -> (0, 0)>
#map1 = affine_map<(d0, d1) -> (0, 0, 0)>
module attributes {stable_mosaic.version = 14 : i64} {
  func.func @body(%arg0: i32, %arg1: i32, %arg2: memref<10000x128xf32, #tpu.memory_space<hbm>>, %arg3: memref<1280x128xi32, #tpu.memory_space<hbm>>, %arg4: memref<1280x128xi32, #tpu.memory_space<hbm>>, %arg5: memref<10240x128xf32, #tpu.memory_space<hbm>>, %arg6: memref<2x10240x128xf32, #tpu.memory_space<hbm>>, %arg7: memref<40x128xi32, #tpu.memory_space<vmem>>, %arg8: memref<40x128xi32, #tpu.memory_space<vmem>>, %arg9: memref<128x128xf32, #tpu.memory_space<vmem>>, %arg10: memref<128x128xf32, #tpu.memory_space<vmem>>, %arg11: memref<10240x128xf32, #tpu.memory_space<vmem_shared>>, %arg12: memref<!tpu.dma_semaphore, #tpu.memory_space<semaphore_mem>>, %arg13: memref<!tpu.dma_semaphore, #tpu.memory_space<semaphore_mem>>) attributes {dimension_semantics = [#tpu.dimension_semantics<core_parallel>, #tpu.dimension_semantics<subcore_parallel>], iteration_bounds = array<i64: 2, 16>, scalar_prefetch = 0 : i64, scratch_operands = 7 : i64, tpu.core_type = #tpu.core_type<sc_vector_subcore>, window_params = [{transform_indices = #map}, {transform_indices = #map}, {transform_indices = #map}, {transform_indices = #map}, {transform_indices = #map1}]} {
    %mul3A = arith.constant 640 : i32
    %mul3A_0 = arith.muli %arg1, %mul3A : i32
    %eq3A = arith.constant 0 : i32
    %eq3A_1 = arith.cmpi eq, %arg0, %eq3A : i32
    %mul3A_2 = arith.constant 40 : i32
    %mul3A_3 = arith.muli %arg1, %mul3A_2 : i32
    %mul3A_4 = arith.constant 40 : i32
    %mul3A_5 = arith.muli %arg1, %mul3A_4 : i32
    %add3A = arith.constant 640 : i32
    %add3A_6 = arith.addi %add3A, %mul3A_5 : i32
    %select_n3A = arith.select %eq3A_1, %mul3A_3, %add3A_6 : i32
    %eq3A_7 = arith.constant 0 : i32
    %eq3A_8 = arith.cmpi eq, %arg0, %eq3A_7 : i32
    %jit3A = arith.constant 40 : i32
    %jit3A_9 = arith.constant 40 : i32
    %select_n3A_10 = arith.select %eq3A_8, %jit3A, %jit3A_9 : i32
    "tpu.region"() ({
      %run_scoped3A = tpu.sem_alloc : memref<!tpu.dma_semaphore, #tpu.memory_space<semaphore_mem>>
      %dma_start3A_68 = arith.constant 0 : i32
      %dma_start3A_69 = tpu.memref_slice %arg11[%mul3A_0, %dma_start3A_68] : memref<10240x128xf32, #tpu.memory_space<vmem_shared>> -> memref<640x128xf32, #tpu.memory_space<vmem_shared>>
      %dma_start3A_70 = arith.constant 0 : i32
      %dma_start3A_71 = tpu.memref_slice %arg5[%mul3A_0, %dma_start3A_70] : memref<10240x128xf32, #tpu.memory_space<hbm>> -> memref<640x128xf32, #tpu.memory_space<hbm>>
      tpu.enqueue_dma source(%dma_start3A_71 : memref<640x128xf32, #tpu.memory_space<hbm>>) target(%dma_start3A_69 : memref<640x128xf32, #tpu.memory_space<vmem_shared>>) target_semaphore(%run_scoped3A : memref<!tpu.dma_semaphore, #tpu.memory_space<semaphore_mem>>)
      %dma_wait3A_72 = arith.constant 0 : i32
      %dma_wait3A_73 = tpu.memref_slice %arg11[%mul3A_0, %dma_wait3A_72] : memref<10240x128xf32, #tpu.memory_space<vmem_shared>> -> memref<640x128xf32, #tpu.memory_space<vmem_shared>>
      %dma_wait3A_74 = arith.constant 0 : i32
      %dma_wait3A_75 = tpu.memref_slice %arg5[%mul3A_0, %dma_wait3A_74] : memref<10240x128xf32, #tpu.memory_space<hbm>> -> memref<640x128xf32, #tpu.memory_space<hbm>>
      tpu.wait_dma2 semaphore(%run_scoped3A : memref<!tpu.dma_semaphore, #tpu.memory_space<semaphore_mem>>) src(%dma_wait3A_75 : memref<640x128xf32, #tpu.memory_space<hbm>>) dst(%dma_wait3A_73 : memref<640x128xf32, #tpu.memory_space<vmem_shared>>)
      tpu.yield
    }) : () -> ()
    %broadcast_in_dim3A = arith.constant 1.000000e+00 : f32
    %broadcast_in_dim3A_11 = vector.broadcast %broadcast_in_dim3A : f32 to vector<16xf32>
    %broadcast_in_dim3A_12 = arith.constant 0.000000e+00 : f32
    %broadcast_in_dim3A_13 = vector.broadcast %broadcast_in_dim3A_12 : f32 to vector<16xf32>
    %barrier3A = arith.constant 0 : index
    tpu.barrier barrier_id(%barrier3A)
    "tpu.region"() ({
      %run_scoped3A = tpu.sem_alloc : memref<!tpu.dma_semaphore, #tpu.memory_space<semaphore_mem>>
      %dma_start3A_68 = arith.constant 0 : i32
      %dma_start3A_69 = tpu.memref_slice %arg3[%select_n3A, %dma_start3A_68] : memref<1280x128xi32, #tpu.memory_space<hbm>> -> memref<40x128xi32, #tpu.memory_space<hbm>>
      %dma_start3A_70 = arith.constant 0 : i32
      %dma_start3A_71 = tpu.memref_slice %arg3[%select_n3A, %dma_start3A_70] : memref<1280x128xi32, #tpu.memory_space<hbm>> -> memref<40x128xi32, #tpu.memory_space<hbm>>
      tpu.enqueue_dma source(%dma_start3A_71 : memref<40x128xi32, #tpu.memory_space<hbm>>) target(%arg7 : memref<40x128xi32, #tpu.memory_space<vmem>>) target_semaphore(%run_scoped3A : memref<!tpu.dma_semaphore, #tpu.memory_space<semaphore_mem>>)
      %dma_wait3A_72 = arith.constant 0 : i32
      %dma_wait3A_73 = tpu.memref_slice %arg3[%select_n3A, %dma_wait3A_72] : memref<1280x128xi32, #tpu.memory_space<hbm>> -> memref<40x128xi32, #tpu.memory_space<hbm>>
      %dma_wait3A_74 = arith.constant 0 : i32
      %dma_wait3A_75 = tpu.memref_slice %arg3[%select_n3A, %dma_wait3A_74] : memref<1280x128xi32, #tpu.memory_space<hbm>> -> memref<40x128xi32, #tpu.memory_space<hbm>>
      tpu.wait_dma2 semaphore(%run_scoped3A : memref<!tpu.dma_semaphore, #tpu.memory_space<semaphore_mem>>) src(%dma_wait3A_75 : memref<40x128xi32, #tpu.memory_space<hbm>>) dst(%arg7 : memref<40x128xi32, #tpu.memory_space<vmem>>)
      tpu.yield
    }) : () -> ()
    "tpu.region"() ({
      %run_scoped3A = tpu.sem_alloc : memref<!tpu.dma_semaphore, #tpu.memory_space<semaphore_mem>>
      %dma_start3A_68 = arith.constant 0 : i32
      %dma_start3A_69 = tpu.memref_slice %arg4[%select_n3A, %dma_start3A_68] : memref<1280x128xi32, #tpu.memory_space<hbm>> -> memref<40x128xi32, #tpu.memory_space<hbm>>
      %dma_start3A_70 = arith.constant 0 : i32
      %dma_start3A_71 = tpu.memref_slice %arg4[%select_n3A, %dma_start3A_70] : memref<1280x128xi32, #tpu.memory_space<hbm>> -> memref<40x128xi32, #tpu.memory_space<hbm>>
      tpu.enqueue_dma source(%dma_start3A_71 : memref<40x128xi32, #tpu.memory_space<hbm>>) target(%arg8 : memref<40x128xi32, #tpu.memory_space<vmem>>) target_semaphore(%run_scoped3A : memref<!tpu.dma_semaphore, #tpu.memory_space<semaphore_mem>>)
      %dma_wait3A_72 = arith.constant 0 : i32
      %dma_wait3A_73 = tpu.memref_slice %arg4[%select_n3A, %dma_wait3A_72] : memref<1280x128xi32, #tpu.memory_space<hbm>> -> memref<40x128xi32, #tpu.memory_space<hbm>>
      %dma_wait3A_74 = arith.constant 0 : i32
      %dma_wait3A_75 = tpu.memref_slice %arg4[%select_n3A, %dma_wait3A_74] : memref<1280x128xi32, #tpu.memory_space<hbm>> -> memref<40x128xi32, #tpu.memory_space<hbm>>
      tpu.wait_dma2 semaphore(%run_scoped3A : memref<!tpu.dma_semaphore, #tpu.memory_space<semaphore_mem>>) src(%dma_wait3A_75 : memref<40x128xi32, #tpu.memory_space<hbm>>) dst(%arg8 : memref<40x128xi32, #tpu.memory_space<vmem>>)
      tpu.yield
    }) : () -> ()
    %dma_start3A = arith.constant 0 : i32
    %dma_start3A_14 = arith.constant 0 : i32
    %dma_start3A_15 = tpu.memref_slice %arg7[%dma_start3A, %dma_start3A_14] : memref<40x128xi32, #tpu.memory_space<vmem>> -> memref<1x128xi32, #tpu.memory_space<vmem>>
    %dma_start3A_16 = tpu.memref_squeeze %dma_start3A_15 : memref<1x128xi32, #tpu.memory_space<vmem>> -> memref<128xi32, #tpu.memory_space<vmem>>
    %dma_start3A_17 = arith.constant 0 : i32
    %dma_start3A_18 = arith.constant 0 : i32
    %dma_start3A_19 = tpu.memref_slice %arg2[%dma_start3A_17, %dma_start3A_18] : memref<10000x128xf32, #tpu.memory_space<hbm>> -> memref<10000x128xf32, #tpu.memory_space<hbm>>
    tpu.enqueue_indirect_dma source(%dma_start3A_19 : memref<10000x128xf32, #tpu.memory_space<hbm>>) target(%arg9 : memref<128x128xf32, #tpu.memory_space<vmem>>) offsets(%dma_start3A_16 : memref<128xi32, #tpu.memory_space<vmem>>) semaphore(%arg12 : memref<!tpu.dma_semaphore, #tpu.memory_space<semaphore_mem>>)
    %dma_start3A_20 = arith.constant 1 : i32
    %dma_start3A_21 = arith.constant 0 : i32
    %dma_start3A_22 = tpu.memref_slice %arg7[%dma_start3A_20, %dma_start3A_21] : memref<40x128xi32, #tpu.memory_space<vmem>> -> memref<1x128xi32, #tpu.memory_space<vmem>>
    %dma_start3A_23 = tpu.memref_squeeze %dma_start3A_22 : memref<1x128xi32, #tpu.memory_space<vmem>> -> memref<128xi32, #tpu.memory_space<vmem>>
    %dma_start3A_24 = arith.constant 0 : i32
    %dma_start3A_25 = arith.constant 0 : i32
    %dma_start3A_26 = tpu.memref_slice %arg2[%dma_start3A_24, %dma_start3A_25] : memref<10000x128xf32, #tpu.memory_space<hbm>> -> memref<10000x128xf32, #tpu.memory_space<hbm>>
    tpu.enqueue_indirect_dma source(%dma_start3A_26 : memref<10000x128xf32, #tpu.memory_space<hbm>>) target(%arg10 : memref<128x128xf32, #tpu.memory_space<vmem>>) offsets(%dma_start3A_23 : memref<128xi32, #tpu.memory_space<vmem>>) semaphore(%arg13 : memref<!tpu.dma_semaphore, #tpu.memory_space<semaphore_mem>>)
    %jit3A_27 = arith.constant 2 : i32
    %div3A = arith.divsi %select_n3A_10, %jit3A_27 : i32
    %sign3A = arith.constant 0 : i32
    %sign3A_28 = arith.cmpi sgt, %select_n3A_10, %sign3A : i32
    %sign3A_29 = arith.extui %sign3A_28 : i1 to i32
    %sign3A_30 = arith.constant 0 : i32
    %sign3A_31 = arith.cmpi slt, %select_n3A_10, %sign3A_30 : i32
    %sign3A_32 = arith.extui %sign3A_31 : i1 to i32
    %sign3A_33 = arith.subi %sign3A_29, %sign3A_32 : i32
    %sign3A_34 = arith.constant 0 : i32
    %sign3A_35 = arith.cmpi sgt, %jit3A_27, %sign3A_34 : i32
    %sign3A_36 = arith.extui %sign3A_35 : i1 to i32
    %sign3A_37 = arith.constant 0 : i32
    %sign3A_38 = arith.cmpi slt, %jit3A_27, %sign3A_37 : i32
    %sign3A_39 = arith.extui %sign3A_38 : i1 to i32
    %sign3A_40 = arith.subi %sign3A_36, %sign3A_39 : i32
    %ne3A = arith.cmpi ne, %sign3A_33, %sign3A_40 : i32
    %rem3A = arith.remsi %select_n3A_10, %jit3A_27 : i32
    %ne3A_41 = arith.constant 0 : i32
    %ne3A_42 = arith.cmpi ne, %rem3A, %ne3A_41 : i32
    %and3A = arith.andi %ne3A, %ne3A_42 : i1
    %sub3A = arith.constant 1 : i32
    %sub3A_43 = arith.subi %div3A, %sub3A : i32
    %select_n3A_44 = arith.select %and3A, %sub3A_43, %div3A : i32
    %while3A = arith.constant 0 : i32
    %while3A_45 = arith.constant 0 : i32
    %while3A_46 = arith.subi %select_n3A_44, %while3A_45 : i32
    %while3A_47 = arith.addi %while3A_45, %while3A_46 : i32
    %while3A_48 = arith.constant 1 : i32
    %while3A_49 = arith.divsi %while3A_46, %while3A_48 : i32
    %while3A_50 = arith.muli %while3A_49, %while3A_48 : i32
    %while3A_51 = arith.addi %while3A_45, %while3A_50 : i32
    %while3A_52 = arith.constant 1 : i32
    scf.for %while3A_68 = %while3A_45 to %while3A_51 step %while3A_52  : i32 {
      %mul3A_69 = arith.constant 2 : i32
      %mul3A_70 = arith.muli %mul3A_69, %while3A_68 : i32
      %add3A_71 = arith.constant 0 : i32
      %add3A_72 = arith.addi %mul3A_70, %add3A_71 : i32
      %dma_wait3A_73 = arith.constant 0 : i32
      %dma_wait3A_74 = tpu.memref_slice %arg7[%add3A_72, %dma_wait3A_73] : memref<40x128xi32, #tpu.memory_space<vmem>> -> memref<1x128xi32, #tpu.memory_space<vmem>>
      %dma_wait3A_75 = tpu.memref_squeeze %dma_wait3A_74 : memref<1x128xi32, #tpu.memory_space<vmem>> -> memref<128xi32, #tpu.memory_space<vmem>>
      %dma_wait3A_76 = arith.constant 0 : i32
      %dma_wait3A_77 = arith.constant 0 : i32
      %dma_wait3A_78 = tpu.memref_slice %arg2[%dma_wait3A_76, %dma_wait3A_77] : memref<10000x128xf32, #tpu.memory_space<hbm>> -> memref<10000x128xf32, #tpu.memory_space<hbm>>
      tpu.wait_indirect_dma semaphore(%arg12 : memref<!tpu.dma_semaphore, #tpu.memory_space<semaphore_mem>>) src(%dma_wait3A_78 : memref<10000x128xf32, #tpu.memory_space<hbm>>) dst(%arg9 : memref<128x128xf32, #tpu.memory_space<vmem>>)
      "tpu.region"() ({
        %run_scoped3A = tpu.sem_alloc : memref<!tpu.dma_semaphore, #tpu.memory_space<semaphore_mem>>
        %dma_start3A_110 = arith.constant 0 : i32
        %dma_start3A_111 = tpu.memref_slice %arg8[%add3A_72, %dma_start3A_110] : memref<40x128xi32, #tpu.memory_space<vmem>> -> memref<1x128xi32, #tpu.memory_space<vmem>>
        %dma_start3A_112 = tpu.memref_squeeze %dma_start3A_111 : memref<1x128xi32, #tpu.memory_space<vmem>> -> memref<128xi32, #tpu.memory_space<vmem>>
        %dma_start3A_113 = arith.constant 0 : i32
        %dma_start3A_114 = arith.constant 0 : i32
        %dma_start3A_115 = tpu.memref_slice %arg11[%dma_start3A_113, %dma_start3A_114] : memref<10240x128xf32, #tpu.memory_space<vmem_shared>> -> memref<10240x128xf32, #tpu.memory_space<vmem_shared>>
        tpu.enqueue_indirect_dma source(%arg9 : memref<128x128xf32, #tpu.memory_space<vmem>>) target(%dma_start3A_115 : memref<10240x128xf32, #tpu.memory_space<vmem_shared>>) offsets(%dma_start3A_112 : memref<128xi32, #tpu.memory_space<vmem>>) semaphore(%run_scoped3A : memref<!tpu.dma_semaphore, #tpu.memory_space<semaphore_mem>>) {add = true}
        %dma_wait3A_116 = arith.constant 0 : i32
        %dma_wait3A_117 = tpu.memref_slice %arg8[%add3A_72, %dma_wait3A_116] : memref<40x128xi32, #tpu.memory_space<vmem>> -> memref<1x128xi32, #tpu.memory_space<vmem>>
        %dma_wait3A_118 = tpu.memref_squeeze %dma_wait3A_117 : memref<1x128xi32, #tpu.memory_space<vmem>> -> memref<128xi32, #tpu.memory_space<vmem>>
        %dma_wait3A_119 = arith.constant 0 : i32
        %dma_wait3A_120 = arith.constant 0 : i32
        %dma_wait3A_121 = tpu.memref_slice %arg11[%dma_wait3A_119, %dma_wait3A_120] : memref<10240x128xf32, #tpu.memory_space<vmem_shared>> -> memref<10240x128xf32, #tpu.memory_space<vmem_shared>>
        tpu.wait_indirect_dma semaphore(%run_scoped3A : memref<!tpu.dma_semaphore, #tpu.memory_space<semaphore_mem>>) src(%arg9 : memref<128x128xf32, #tpu.memory_space<vmem>>) dst(%dma_wait3A_121 : memref<10240x128xf32, #tpu.memory_space<vmem_shared>>)
        tpu.yield
      }) : () -> ()
      %add3A_79 = arith.constant 2 : i32
      %add3A_80 = arith.addi %add3A_72, %add3A_79 : i32
      %sub3A_81 = arith.constant 1 : i32
      %sub3A_82 = arith.subi %select_n3A_10, %sub3A_81 : i32
      %min3A = arith.minsi %add3A_80, %sub3A_82 : i32
      %dma_start3A_83 = arith.constant 0 : i32
      %dma_start3A_84 = tpu.memref_slice %arg7[%min3A, %dma_start3A_83] : memref<40x128xi32, #tpu.memory_space<vmem>> -> memref<1x128xi32, #tpu.memory_space<vmem>>
      %dma_start3A_85 = tpu.memref_squeeze %dma_start3A_84 : memref<1x128xi32, #tpu.memory_space<vmem>> -> memref<128xi32, #tpu.memory_space<vmem>>
      %dma_start3A_86 = arith.constant 0 : i32
      %dma_start3A_87 = arith.constant 0 : i32
      %dma_start3A_88 = tpu.memref_slice %arg2[%dma_start3A_86, %dma_start3A_87] : memref<10000x128xf32, #tpu.memory_space<hbm>> -> memref<10000x128xf32, #tpu.memory_space<hbm>>
      tpu.enqueue_indirect_dma source(%dma_start3A_88 : memref<10000x128xf32, #tpu.memory_space<hbm>>) target(%arg9 : memref<128x128xf32, #tpu.memory_space<vmem>>) offsets(%dma_start3A_85 : memref<128xi32, #tpu.memory_space<vmem>>) semaphore(%arg12 : memref<!tpu.dma_semaphore, #tpu.memory_space<semaphore_mem>>)
      %mul3A_89 = arith.constant 2 : i32
      %mul3A_90 = arith.muli %mul3A_89, %while3A_68 : i32
      %add3A_91 = arith.constant 1 : i32
      %add3A_92 = arith.addi %mul3A_90, %add3A_91 : i32
      %dma_wait3A_93 = arith.constant 0 : i32
      %dma_wait3A_94 = tpu.memref_slice %arg7[%add3A_92, %dma_wait3A_93] : memref<40x128xi32, #tpu.memory_space<vmem>> -> memref<1x128xi32, #tpu.memory_space<vmem>>
      %dma_wait3A_95 = tpu.memref_squeeze %dma_wait3A_94 : memref<1x128xi32, #tpu.memory_space<vmem>> -> memref<128xi32, #tpu.memory_space<vmem>>
      %dma_wait3A_96 = arith.constant 0 : i32
      %dma_wait3A_97 = arith.constant 0 : i32
      %dma_wait3A_98 = tpu.memref_slice %arg2[%dma_wait3A_96, %dma_wait3A_97] : memref<10000x128xf32, #tpu.memory_space<hbm>> -> memref<10000x128xf32, #tpu.memory_space<hbm>>
      tpu.wait_indirect_dma semaphore(%arg13 : memref<!tpu.dma_semaphore, #tpu.memory_space<semaphore_mem>>) src(%dma_wait3A_98 : memref<10000x128xf32, #tpu.memory_space<hbm>>) dst(%arg10 : memref<128x128xf32, #tpu.memory_space<vmem>>)
      "tpu.region"() ({
        %run_scoped3A = tpu.sem_alloc : memref<!tpu.dma_semaphore, #tpu.memory_space<semaphore_mem>>
        %dma_start3A_110 = arith.constant 0 : i32
        %dma_start3A_111 = tpu.memref_slice %arg8[%add3A_92, %dma_start3A_110] : memref<40x128xi32, #tpu.memory_space<vmem>> -> memref<1x128xi32, #tpu.memory_space<vmem>>
        %dma_start3A_112 = tpu.memref_squeeze %dma_start3A_111 : memref<1x128xi32, #tpu.memory_space<vmem>> -> memref<128xi32, #tpu.memory_space<vmem>>
        %dma_start3A_113 = arith.constant 0 : i32
        %dma_start3A_114 = arith.constant 0 : i32
        %dma_start3A_115 = tpu.memref_slice %arg11[%dma_start3A_113, %dma_start3A_114] : memref<10240x128xf32, #tpu.memory_space<vmem_shared>> -> memref<10240x128xf32, #tpu.memory_space<vmem_shared>>
        tpu.enqueue_indirect_dma source(%arg10 : memref<128x128xf32, #tpu.memory_space<vmem>>) target(%dma_start3A_115 : memref<10240x128xf32, #tpu.memory_space<vmem_shared>>) offsets(%dma_start3A_112 : memref<128xi32, #tpu.memory_space<vmem>>) semaphore(%run_scoped3A : memref<!tpu.dma_semaphore, #tpu.memory_space<semaphore_mem>>) {add = true}
        %dma_wait3A_116 = arith.constant 0 : i32
        %dma_wait3A_117 = tpu.memref_slice %arg8[%add3A_92, %dma_wait3A_116] : memref<40x128xi32, #tpu.memory_space<vmem>> -> memref<1x128xi32, #tpu.memory_space<vmem>>
        %dma_wait3A_118 = tpu.memref_squeeze %dma_wait3A_117 : memref<1x128xi32, #tpu.memory_space<vmem>> -> memref<128xi32, #tpu.memory_space<vmem>>
        %dma_wait3A_119 = arith.constant 0 : i32
        %dma_wait3A_120 = arith.constant 0 : i32
        %dma_wait3A_121 = tpu.memref_slice %arg11[%dma_wait3A_119, %dma_wait3A_120] : memref<10240x128xf32, #tpu.memory_space<vmem_shared>> -> memref<10240x128xf32, #tpu.memory_space<vmem_shared>>
        tpu.wait_indirect_dma semaphore(%run_scoped3A : memref<!tpu.dma_semaphore, #tpu.memory_space<semaphore_mem>>) src(%arg10 : memref<128x128xf32, #tpu.memory_space<vmem>>) dst(%dma_wait3A_121 : memref<10240x128xf32, #tpu.memory_space<vmem_shared>>)
        tpu.yield
      }) : () -> ()
      %add3A_99 = arith.constant 2 : i32
      %add3A_100 = arith.addi %add3A_92, %add3A_99 : i32
      %sub3A_101 = arith.constant 1 : i32
      %sub3A_102 = arith.subi %select_n3A_10, %sub3A_101 : i32
      %min3A_103 = arith.minsi %add3A_100, %sub3A_102 : i32
      %dma_start3A_104 = arith.constant 0 : i32
      %dma_start3A_105 = tpu.memref_slice %arg7[%min3A_103, %dma_start3A_104] : memref<40x128xi32, #tpu.memory_space<vmem>> -> memref<1x128xi32, #tpu.memory_space<vmem>>
      %dma_start3A_106 = tpu.memref_squeeze %dma_start3A_105 : memref<1x128xi32, #tpu.memory_space<vmem>> -> memref<128xi32, #tpu.memory_space<vmem>>
      %dma_start3A_107 = arith.constant 0 : i32
      %dma_start3A_108 = arith.constant 0 : i32
      %dma_start3A_109 = tpu.memref_slice %arg2[%dma_start3A_107, %dma_start3A_108] : memref<10000x128xf32, #tpu.memory_space<hbm>> -> memref<10000x128xf32, #tpu.memory_space<hbm>>
      tpu.enqueue_indirect_dma source(%dma_start3A_109 : memref<10000x128xf32, #tpu.memory_space<hbm>>) target(%arg10 : memref<128x128xf32, #tpu.memory_space<vmem>>) offsets(%dma_start3A_106 : memref<128xi32, #tpu.memory_space<vmem>>) semaphore(%arg13 : memref<!tpu.dma_semaphore, #tpu.memory_space<semaphore_mem>>)
    }
    %while3A_53 = arith.constant 1 : i32
    scf.for %while3A_68 = %while3A_51 to %while3A_47 step %while3A_53  : i32 {
      %mul3A_69 = arith.constant 2 : i32
      %mul3A_70 = arith.muli %mul3A_69, %while3A_68 : i32
      %add3A_71 = arith.constant 0 : i32
      %add3A_72 = arith.addi %mul3A_70, %add3A_71 : i32
      %dma_wait3A_73 = arith.constant 0 : i32
      %dma_wait3A_74 = tpu.memref_slice %arg7[%add3A_72, %dma_wait3A_73] : memref<40x128xi32, #tpu.memory_space<vmem>> -> memref<1x128xi32, #tpu.memory_space<vmem>>
      %dma_wait3A_75 = tpu.memref_squeeze %dma_wait3A_74 : memref<1x128xi32, #tpu.memory_space<vmem>> -> memref<128xi32, #tpu.memory_space<vmem>>
      %dma_wait3A_76 = arith.constant 0 : i32
      %dma_wait3A_77 = arith.constant 0 : i32
      %dma_wait3A_78 = tpu.memref_slice %arg2[%dma_wait3A_76, %dma_wait3A_77] : memref<10000x128xf32, #tpu.memory_space<hbm>> -> memref<10000x128xf32, #tpu.memory_space<hbm>>
      tpu.wait_indirect_dma semaphore(%arg12 : memref<!tpu.dma_semaphore, #tpu.memory_space<semaphore_mem>>) src(%dma_wait3A_78 : memref<10000x128xf32, #tpu.memory_space<hbm>>) dst(%arg9 : memref<128x128xf32, #tpu.memory_space<vmem>>)
      "tpu.region"() ({
        %run_scoped3A = tpu.sem_alloc : memref<!tpu.dma_semaphore, #tpu.memory_space<semaphore_mem>>
        %dma_start3A_110 = arith.constant 0 : i32
        %dma_start3A_111 = tpu.memref_slice %arg8[%add3A_72, %dma_start3A_110] : memref<40x128xi32, #tpu.memory_space<vmem>> -> memref<1x128xi32, #tpu.memory_space<vmem>>
        %dma_start3A_112 = tpu.memref_squeeze %dma_start3A_111 : memref<1x128xi32, #tpu.memory_space<vmem>> -> memref<128xi32, #tpu.memory_space<vmem>>
        %dma_start3A_113 = arith.constant 0 : i32
        %dma_start3A_114 = arith.constant 0 : i32
        %dma_start3A_115 = tpu.memref_slice %arg11[%dma_start3A_113, %dma_start3A_114] : memref<10240x128xf32, #tpu.memory_space<vmem_shared>> -> memref<10240x128xf32, #tpu.memory_space<vmem_shared>>
        tpu.enqueue_indirect_dma source(%arg9 : memref<128x128xf32, #tpu.memory_space<vmem>>) target(%dma_start3A_115 : memref<10240x128xf32, #tpu.memory_space<vmem_shared>>) offsets(%dma_start3A_112 : memref<128xi32, #tpu.memory_space<vmem>>) semaphore(%run_scoped3A : memref<!tpu.dma_semaphore, #tpu.memory_space<semaphore_mem>>) {add = true}
        %dma_wait3A_116 = arith.constant 0 : i32
        %dma_wait3A_117 = tpu.memref_slice %arg8[%add3A_72, %dma_wait3A_116] : memref<40x128xi32, #tpu.memory_space<vmem>> -> memref<1x128xi32, #tpu.memory_space<vmem>>
        %dma_wait3A_118 = tpu.memref_squeeze %dma_wait3A_117 : memref<1x128xi32, #tpu.memory_space<vmem>> -> memref<128xi32, #tpu.memory_space<vmem>>
        %dma_wait3A_119 = arith.constant 0 : i32
        %dma_wait3A_120 = arith.constant 0 : i32
        %dma_wait3A_121 = tpu.memref_slice %arg11[%dma_wait3A_119, %dma_wait3A_120] : memref<10240x128xf32, #tpu.memory_space<vmem_shared>> -> memref<10240x128xf32, #tpu.memory_space<vmem_shared>>
        tpu.wait_indirect_dma semaphore(%run_scoped3A : memref<!tpu.dma_semaphore, #tpu.memory_space<semaphore_mem>>) src(%arg9 : memref<128x128xf32, #tpu.memory_space<vmem>>) dst(%dma_wait3A_121 : memref<10240x128xf32, #tpu.memory_space<vmem_shared>>)
        tpu.yield
      }) : () -> ()
      %add3A_79 = arith.constant 2 : i32
      %add3A_80 = arith.addi %add3A_72, %add3A_79 : i32
      %sub3A_81 = arith.constant 1 : i32
      %sub3A_82 = arith.subi %select_n3A_10, %sub3A_81 : i32
      %min3A = arith.minsi %add3A_80, %sub3A_82 : i32
      %dma_start3A_83 = arith.constant 0 : i32
      %dma_start3A_84 = tpu.memref_slice %arg7[%min3A, %dma_start3A_83] : memref<40x128xi32, #tpu.memory_space<vmem>> -> memref<1x128xi32, #tpu.memory_space<vmem>>
      %dma_start3A_85 = tpu.memref_squeeze %dma_start3A_84 : memref<1x128xi32, #tpu.memory_space<vmem>> -> memref<128xi32, #tpu.memory_space<vmem>>
      %dma_start3A_86 = arith.constant 0 : i32
      %dma_start3A_87 = arith.constant 0 : i32
      %dma_start3A_88 = tpu.memref_slice %arg2[%dma_start3A_86, %dma_start3A_87] : memref<10000x128xf32, #tpu.memory_space<hbm>> -> memref<10000x128xf32, #tpu.memory_space<hbm>>
      tpu.enqueue_indirect_dma source(%dma_start3A_88 : memref<10000x128xf32, #tpu.memory_space<hbm>>) target(%arg9 : memref<128x128xf32, #tpu.memory_space<vmem>>) offsets(%dma_start3A_85 : memref<128xi32, #tpu.memory_space<vmem>>) semaphore(%arg12 : memref<!tpu.dma_semaphore, #tpu.memory_space<semaphore_mem>>)
      %mul3A_89 = arith.constant 2 : i32
      %mul3A_90 = arith.muli %mul3A_89, %while3A_68 : i32
      %add3A_91 = arith.constant 1 : i32
      %add3A_92 = arith.addi %mul3A_90, %add3A_91 : i32
      %dma_wait3A_93 = arith.constant 0 : i32
      %dma_wait3A_94 = tpu.memref_slice %arg7[%add3A_92, %dma_wait3A_93] : memref<40x128xi32, #tpu.memory_space<vmem>> -> memref<1x128xi32, #tpu.memory_space<vmem>>
      %dma_wait3A_95 = tpu.memref_squeeze %dma_wait3A_94 : memref<1x128xi32, #tpu.memory_space<vmem>> -> memref<128xi32, #tpu.memory_space<vmem>>
      %dma_wait3A_96 = arith.constant 0 : i32
      %dma_wait3A_97 = arith.constant 0 : i32
      %dma_wait3A_98 = tpu.memref_slice %arg2[%dma_wait3A_96, %dma_wait3A_97] : memref<10000x128xf32, #tpu.memory_space<hbm>> -> memref<10000x128xf32, #tpu.memory_space<hbm>>
      tpu.wait_indirect_dma semaphore(%arg13 : memref<!tpu.dma_semaphore, #tpu.memory_space<semaphore_mem>>) src(%dma_wait3A_98 : memref<10000x128xf32, #tpu.memory_space<hbm>>) dst(%arg10 : memref<128x128xf32, #tpu.memory_space<vmem>>)
      "tpu.region"() ({
        %run_scoped3A = tpu.sem_alloc : memref<!tpu.dma_semaphore, #tpu.memory_space<semaphore_mem>>
        %dma_start3A_110 = arith.constant 0 : i32
        %dma_start3A_111 = tpu.memref_slice %arg8[%add3A_92, %dma_start3A_110] : memref<40x128xi32, #tpu.memory_space<vmem>> -> memref<1x128xi32, #tpu.memory_space<vmem>>
        %dma_start3A_112 = tpu.memref_squeeze %dma_start3A_111 : memref<1x128xi32, #tpu.memory_space<vmem>> -> memref<128xi32, #tpu.memory_space<vmem>>
        %dma_start3A_113 = arith.constant 0 : i32
        %dma_start3A_114 = arith.constant 0 : i32
        %dma_start3A_115 = tpu.memref_slice %arg11[%dma_start3A_113, %dma_start3A_114] : memref<10240x128xf32, #tpu.memory_space<vmem_shared>> -> memref<10240x128xf32, #tpu.memory_space<vmem_shared>>
        tpu.enqueue_indirect_dma source(%arg10 : memref<128x128xf32, #tpu.memory_space<vmem>>) target(%dma_start3A_115 : memref<10240x128xf32, #tpu.memory_space<vmem_shared>>) offsets(%dma_start3A_112 : memref<128xi32, #tpu.memory_space<vmem>>) semaphore(%run_scoped3A : memref<!tpu.dma_semaphore, #tpu.memory_space<semaphore_mem>>) {add = true}
        %dma_wait3A_116 = arith.constant 0 : i32
        %dma_wait3A_117 = tpu.memref_slice %arg8[%add3A_92, %dma_wait3A_116] : memref<40x128xi32, #tpu.memory_space<vmem>> -> memref<1x128xi32, #tpu.memory_space<vmem>>
        %dma_wait3A_118 = tpu.memref_squeeze %dma_wait3A_117 : memref<1x128xi32, #tpu.memory_space<vmem>> -> memref<128xi32, #tpu.memory_space<vmem>>
        %dma_wait3A_119 = arith.constant 0 : i32
        %dma_wait3A_120 = arith.constant 0 : i32
        %dma_wait3A_121 = tpu.memref_slice %arg11[%dma_wait3A_119, %dma_wait3A_120] : memref<10240x128xf32, #tpu.memory_space<vmem_shared>> -> memref<10240x128xf32, #tpu.memory_space<vmem_shared>>
        tpu.wait_indirect_dma semaphore(%run_scoped3A : memref<!tpu.dma_semaphore, #tpu.memory_space<semaphore_mem>>) src(%arg10 : memref<128x128xf32, #tpu.memory_space<vmem>>) dst(%dma_wait3A_121 : memref<10240x128xf32, #tpu.memory_space<vmem_shared>>)
        tpu.yield
      }) : () -> ()
      %add3A_99 = arith.constant 2 : i32
      %add3A_100 = arith.addi %add3A_92, %add3A_99 : i32
      %sub3A_101 = arith.constant 1 : i32
      %sub3A_102 = arith.subi %select_n3A_10, %sub3A_101 : i32
      %min3A_103 = arith.minsi %add3A_100, %sub3A_102 : i32
      %dma_start3A_104 = arith.constant 0 : i32
      %dma_start3A_105 = tpu.memref_slice %arg7[%min3A_103, %dma_start3A_104] : memref<40x128xi32, #tpu.memory_space<vmem>> -> memref<1x128xi32, #tpu.memory_space<vmem>>
      %dma_start3A_106 = tpu.memref_squeeze %dma_start3A_105 : memref<1x128xi32, #tpu.memory_space<vmem>> -> memref<128xi32, #tpu.memory_space<vmem>>
      %dma_start3A_107 = arith.constant 0 : i32
      %dma_start3A_108 = arith.constant 0 : i32
      %dma_start3A_109 = tpu.memref_slice %arg2[%dma_start3A_107, %dma_start3A_108] : memref<10000x128xf32, #tpu.memory_space<hbm>> -> memref<10000x128xf32, #tpu.memory_space<hbm>>
      tpu.enqueue_indirect_dma source(%dma_start3A_109 : memref<10000x128xf32, #tpu.memory_space<hbm>>) target(%arg10 : memref<128x128xf32, #tpu.memory_space<vmem>>) offsets(%dma_start3A_106 : memref<128xi32, #tpu.memory_space<vmem>>) semaphore(%arg13 : memref<!tpu.dma_semaphore, #tpu.memory_space<semaphore_mem>>)
    }
    %dma_wait3A = arith.constant 0 : i32
    %dma_wait3A_54 = arith.constant 0 : i32
    %dma_wait3A_55 = tpu.memref_slice %arg7[%dma_wait3A, %dma_wait3A_54] : memref<40x128xi32, #tpu.memory_space<vmem>> -> memref<1x128xi32, #tpu.memory_space<vmem>>
    %dma_wait3A_56 = tpu.memref_squeeze %dma_wait3A_55 : memref<1x128xi32, #tpu.memory_space<vmem>> -> memref<128xi32, #tpu.memory_space<vmem>>
    %dma_wait3A_57 = arith.constant 0 : i32
    %dma_wait3A_58 = arith.constant 0 : i32
    %dma_wait3A_59 = tpu.memref_slice %arg2[%dma_wait3A_57, %dma_wait3A_58] : memref<10000x128xf32, #tpu.memory_space<hbm>> -> memref<10000x128xf32, #tpu.memory_space<hbm>>
    tpu.wait_indirect_dma semaphore(%arg12 : memref<!tpu.dma_semaphore, #tpu.memory_space<semaphore_mem>>) src(%dma_wait3A_59 : memref<10000x128xf32, #tpu.memory_space<hbm>>) dst(%arg9 : memref<128x128xf32, #tpu.memory_space<vmem>>)
    %dma_wait3A_60 = arith.constant 0 : i32
    %dma_wait3A_61 = arith.constant 0 : i32
    %dma_wait3A_62 = tpu.memref_slice %arg7[%dma_wait3A_60, %dma_wait3A_61] : memref<40x128xi32, #tpu.memory_space<vmem>> -> memref<1x128xi32, #tpu.memory_space<vmem>>
    %dma_wait3A_63 = tpu.memref_squeeze %dma_wait3A_62 : memref<1x128xi32, #tpu.memory_space<vmem>> -> memref<128xi32, #tpu.memory_space<vmem>>
    %dma_wait3A_64 = arith.constant 0 : i32
    %dma_wait3A_65 = arith.constant 0 : i32
    %dma_wait3A_66 = tpu.memref_slice %arg2[%dma_wait3A_64, %dma_wait3A_65] : memref<10000x128xf32, #tpu.memory_space<hbm>> -> memref<10000x128xf32, #tpu.memory_space<hbm>>
    tpu.wait_indirect_dma semaphore(%arg13 : memref<!tpu.dma_semaphore, #tpu.memory_space<semaphore_mem>>) src(%dma_wait3A_66 : memref<10000x128xf32, #tpu.memory_space<hbm>>) dst(%arg10 : memref<128x128xf32, #tpu.memory_space<vmem>>)
    %barrier3A_67 = arith.constant 0 : index
    tpu.barrier barrier_id(%barrier3A_67)
    "tpu.region"() ({
      %run_scoped3A = tpu.sem_alloc : memref<!tpu.dma_semaphore, #tpu.memory_space<semaphore_mem>>
      %dma_start3A_68 = arith.constant 0 : i32
      %dma_start3A_69 = tpu.memref_slice %arg6[%arg0, %mul3A_0, %dma_start3A_68] : memref<2x10240x128xf32, #tpu.memory_space<hbm>> -> memref<1x640x128xf32, #tpu.memory_space<hbm>>
      %dma_start3A_70 = tpu.memref_squeeze %dma_start3A_69 : memref<1x640x128xf32, #tpu.memory_space<hbm>> -> memref<640x128xf32, #tpu.memory_space<hbm>>
      %dma_start3A_71 = arith.constant 0 : i32
      %dma_start3A_72 = tpu.memref_slice %arg11[%mul3A_0, %dma_start3A_71] : memref<10240x128xf32, #tpu.memory_space<vmem_shared>> -> memref<640x128xf32, #tpu.memory_space<vmem_shared>>
      tpu.enqueue_dma source(%dma_start3A_72 : memref<640x128xf32, #tpu.memory_space<vmem_shared>>) target(%dma_start3A_70 : memref<640x128xf32, #tpu.memory_space<hbm>>) target_semaphore(%run_scoped3A : memref<!tpu.dma_semaphore, #tpu.memory_space<semaphore_mem>>)
      %dma_wait3A_73 = arith.constant 0 : i32
      %dma_wait3A_74 = tpu.memref_slice %arg6[%arg0, %mul3A_0, %dma_wait3A_73] : memref<2x10240x128xf32, #tpu.memory_space<hbm>> -> memref<1x640x128xf32, #tpu.memory_space<hbm>>
      %dma_wait3A_75 = tpu.memref_squeeze %dma_wait3A_74 : memref<1x640x128xf32, #tpu.memory_space<hbm>> -> memref<640x128xf32, #tpu.memory_space<hbm>>
      %dma_wait3A_76 = arith.constant 0 : i32
      %dma_wait3A_77 = tpu.memref_slice %arg11[%mul3A_0, %dma_wait3A_76] : memref<10240x128xf32, #tpu.memory_space<vmem_shared>> -> memref<640x128xf32, #tpu.memory_space<vmem_shared>>
      tpu.wait_dma2 semaphore(%run_scoped3A : memref<!tpu.dma_semaphore, #tpu.memory_space<semaphore_mem>>) src(%dma_wait3A_77 : memref<640x128xf32, #tpu.memory_space<vmem_shared>>) dst(%dma_wait3A_75 : memref<640x128xf32, #tpu.memory_space<hbm>>)
      tpu.yield
    }) : () -> ()
    return
  }
}

#map = affine_map<(d0, d1) -> (0, 0)>
#map1 = affine_map<(d0, d1) -> (0, 0, 0)>
module attributes {stable_mosaic.version = 14 : i64} {
  func.func @body(%arg0: i32, %arg1: i32, %arg2: memref<10000x128xf32, #tpu.memory_space<hbm>>, %arg3: memref<1280x128xi32, #tpu.memory_space<hbm>>, %arg4: memref<1280x128xi32, #tpu.memory_space<hbm>>, %arg5: memref<10240x128xf32, #tpu.memory_space<hbm>>, %arg6: memref<2x10240x128xf32, #tpu.memory_space<hbm>>, %arg7: memref<32x10240xf32, #tpu.memory_space<hbm>>, %arg8: memref<40x128xi32, #tpu.memory_space<vmem>>, %arg9: memref<8x128xi32, #tpu.memory_space<vmem>>, %arg10: memref<128x128xf32, #tpu.memory_space<vmem>>, %arg11: memref<128x128xf32, #tpu.memory_space<vmem>>, %arg12: memref<10240x128xf32, #tpu.memory_space<vmem_shared>>, %arg13: memref<!tpu.dma_semaphore, #tpu.memory_space<semaphore_mem>>, %arg14: memref<!tpu.dma_semaphore, #tpu.memory_space<semaphore_mem>>, %arg15: memref<10240xf32, #tpu.memory_space<vmem>>) attributes {dimension_semantics = [#tpu.dimension_semantics<core_parallel>, #tpu.dimension_semantics<subcore_parallel>], iteration_bounds = array<i64: 2, 16>, scalar_prefetch = 0 : i64, scratch_operands = 8 : i64, tpu.core_type = #tpu.core_type<sc_vector_subcore>, window_params = [{transform_indices = #map}, {transform_indices = #map}, {transform_indices = #map}, {transform_indices = #map}, {transform_indices = #map1}, {transform_indices = #map}]} {
    %mul3A = arith.constant 640 : i32
    %mul3A_0 = arith.muli %arg1, %mul3A : i32
    %eq3A = arith.constant 0 : i32
    %eq3A_1 = arith.cmpi eq, %arg0, %eq3A : i32
    %mul3A_2 = arith.constant 40 : i32
    %mul3A_3 = arith.muli %arg1, %mul3A_2 : i32
    %mul3A_4 = arith.constant 40 : i32
    %mul3A_5 = arith.muli %arg1, %mul3A_4 : i32
    %add3A = arith.constant 640 : i32
    %add3A_6 = arith.addi %add3A, %mul3A_5 : i32
    %select_n3A = arith.select %eq3A_1, %mul3A_3, %add3A_6 : i32
    %eq3A_7 = arith.constant 0 : i32
    %eq3A_8 = arith.cmpi eq, %arg0, %eq3A_7 : i32
    %jit3A = arith.constant 40 : i32
    %jit3A_9 = arith.constant 40 : i32
    %select_n3A_10 = arith.select %eq3A_8, %jit3A, %jit3A_9 : i32
    "tpu.region"() ({
      %run_scoped3A = tpu.sem_alloc : memref<!tpu.dma_semaphore, #tpu.memory_space<semaphore_mem>>
      %dma_start3A_76 = arith.constant 0 : i32
      %dma_start3A_77 = tpu.memref_slice %arg12[%mul3A_0, %dma_start3A_76] : memref<10240x128xf32, #tpu.memory_space<vmem_shared>> -> memref<640x128xf32, #tpu.memory_space<vmem_shared>>
      %dma_start3A_78 = arith.constant 0 : i32
      %dma_start3A_79 = tpu.memref_slice %arg5[%mul3A_0, %dma_start3A_78] : memref<10240x128xf32, #tpu.memory_space<hbm>> -> memref<640x128xf32, #tpu.memory_space<hbm>>
      tpu.enqueue_dma source(%dma_start3A_79 : memref<640x128xf32, #tpu.memory_space<hbm>>) target(%dma_start3A_77 : memref<640x128xf32, #tpu.memory_space<vmem_shared>>) target_semaphore(%run_scoped3A : memref<!tpu.dma_semaphore, #tpu.memory_space<semaphore_mem>>)
      %dma_wait3A_80 = arith.constant 0 : i32
      %dma_wait3A_81 = tpu.memref_slice %arg12[%mul3A_0, %dma_wait3A_80] : memref<10240x128xf32, #tpu.memory_space<vmem_shared>> -> memref<640x128xf32, #tpu.memory_space<vmem_shared>>
      %dma_wait3A_82 = arith.constant 0 : i32
      %dma_wait3A_83 = tpu.memref_slice %arg5[%mul3A_0, %dma_wait3A_82] : memref<10240x128xf32, #tpu.memory_space<hbm>> -> memref<640x128xf32, #tpu.memory_space<hbm>>
      tpu.wait_dma2 semaphore(%run_scoped3A : memref<!tpu.dma_semaphore, #tpu.memory_space<semaphore_mem>>) src(%dma_wait3A_83 : memref<640x128xf32, #tpu.memory_space<hbm>>) dst(%dma_wait3A_81 : memref<640x128xf32, #tpu.memory_space<vmem_shared>>)
      tpu.yield
    }) : () -> ()
    %broadcast_in_dim3A = arith.constant 1.000000e+00 : f32
    %broadcast_in_dim3A_11 = vector.broadcast %broadcast_in_dim3A : f32 to vector<16xf32>
    %broadcast_in_dim3A_12 = arith.constant 0.000000e+00 : f32
    %broadcast_in_dim3A_13 = vector.broadcast %broadcast_in_dim3A_12 : f32 to vector<16xf32>
    %scan3A = arith.constant 0 : i32
    %scan3A_14 = arith.constant 0 : i32
    %scan3A_15 = arith.constant 80 : i32
    %scan3A_16 = arith.addi %scan3A_14, %scan3A_15 : i32
    %scan3A_17 = arith.constant 1 : i32
    scf.for %scan3A_76 = %scan3A_14 to %scan3A_16 step %scan3A_17  : i32 {
      %mul3A_77 = arith.constant 128 : i32
      %mul3A_78 = arith.muli %scan3A_76, %mul3A_77 : i32
      %add3A_79 = arith.constant 0 : i32
      %add3A_80 = arith.addi %mul3A_78, %add3A_79 : i32
      %swap3A = arith.index_cast %add3A_80 : i32 to index
      %swap3A_81 = tpu.vector_load %arg15[%swap3A] {strides = array<i32>} : memref<10240xf32, #tpu.memory_space<vmem>>, vector<16xf32>,
      tpu.vector_store %arg15[%swap3A], %broadcast_in_dim3A_13 {strides = array<i32>} : memref<10240xf32, #tpu.memory_space<vmem>>, vector<16xf32>,
      %mul3A_82 = arith.constant 128 : i32
      %mul3A_83 = arith.muli %scan3A_76, %mul3A_82 : i32
      %add3A_84 = arith.constant 16 : i32
      %add3A_85 = arith.addi %mul3A_83, %add3A_84 : i32
      %swap3A_86 = arith.index_cast %add3A_85 : i32 to index
      %swap3A_87 = tpu.vector_load %arg15[%swap3A_86] {strides = array<i32>} : memref<10240xf32, #tpu.memory_space<vmem>>, vector<16xf32>,
      tpu.vector_store %arg15[%swap3A_86], %broadcast_in_dim3A_13 {strides = array<i32>} : memref<10240xf32, #tpu.memory_space<vmem>>, vector<16xf32>,
      %mul3A_88 = arith.constant 128 : i32
      %mul3A_89 = arith.muli %scan3A_76, %mul3A_88 : i32
      %add3A_90 = arith.constant 32 : i32
      %add3A_91 = arith.addi %mul3A_89, %add3A_90 : i32
      %swap3A_92 = arith.index_cast %add3A_91 : i32 to index
      %swap3A_93 = tpu.vector_load %arg15[%swap3A_92] {strides = array<i32>} : memref<10240xf32, #tpu.memory_space<vmem>>, vector<16xf32>,
      tpu.vector_store %arg15[%swap3A_92], %broadcast_in_dim3A_13 {strides = array<i32>} : memref<10240xf32, #tpu.memory_space<vmem>>, vector<16xf32>,
      %mul3A_94 = arith.constant 128 : i32
      %mul3A_95 = arith.muli %scan3A_76, %mul3A_94 : i32
      %add3A_96 = arith.constant 48 : i32
      %add3A_97 = arith.addi %mul3A_95, %add3A_96 : i32
      %swap3A_98 = arith.index_cast %add3A_97 : i32 to index
      %swap3A_99 = tpu.vector_load %arg15[%swap3A_98] {strides = array<i32>} : memref<10240xf32, #tpu.memory_space<vmem>>, vector<16xf32>,
      tpu.vector_store %arg15[%swap3A_98], %broadcast_in_dim3A_13 {strides = array<i32>} : memref<10240xf32, #tpu.memory_space<vmem>>, vector<16xf32>,
      %mul3A_100 = arith.constant 128 : i32
      %mul3A_101 = arith.muli %scan3A_76, %mul3A_100 : i32
      %add3A_102 = arith.constant 64 : i32
      %add3A_103 = arith.addi %mul3A_101, %add3A_102 : i32
      %swap3A_104 = arith.index_cast %add3A_103 : i32 to index
      %swap3A_105 = tpu.vector_load %arg15[%swap3A_104] {strides = array<i32>} : memref<10240xf32, #tpu.memory_space<vmem>>, vector<16xf32>,
      tpu.vector_store %arg15[%swap3A_104], %broadcast_in_dim3A_13 {strides = array<i32>} : memref<10240xf32, #tpu.memory_space<vmem>>, vector<16xf32>,
      %mul3A_106 = arith.constant 128 : i32
      %mul3A_107 = arith.muli %scan3A_76, %mul3A_106 : i32
      %add3A_108 = arith.constant 80 : i32
      %add3A_109 = arith.addi %mul3A_107, %add3A_108 : i32
      %swap3A_110 = arith.index_cast %add3A_109 : i32 to index
      %swap3A_111 = tpu.vector_load %arg15[%swap3A_110] {strides = array<i32>} : memref<10240xf32, #tpu.memory_space<vmem>>, vector<16xf32>,
      tpu.vector_store %arg15[%swap3A_110], %broadcast_in_dim3A_13 {strides = array<i32>} : memref<10240xf32, #tpu.memory_space<vmem>>, vector<16xf32>,
      %mul3A_112 = arith.constant 128 : i32
      %mul3A_113 = arith.muli %scan3A_76, %mul3A_112 : i32
      %add3A_114 = arith.constant 96 : i32
      %add3A_115 = arith.addi %mul3A_113, %add3A_114 : i32
      %swap3A_116 = arith.index_cast %add3A_115 : i32 to index
      %swap3A_117 = tpu.vector_load %arg15[%swap3A_116] {strides = array<i32>} : memref<10240xf32, #tpu.memory_space<vmem>>, vector<16xf32>,
      tpu.vector_store %arg15[%swap3A_116], %broadcast_in_dim3A_13 {strides = array<i32>} : memref<10240xf32, #tpu.memory_space<vmem>>, vector<16xf32>,
      %mul3A_118 = arith.constant 128 : i32
      %mul3A_119 = arith.muli %scan3A_76, %mul3A_118 : i32
      %add3A_120 = arith.constant 112 : i32
      %add3A_121 = arith.addi %mul3A_119, %add3A_120 : i32
      %swap3A_122 = arith.index_cast %add3A_121 : i32 to index
      %swap3A_123 = tpu.vector_load %arg15[%swap3A_122] {strides = array<i32>} : memref<10240xf32, #tpu.memory_space<vmem>>, vector<16xf32>,
      tpu.vector_store %arg15[%swap3A_122], %broadcast_in_dim3A_13 {strides = array<i32>} : memref<10240xf32, #tpu.memory_space<vmem>>, vector<16xf32>,
    }
    %scan3A_18 = arith.constant 80 : i32
    %barrier3A = arith.constant 0 : index
    tpu.barrier barrier_id(%barrier3A)
    "tpu.region"() ({
      %run_scoped3A = tpu.sem_alloc : memref<!tpu.dma_semaphore, #tpu.memory_space<semaphore_mem>>
      %dma_start3A_76 = arith.constant 0 : i32
      %dma_start3A_77 = tpu.memref_slice %arg3[%select_n3A, %dma_start3A_76] : memref<1280x128xi32, #tpu.memory_space<hbm>> -> memref<40x128xi32, #tpu.memory_space<hbm>>
      %dma_start3A_78 = arith.constant 0 : i32
      %dma_start3A_79 = tpu.memref_slice %arg3[%select_n3A, %dma_start3A_78] : memref<1280x128xi32, #tpu.memory_space<hbm>> -> memref<40x128xi32, #tpu.memory_space<hbm>>
      tpu.enqueue_dma source(%dma_start3A_79 : memref<40x128xi32, #tpu.memory_space<hbm>>) target(%arg8 : memref<40x128xi32, #tpu.memory_space<vmem>>) target_semaphore(%run_scoped3A : memref<!tpu.dma_semaphore, #tpu.memory_space<semaphore_mem>>)
      %dma_wait3A_80 = arith.constant 0 : i32
      %dma_wait3A_81 = tpu.memref_slice %arg3[%select_n3A, %dma_wait3A_80] : memref<1280x128xi32, #tpu.memory_space<hbm>> -> memref<40x128xi32, #tpu.memory_space<hbm>>
      %dma_wait3A_82 = arith.constant 0 : i32
      %dma_wait3A_83 = tpu.memref_slice %arg3[%select_n3A, %dma_wait3A_82] : memref<1280x128xi32, #tpu.memory_space<hbm>> -> memref<40x128xi32, #tpu.memory_space<hbm>>
      tpu.wait_dma2 semaphore(%run_scoped3A : memref<!tpu.dma_semaphore, #tpu.memory_space<semaphore_mem>>) src(%dma_wait3A_83 : memref<40x128xi32, #tpu.memory_space<hbm>>) dst(%arg8 : memref<40x128xi32, #tpu.memory_space<vmem>>)
      tpu.yield
    }) : () -> ()
    %dma_start3A = arith.constant 0 : i32
    %dma_start3A_19 = arith.constant 0 : i32
    %dma_start3A_20 = tpu.memref_slice %arg8[%dma_start3A, %dma_start3A_19] : memref<40x128xi32, #tpu.memory_space<vmem>> -> memref<1x128xi32, #tpu.memory_space<vmem>>
    %dma_start3A_21 = tpu.memref_squeeze %dma_start3A_20 : memref<1x128xi32, #tpu.memory_space<vmem>> -> memref<128xi32, #tpu.memory_space<vmem>>
    %dma_start3A_22 = arith.constant 0 : i32
    %dma_start3A_23 = arith.constant 0 : i32
    %dma_start3A_24 = tpu.memref_slice %arg2[%dma_start3A_22, %dma_start3A_23] : memref<10000x128xf32, #tpu.memory_space<hbm>> -> memref<10000x128xf32, #tpu.memory_space<hbm>>
    tpu.enqueue_indirect_dma source(%dma_start3A_24 : memref<10000x128xf32, #tpu.memory_space<hbm>>) target(%arg10 : memref<128x128xf32, #tpu.memory_space<vmem>>) offsets(%dma_start3A_21 : memref<128xi32, #tpu.memory_space<vmem>>) semaphore(%arg13 : memref<!tpu.dma_semaphore, #tpu.memory_space<semaphore_mem>>)
    %dma_start3A_25 = arith.constant 1 : i32
    %dma_start3A_26 = arith.constant 0 : i32
    %dma_start3A_27 = tpu.memref_slice %arg8[%dma_start3A_25, %dma_start3A_26] : memref<40x128xi32, #tpu.memory_space<vmem>> -> memref<1x128xi32, #tpu.memory_space<vmem>>
    %dma_start3A_28 = tpu.memref_squeeze %dma_start3A_27 : memref<1x128xi32, #tpu.memory_space<vmem>> -> memref<128xi32, #tpu.memory_space<vmem>>
    %dma_start3A_29 = arith.constant 0 : i32
    %dma_start3A_30 = arith.constant 0 : i32
    %dma_start3A_31 = tpu.memref_slice %arg2[%dma_start3A_29, %dma_start3A_30] : memref<10000x128xf32, #tpu.memory_space<hbm>> -> memref<10000x128xf32, #tpu.memory_space<hbm>>
    tpu.enqueue_indirect_dma source(%dma_start3A_31 : memref<10000x128xf32, #tpu.memory_space<hbm>>) target(%arg11 : memref<128x128xf32, #tpu.memory_space<vmem>>) offsets(%dma_start3A_28 : memref<128xi32, #tpu.memory_space<vmem>>) semaphore(%arg14 : memref<!tpu.dma_semaphore, #tpu.memory_space<semaphore_mem>>)
    %jit3A_32 = arith.constant 8 : i32
    %div3A = arith.divsi %select_n3A_10, %jit3A_32 : i32
    %sign3A = arith.constant 0 : i32
    %sign3A_33 = arith.cmpi sgt, %select_n3A_10, %sign3A : i32
    %sign3A_34 = arith.extui %sign3A_33 : i1 to i32
    %sign3A_35 = arith.constant 0 : i32
    %sign3A_36 = arith.cmpi slt, %select_n3A_10, %sign3A_35 : i32
    %sign3A_37 = arith.extui %sign3A_36 : i1 to i32
    %sign3A_38 = arith.subi %sign3A_34, %sign3A_37 : i32
    %sign3A_39 = arith.constant 0 : i32
    %sign3A_40 = arith.cmpi sgt, %jit3A_32, %sign3A_39 : i32
    %sign3A_41 = arith.extui %sign3A_40 : i1 to i32
    %sign3A_42 = arith.constant 0 : i32
    %sign3A_43 = arith.cmpi slt, %jit3A_32, %sign3A_42 : i32
    %sign3A_44 = arith.extui %sign3A_43 : i1 to i32
    %sign3A_45 = arith.subi %sign3A_41, %sign3A_44 : i32
    %ne3A = arith.cmpi ne, %sign3A_38, %sign3A_45 : i32
    %rem3A = arith.remsi %select_n3A_10, %jit3A_32 : i32
    %ne3A_46 = arith.constant 0 : i32
    %ne3A_47 = arith.cmpi ne, %rem3A, %ne3A_46 : i32
    %and3A = arith.andi %ne3A, %ne3A_47 : i1
    %sub3A = arith.constant 1 : i32
    %sub3A_48 = arith.subi %div3A, %sub3A : i32
    %select_n3A_49 = arith.select %and3A, %sub3A_48, %div3A : i32
    %while3A = arith.constant 0 : i32
    %while3A_50 = arith.constant 0 : i32
    %while3A_51 = arith.subi %select_n3A_49, %while3A_50 : i32
    %while3A_52 = arith.addi %while3A_50, %while3A_51 : i32
    %while3A_53 = arith.constant 1 : i32
    %while3A_54 = arith.divsi %while3A_51, %while3A_53 : i32
    %while3A_55 = arith.muli %while3A_54, %while3A_53 : i32
    %while3A_56 = arith.addi %while3A_50, %while3A_55 : i32
    %while3A_57 = arith.constant 1 : i32
    scf.for %while3A_76 = %while3A_50 to %while3A_56 step %while3A_57  : i32 {
      %mul3A_77 = arith.constant 8 : i32
      %mul3A_78 = arith.muli %while3A_76, %mul3A_77 : i32
      %add3A_79 = arith.addi %select_n3A, %mul3A_78 : i32
      "tpu.region"() ({
        %run_scoped3A_509 = tpu.sem_alloc : memref<!tpu.dma_semaphore, #tpu.memory_space<semaphore_mem>>
        %dma_start3A_510 = arith.constant 0 : i32
        %dma_start3A_511 = tpu.memref_slice %arg4[%add3A_79, %dma_start3A_510] : memref<1280x128xi32, #tpu.memory_space<hbm>> -> memref<8x128xi32, #tpu.memory_space<hbm>>
        %dma_start3A_512 = arith.constant 0 : i32
        %dma_start3A_513 = tpu.memref_slice %arg4[%add3A_79, %dma_start3A_512] : memref<1280x128xi32, #tpu.memory_space<hbm>> -> memref<8x128xi32, #tpu.memory_space<hbm>>
        tpu.enqueue_dma source(%dma_start3A_513 : memref<8x128xi32, #tpu.memory_space<hbm>>) target(%arg9 : memref<8x128xi32, #tpu.memory_space<vmem>>) target_semaphore(%run_scoped3A_509 : memref<!tpu.dma_semaphore, #tpu.memory_space<semaphore_mem>>)
        %dma_wait3A_514 = arith.constant 0 : i32
        %dma_wait3A_515 = tpu.memref_slice %arg4[%add3A_79, %dma_wait3A_514] : memref<1280x128xi32, #tpu.memory_space<hbm>> -> memref<8x128xi32, #tpu.memory_space<hbm>>
        %dma_wait3A_516 = arith.constant 0 : i32
        %dma_wait3A_517 = tpu.memref_slice %arg4[%add3A_79, %dma_wait3A_516] : memref<1280x128xi32, #tpu.memory_space<hbm>> -> memref<8x128xi32, #tpu.memory_space<hbm>>
        tpu.wait_dma2 semaphore(%run_scoped3A_509 : memref<!tpu.dma_semaphore, #tpu.memory_space<semaphore_mem>>) src(%dma_wait3A_517 : memref<8x128xi32, #tpu.memory_space<hbm>>) dst(%arg9 : memref<8x128xi32, #tpu.memory_space<vmem>>)
        tpu.yield
      }) : () -> ()
      %mul3A_80 = arith.constant 8 : i32
      %mul3A_81 = arith.muli %while3A_76, %mul3A_80 : i32
      %add3A_82 = arith.constant 0 : i32
      %add3A_83 = arith.addi %mul3A_81, %add3A_82 : i32
      %dma_wait3A_84 = arith.constant 0 : i32
      %dma_wait3A_85 = tpu.memref_slice %arg8[%add3A_83, %dma_wait3A_84] : memref<40x128xi32, #tpu.memory_space<vmem>> -> memref<1x128xi32, #tpu.memory_space<vmem>>
      %dma_wait3A_86 = tpu.memref_squeeze %dma_wait3A_85 : memref<1x128xi32, #tpu.memory_space<vmem>> -> memref<128xi32, #tpu.memory_space<vmem>>
      %dma_wait3A_87 = arith.constant 0 : i32
      %dma_wait3A_88 = arith.constant 0 : i32
      %dma_wait3A_89 = tpu.memref_slice %arg2[%dma_wait3A_87, %dma_wait3A_88] : memref<10000x128xf32, #tpu.memory_space<hbm>> -> memref<10000x128xf32, #tpu.memory_space<hbm>>
      tpu.wait_indirect_dma semaphore(%arg13 : memref<!tpu.dma_semaphore, #tpu.memory_space<semaphore_mem>>) src(%dma_wait3A_89 : memref<10000x128xf32, #tpu.memory_space<hbm>>) dst(%arg10 : memref<128x128xf32, #tpu.memory_space<vmem>>)
      %run_scoped3A = arith.constant 0 : i32
      "tpu.region"() ({
        %run_scoped3A_509 = tpu.sem_alloc : memref<!tpu.dma_semaphore, #tpu.memory_space<semaphore_mem>>
        %dma_start3A_510 = arith.constant 0 : i32
        %dma_start3A_511 = tpu.memref_slice %arg9[%run_scoped3A, %dma_start3A_510] : memref<8x128xi32, #tpu.memory_space<vmem>> -> memref<1x128xi32, #tpu.memory_space<vmem>>
        %dma_start3A_512 = tpu.memref_squeeze %dma_start3A_511 : memref<1x128xi32, #tpu.memory_space<vmem>> -> memref<128xi32, #tpu.memory_space<vmem>>
        %dma_start3A_513 = arith.constant 0 : i32
        %dma_start3A_514 = arith.constant 0 : i32
        %dma_start3A_515 = tpu.memref_slice %arg12[%dma_start3A_513, %dma_start3A_514] : memref<10240x128xf32, #tpu.memory_space<vmem_shared>> -> memref<10240x128xf32, #tpu.memory_space<vmem_shared>>
        tpu.enqueue_indirect_dma source(%arg10 : memref<128x128xf32, #tpu.memory_space<vmem>>) target(%dma_start3A_515 : memref<10240x128xf32, #tpu.memory_space<vmem_shared>>) offsets(%dma_start3A_512 : memref<128xi32, #tpu.memory_space<vmem>>) semaphore(%run_scoped3A_509 : memref<!tpu.dma_semaphore, #tpu.memory_space<semaphore_mem>>) {add = true}
        %dma_wait3A_516 = arith.constant 0 : i32
        %dma_wait3A_517 = tpu.memref_slice %arg9[%run_scoped3A, %dma_wait3A_516] : memref<8x128xi32, #tpu.memory_space<vmem>> -> memref<1x128xi32, #tpu.memory_space<vmem>>
        %dma_wait3A_518 = tpu.memref_squeeze %dma_wait3A_517 : memref<1x128xi32, #tpu.memory_space<vmem>> -> memref<128xi32, #tpu.memory_space<vmem>>
        %dma_wait3A_519 = arith.constant 0 : i32
        %dma_wait3A_520 = arith.constant 0 : i32
        %dma_wait3A_521 = tpu.memref_slice %arg12[%dma_wait3A_519, %dma_wait3A_520] : memref<10240x128xf32, #tpu.memory_space<vmem_shared>> -> memref<10240x128xf32, #tpu.memory_space<vmem_shared>>
        tpu.wait_indirect_dma semaphore(%run_scoped3A_509 : memref<!tpu.dma_semaphore, #tpu.memory_space<semaphore_mem>>) src(%arg10 : memref<128x128xf32, #tpu.memory_space<vmem>>) dst(%dma_wait3A_521 : memref<10240x128xf32, #tpu.memory_space<vmem_shared>>)
        tpu.yield
      }) : () -> ()
      %add3A_90 = arith.constant 2 : i32
      %add3A_91 = arith.addi %add3A_83, %add3A_90 : i32
      %sub3A_92 = arith.constant 1 : i32
      %sub3A_93 = arith.subi %select_n3A_10, %sub3A_92 : i32
      %min3A = arith.minsi %add3A_91, %sub3A_93 : i32
      %dma_start3A_94 = arith.constant 0 : i32
      %dma_start3A_95 = tpu.memref_slice %arg8[%min3A, %dma_start3A_94] : memref<40x128xi32, #tpu.memory_space<vmem>> -> memref<1x128xi32, #tpu.memory_space<vmem>>
      %dma_start3A_96 = tpu.memref_squeeze %dma_start3A_95 : memref<1x128xi32, #tpu.memory_space<vmem>> -> memref<128xi32, #tpu.memory_space<vmem>>
      %dma_start3A_97 = arith.constant 0 : i32
      %dma_start3A_98 = arith.constant 0 : i32
      %dma_start3A_99 = tpu.memref_slice %arg2[%dma_start3A_97, %dma_start3A_98] : memref<10000x128xf32, #tpu.memory_space<hbm>> -> memref<10000x128xf32, #tpu.memory_space<hbm>>
      tpu.enqueue_indirect_dma source(%dma_start3A_99 : memref<10000x128xf32, #tpu.memory_space<hbm>>) target(%arg10 : memref<128x128xf32, #tpu.memory_space<vmem>>) offsets(%dma_start3A_96 : memref<128xi32, #tpu.memory_space<vmem>>) semaphore(%arg13 : memref<!tpu.dma_semaphore, #tpu.memory_space<semaphore_mem>>)
      %get3A = arith.constant 0 : i32
      %get3A_100 = arith.index_cast %get3A : i32 to index
      %get3A_101 = arith.constant 0 : index
      %get3A_102 = tpu.vector_load %arg9[%get3A_100, %get3A_101] {strides = array<i32>} : memref<8x128xi32, #tpu.memory_space<vmem>>, vector<16xi32>,
      tpu.vector_store_idx %arg15[%get3A_102], %broadcast_in_dim3A_11 {add = true} : memref<10240xf32, #tpu.memory_space<vmem>>[vector<16xi32>], vector<16xf32>,
      %get3A_103 = arith.constant 0 : i32
      %get3A_104 = arith.index_cast %get3A_103 : i32 to index
      %get3A_105 = arith.constant 16 : index
      %get3A_106 = tpu.vector_load %arg9[%get3A_104, %get3A_105] {strides = array<i32>} : memref<8x128xi32, #tpu.memory_space<vmem>>, vector<16xi32>,
      tpu.vector_store_idx %arg15[%get3A_106], %broadcast_in_dim3A_11 {add = true} : memref<10240xf32, #tpu.memory_space<vmem>>[vector<16xi32>], vector<16xf32>,
      %get3A_107 = arith.constant 0 : i32
      %get3A_108 = arith.index_cast %get3A_107 : i32 to index
      %get3A_109 = arith.constant 32 : index
      %get3A_110 = tpu.vector_load %arg9[%get3A_108, %get3A_109] {strides = array<i32>} : memref<8x128xi32, #tpu.memory_space<vmem>>, vector<16xi32>,
      tpu.vector_store_idx %arg15[%get3A_110], %broadcast_in_dim3A_11 {add = true} : memref<10240xf32, #tpu.memory_space<vmem>>[vector<16xi32>], vector<16xf32>,
      %get3A_111 = arith.constant 0 : i32
      %get3A_112 = arith.index_cast %get3A_111 : i32 to index
      %get3A_113 = arith.constant 48 : index
      %get3A_114 = tpu.vector_load %arg9[%get3A_112, %get3A_113] {strides = array<i32>} : memref<8x128xi32, #tpu.memory_space<vmem>>, vector<16xi32>,
      tpu.vector_store_idx %arg15[%get3A_114], %broadcast_in_dim3A_11 {add = true} : memref<10240xf32, #tpu.memory_space<vmem>>[vector<16xi32>], vector<16xf32>,
      %get3A_115 = arith.constant 0 : i32
      %get3A_116 = arith.index_cast %get3A_115 : i32 to index
      %get3A_117 = arith.constant 64 : index
      %get3A_118 = tpu.vector_load %arg9[%get3A_116, %get3A_117] {strides = array<i32>} : memref<8x128xi32, #tpu.memory_space<vmem>>, vector<16xi32>,
      tpu.vector_store_idx %arg15[%get3A_118], %broadcast_in_dim3A_11 {add = true} : memref<10240xf32, #tpu.memory_space<vmem>>[vector<16xi32>], vector<16xf32>,
      %get3A_119 = arith.constant 0 : i32
      %get3A_120 = arith.index_cast %get3A_119 : i32 to index
      %get3A_121 = arith.constant 80 : index
      %get3A_122 = tpu.vector_load %arg9[%get3A_120, %get3A_121] {strides = array<i32>} : memref<8x128xi32, #tpu.memory_space<vmem>>, vector<16xi32>,
      tpu.vector_store_idx %arg15[%get3A_122], %broadcast_in_dim3A_11 {add = true} : memref<10240xf32, #tpu.memory_space<vmem>>[vector<16xi32>], vector<16xf32>,
      %get3A_123 = arith.constant 0 : i32
      %get3A_124 = arith.index_cast %get3A_123 : i32 to index
      %get3A_125 = arith.constant 96 : index
      %get3A_126 = tpu.vector_load %arg9[%get3A_124, %get3A_125] {strides = array<i32>} : memref<8x128xi32, #tpu.memory_space<vmem>>, vector<16xi32>,
      tpu.vector_store_idx %arg15[%get3A_126], %broadcast_in_dim3A_11 {add = true} : memref<10240xf32, #tpu.memory_space<vmem>>[vector<16xi32>], vector<16xf32>,
      %get3A_127 = arith.constant 0 : i32
      %get3A_128 = arith.index_cast %get3A_127 : i32 to index
      %get3A_129 = arith.constant 112 : index
      %get3A_130 = tpu.vector_load %arg9[%get3A_128, %get3A_129] {strides = array<i32>} : memref<8x128xi32, #tpu.memory_space<vmem>>, vector<16xi32>,
      tpu.vector_store_idx %arg15[%get3A_130], %broadcast_in_dim3A_11 {add = true} : memref<10240xf32, #tpu.memory_space<vmem>>[vector<16xi32>], vector<16xf32>,
      %mul3A_131 = arith.constant 8 : i32
      %mul3A_132 = arith.muli %while3A_76, %mul3A_131 : i32
      %add3A_133 = arith.constant 1 : i32
      %add3A_134 = arith.addi %mul3A_132, %add3A_133 : i32
      %dma_wait3A_135 = arith.constant 0 : i32
      %dma_wait3A_136 = tpu.memref_slice %arg8[%add3A_134, %dma_wait3A_135] : memref<40x128xi32, #tpu.memory_space<vmem>> -> memref<1x128xi32, #tpu.memory_space<vmem>>
      %dma_wait3A_137 = tpu.memref_squeeze %dma_wait3A_136 : memref<1x128xi32, #tpu.memory_space<vmem>> -> memref<128xi32, #tpu.memory_space<vmem>>
      %dma_wait3A_138 = arith.constant 0 : i32
      %dma_wait3A_139 = arith.constant 0 : i32
      %dma_wait3A_140 = tpu.memref_slice %arg2[%dma_wait3A_138, %dma_wait3A_139] : memref<10000x128xf32, #tpu.memory_space<hbm>> -> memref<10000x128xf32, #tpu.memory_space<hbm>>
      tpu.wait_indirect_dma semaphore(%arg14 : memref<!tpu.dma_semaphore, #tpu.memory_space<semaphore_mem>>) src(%dma_wait3A_140 : memref<10000x128xf32, #tpu.memory_space<hbm>>) dst(%arg11 : memref<128x128xf32, #tpu.memory_space<vmem>>)
      %run_scoped3A_141 = arith.constant 1 : i32
      "tpu.region"() ({
        %run_scoped3A_509 = tpu.sem_alloc : memref<!tpu.dma_semaphore, #tpu.memory_space<semaphore_mem>>
        %dma_start3A_510 = arith.constant 0 : i32
        %dma_start3A_511 = tpu.memref_slice %arg9[%run_scoped3A_141, %dma_start3A_510] : memref<8x128xi32, #tpu.memory_space<vmem>> -> memref<1x128xi32, #tpu.memory_space<vmem>>
        %dma_start3A_512 = tpu.memref_squeeze %dma_start3A_511 : memref<1x128xi32, #tpu.memory_space<vmem>> -> memref<128xi32, #tpu.memory_space<vmem>>
        %dma_start3A_513 = arith.constant 0 : i32
        %dma_start3A_514 = arith.constant 0 : i32
        %dma_start3A_515 = tpu.memref_slice %arg12[%dma_start3A_513, %dma_start3A_514] : memref<10240x128xf32, #tpu.memory_space<vmem_shared>> -> memref<10240x128xf32, #tpu.memory_space<vmem_shared>>
        tpu.enqueue_indirect_dma source(%arg11 : memref<128x128xf32, #tpu.memory_space<vmem>>) target(%dma_start3A_515 : memref<10240x128xf32, #tpu.memory_space<vmem_shared>>) offsets(%dma_start3A_512 : memref<128xi32, #tpu.memory_space<vmem>>) semaphore(%run_scoped3A_509 : memref<!tpu.dma_semaphore, #tpu.memory_space<semaphore_mem>>) {add = true}
        %dma_wait3A_516 = arith.constant 0 : i32
        %dma_wait3A_517 = tpu.memref_slice %arg9[%run_scoped3A_141, %dma_wait3A_516] : memref<8x128xi32, #tpu.memory_space<vmem>> -> memref<1x128xi32, #tpu.memory_space<vmem>>
        %dma_wait3A_518 = tpu.memref_squeeze %dma_wait3A_517 : memref<1x128xi32, #tpu.memory_space<vmem>> -> memref<128xi32, #tpu.memory_space<vmem>>
        %dma_wait3A_519 = arith.constant 0 : i32
        %dma_wait3A_520 = arith.constant 0 : i32
        %dma_wait3A_521 = tpu.memref_slice %arg12[%dma_wait3A_519, %dma_wait3A_520] : memref<10240x128xf32, #tpu.memory_space<vmem_shared>> -> memref<10240x128xf32, #tpu.memory_space<vmem_shared>>
        tpu.wait_indirect_dma semaphore(%run_scoped3A_509 : memref<!tpu.dma_semaphore, #tpu.memory_space<semaphore_mem>>) src(%arg11 : memref<128x128xf32, #tpu.memory_space<vmem>>) dst(%dma_wait3A_521 : memref<10240x128xf32, #tpu.memory_space<vmem_shared>>)
        tpu.yield
      }) : () -> ()
      %add3A_142 = arith.constant 2 : i32
      %add3A_143 = arith.addi %add3A_134, %add3A_142 : i32
      %sub3A_144 = arith.constant 1 : i32
      %sub3A_145 = arith.subi %select_n3A_10, %sub3A_144 : i32
      %min3A_146 = arith.minsi %add3A_143, %sub3A_145 : i32
      %dma_start3A_147 = arith.constant 0 : i32
      %dma_start3A_148 = tpu.memref_slice %arg8[%min3A_146, %dma_start3A_147] : memref<40x128xi32, #tpu.memory_space<vmem>> -> memref<1x128xi32, #tpu.memory_space<vmem>>
      %dma_start3A_149 = tpu.memref_squeeze %dma_start3A_148 : memref<1x128xi32, #tpu.memory_space<vmem>> -> memref<128xi32, #tpu.memory_space<vmem>>
      %dma_start3A_150 = arith.constant 0 : i32
      %dma_start3A_151 = arith.constant 0 : i32
      %dma_start3A_152 = tpu.memref_slice %arg2[%dma_start3A_150, %dma_start3A_151] : memref<10000x128xf32, #tpu.memory_space<hbm>> -> memref<10000x128xf32, #tpu.memory_space<hbm>>
      tpu.enqueue_indirect_dma source(%dma_start3A_152 : memref<10000x128xf32, #tpu.memory_space<hbm>>) target(%arg11 : memref<128x128xf32, #tpu.memory_space<vmem>>) offsets(%dma_start3A_149 : memref<128xi32, #tpu.memory_space<vmem>>) semaphore(%arg14 : memref<!tpu.dma_semaphore, #tpu.memory_space<semaphore_mem>>)
      %get3A_153 = arith.constant 1 : i32
      %get3A_154 = arith.index_cast %get3A_153 : i32 to index
      %get3A_155 = arith.constant 0 : index
      %get3A_156 = tpu.vector_load %arg9[%get3A_154, %get3A_155] {strides = array<i32>} : memref<8x128xi32, #tpu.memory_space<vmem>>, vector<16xi32>,
      tpu.vector_store_idx %arg15[%get3A_156], %broadcast_in_dim3A_11 {add = true} : memref<10240xf32, #tpu.memory_space<vmem>>[vector<16xi32>], vector<16xf32>,
      %get3A_157 = arith.constant 1 : i32
      %get3A_158 = arith.index_cast %get3A_157 : i32 to index
      %get3A_159 = arith.constant 16 : index
      %get3A_160 = tpu.vector_load %arg9[%get3A_158, %get3A_159] {strides = array<i32>} : memref<8x128xi32, #tpu.memory_space<vmem>>, vector<16xi32>,
      tpu.vector_store_idx %arg15[%get3A_160], %broadcast_in_dim3A_11 {add = true} : memref<10240xf32, #tpu.memory_space<vmem>>[vector<16xi32>], vector<16xf32>,
      %get3A_161 = arith.constant 1 : i32
      %get3A_162 = arith.index_cast %get3A_161 : i32 to index
      %get3A_163 = arith.constant 32 : index
      %get3A_164 = tpu.vector_load %arg9[%get3A_162, %get3A_163] {strides = array<i32>} : memref<8x128xi32, #tpu.memory_space<vmem>>, vector<16xi32>,
      tpu.vector_store_idx %arg15[%get3A_164], %broadcast_in_dim3A_11 {add = true} : memref<10240xf32, #tpu.memory_space<vmem>>[vector<16xi32>], vector<16xf32>,
      %get3A_165 = arith.constant 1 : i32
      %get3A_166 = arith.index_cast %get3A_165 : i32 to index
      %get3A_167 = arith.constant 48 : index
      %get3A_168 = tpu.vector_load %arg9[%get3A_166, %get3A_167] {strides = array<i32>} : memref<8x128xi32, #tpu.memory_space<vmem>>, vector<16xi32>,
      tpu.vector_store_idx %arg15[%get3A_168], %broadcast_in_dim3A_11 {add = true} : memref<10240xf32, #tpu.memory_space<vmem>>[vector<16xi32>], vector<16xf32>,
      %get3A_169 = arith.constant 1 : i32
      %get3A_170 = arith.index_cast %get3A_169 : i32 to index
      %get3A_171 = arith.constant 64 : index
      %get3A_172 = tpu.vector_load %arg9[%get3A_170, %get3A_171] {strides = array<i32>} : memref<8x128xi32, #tpu.memory_space<vmem>>, vector<16xi32>,
      tpu.vector_store_idx %arg15[%get3A_172], %broadcast_in_dim3A_11 {add = true} : memref<10240xf32, #tpu.memory_space<vmem>>[vector<16xi32>], vector<16xf32>,
      %get3A_173 = arith.constant 1 : i32
      %get3A_174 = arith.index_cast %get3A_173 : i32 to index
      %get3A_175 = arith.constant 80 : index
      %get3A_176 = tpu.vector_load %arg9[%get3A_174, %get3A_175] {strides = array<i32>} : memref<8x128xi32, #tpu.memory_space<vmem>>, vector<16xi32>,
      tpu.vector_store_idx %arg15[%get3A_176], %broadcast_in_dim3A_11 {add = true} : memref<10240xf32, #tpu.memory_space<vmem>>[vector<16xi32>], vector<16xf32>,
      %get3A_177 = arith.constant 1 : i32
      %get3A_178 = arith.index_cast %get3A_177 : i32 to index
      %get3A_179 = arith.constant 96 : index
      %get3A_180 = tpu.vector_load %arg9[%get3A_178, %get3A_179] {strides = array<i32>} : memref<8x128xi32, #tpu.memory_space<vmem>>, vector<16xi32>,
      tpu.vector_store_idx %arg15[%get3A_180], %broadcast_in_dim3A_11 {add = true} : memref<10240xf32, #tpu.memory_space<vmem>>[vector<16xi32>], vector<16xf32>,
      %get3A_181 = arith.constant 1 : i32
      %get3A_182 = arith.index_cast %get3A_181 : i32 to index
      %get3A_183 = arith.constant 112 : index
      %get3A_184 = tpu.vector_load %arg9[%get3A_182, %get3A_183] {strides = array<i32>} : memref<8x128xi32, #tpu.memory_space<vmem>>, vector<16xi32>,
      tpu.vector_store_idx %arg15[%get3A_184], %broadcast_in_dim3A_11 {add = true} : memref<10240xf32, #tpu.memory_space<vmem>>[vector<16xi32>], vector<16xf32>,
      %mul3A_185 = arith.constant 8 : i32
      %mul3A_186 = arith.muli %while3A_76, %mul3A_185 : i32
      %add3A_187 = arith.constant 2 : i32
      %add3A_188 = arith.addi %mul3A_186, %add3A_187 : i32
      %dma_wait3A_189 = arith.constant 0 : i32
      %dma_wait3A_190 = tpu.memref_slice %arg8[%add3A_188, %dma_wait3A_189] : memref<40x128xi32, #tpu.memory_space<vmem>> -> memref<1x128xi32, #tpu.memory_space<vmem>>
      %dma_wait3A_191 = tpu.memref_squeeze %dma_wait3A_190 : memref<1x128xi32, #tpu.memory_space<vmem>> -> memref<128xi32, #tpu.memory_space<vmem>>
      %dma_wait3A_192 = arith.constant 0 : i32
      %dma_wait3A_193 = arith.constant 0 : i32
      %dma_wait3A_194 = tpu.memref_slice %arg2[%dma_wait3A_192, %dma_wait3A_193] : memref<10000x128xf32, #tpu.memory_space<hbm>> -> memref<10000x128xf32, #tpu.memory_space<hbm>>
      tpu.wait_indirect_dma semaphore(%arg13 : memref<!tpu.dma_semaphore, #tpu.memory_space<semaphore_mem>>) src(%dma_wait3A_194 : memref<10000x128xf32, #tpu.memory_space<hbm>>) dst(%arg10 : memref<128x128xf32, #tpu.memory_space<vmem>>)
      %run_scoped3A_195 = arith.constant 2 : i32
      "tpu.region"() ({
        %run_scoped3A_509 = tpu.sem_alloc : memref<!tpu.dma_semaphore, #tpu.memory_space<semaphore_mem>>
        %dma_start3A_510 = arith.constant 0 : i32
        %dma_start3A_511 = tpu.memref_slice %arg9[%run_scoped3A_195, %dma_start3A_510] : memref<8x128xi32, #tpu.memory_space<vmem>> -> memref<1x128xi32, #tpu.memory_space<vmem>>
        %dma_start3A_512 = tpu.memref_squeeze %dma_start3A_511 : memref<1x128xi32, #tpu.memory_space<vmem>> -> memref<128xi32, #tpu.memory_space<vmem>>
        %dma_start3A_513 = arith.constant 0 : i32
        %dma_start3A_514 = arith.constant 0 : i32
        %dma_start3A_515 = tpu.memref_slice %arg12[%dma_start3A_513, %dma_start3A_514] : memref<10240x128xf32, #tpu.memory_space<vmem_shared>> -> memref<10240x128xf32, #tpu.memory_space<vmem_shared>>
        tpu.enqueue_indirect_dma source(%arg10 : memref<128x128xf32, #tpu.memory_space<vmem>>) target(%dma_start3A_515 : memref<10240x128xf32, #tpu.memory_space<vmem_shared>>) offsets(%dma_start3A_512 : memref<128xi32, #tpu.memory_space<vmem>>) semaphore(%run_scoped3A_509 : memref<!tpu.dma_semaphore, #tpu.memory_space<semaphore_mem>>) {add = true}
        %dma_wait3A_516 = arith.constant 0 : i32
        %dma_wait3A_517 = tpu.memref_slice %arg9[%run_scoped3A_195, %dma_wait3A_516] : memref<8x128xi32, #tpu.memory_space<vmem>> -> memref<1x128xi32, #tpu.memory_space<vmem>>
        %dma_wait3A_518 = tpu.memref_squeeze %dma_wait3A_517 : memref<1x128xi32, #tpu.memory_space<vmem>> -> memref<128xi32, #tpu.memory_space<vmem>>
        %dma_wait3A_519 = arith.constant 0 : i32
        %dma_wait3A_520 = arith.constant 0 : i32
        %dma_wait3A_521 = tpu.memref_slice %arg12[%dma_wait3A_519, %dma_wait3A_520] : memref<10240x128xf32, #tpu.memory_space<vmem_shared>> -> memref<10240x128xf32, #tpu.memory_space<vmem_shared>>
        tpu.wait_indirect_dma semaphore(%run_scoped3A_509 : memref<!tpu.dma_semaphore, #tpu.memory_space<semaphore_mem>>) src(%arg10 : memref<128x128xf32, #tpu.memory_space<vmem>>) dst(%dma_wait3A_521 : memref<10240x128xf32, #tpu.memory_space<vmem_shared>>)
        tpu.yield
      }) : () -> ()
      %add3A_196 = arith.constant 2 : i32
      %add3A_197 = arith.addi %add3A_188, %add3A_196 : i32
      %sub3A_198 = arith.constant 1 : i32
      %sub3A_199 = arith.subi %select_n3A_10, %sub3A_198 : i32
      %min3A_200 = arith.minsi %add3A_197, %sub3A_199 : i32
      %dma_start3A_201 = arith.constant 0 : i32
      %dma_start3A_202 = tpu.memref_slice %arg8[%min3A_200, %dma_start3A_201] : memref<40x128xi32, #tpu.memory_space<vmem>> -> memref<1x128xi32, #tpu.memory_space<vmem>>
      %dma_start3A_203 = tpu.memref_squeeze %dma_start3A_202 : memref<1x128xi32, #tpu.memory_space<vmem>> -> memref<128xi32, #tpu.memory_space<vmem>>
      %dma_start3A_204 = arith.constant 0 : i32
      %dma_start3A_205 = arith.constant 0 : i32
      %dma_start3A_206 = tpu.memref_slice %arg2[%dma_start3A_204, %dma_start3A_205] : memref<10000x128xf32, #tpu.memory_space<hbm>> -> memref<10000x128xf32, #tpu.memory_space<hbm>>
      tpu.enqueue_indirect_dma source(%dma_start3A_206 : memref<10000x128xf32, #tpu.memory_space<hbm>>) target(%arg10 : memref<128x128xf32, #tpu.memory_space<vmem>>) offsets(%dma_start3A_203 : memref<128xi32, #tpu.memory_space<vmem>>) semaphore(%arg13 : memref<!tpu.dma_semaphore, #tpu.memory_space<semaphore_mem>>)
      %get3A_207 = arith.constant 2 : i32
      %get3A_208 = arith.index_cast %get3A_207 : i32 to index
      %get3A_209 = arith.constant 0 : index
      %get3A_210 = tpu.vector_load %arg9[%get3A_208, %get3A_209] {strides = array<i32>} : memref<8x128xi32, #tpu.memory_space<vmem>>, vector<16xi32>,
      tpu.vector_store_idx %arg15[%get3A_210], %broadcast_in_dim3A_11 {add = true} : memref<10240xf32, #tpu.memory_space<vmem>>[vector<16xi32>], vector<16xf32>,
      %get3A_211 = arith.constant 2 : i32
      %get3A_212 = arith.index_cast %get3A_211 : i32 to index
      %get3A_213 = arith.constant 16 : index
      %get3A_214 = tpu.vector_load %arg9[%get3A_212, %get3A_213] {strides = array<i32>} : memref<8x128xi32, #tpu.memory_space<vmem>>, vector<16xi32>,
      tpu.vector_store_idx %arg15[%get3A_214], %broadcast_in_dim3A_11 {add = true} : memref<10240xf32, #tpu.memory_space<vmem>>[vector<16xi32>], vector<16xf32>,
      %get3A_215 = arith.constant 2 : i32
      %get3A_216 = arith.index_cast %get3A_215 : i32 to index
      %get3A_217 = arith.constant 32 : index
      %get3A_218 = tpu.vector_load %arg9[%get3A_216, %get3A_217] {strides = array<i32>} : memref<8x128xi32, #tpu.memory_space<vmem>>, vector<16xi32>,
      tpu.vector_store_idx %arg15[%get3A_218], %broadcast_in_dim3A_11 {add = true} : memref<10240xf32, #tpu.memory_space<vmem>>[vector<16xi32>], vector<16xf32>,
      %get3A_219 = arith.constant 2 : i32
      %get3A_220 = arith.index_cast %get3A_219 : i32 to index
      %get3A_221 = arith.constant 48 : index
      %get3A_222 = tpu.vector_load %arg9[%get3A_220, %get3A_221] {strides = array<i32>} : memref<8x128xi32, #tpu.memory_space<vmem>>, vector<16xi32>,
      tpu.vector_store_idx %arg15[%get3A_222], %broadcast_in_dim3A_11 {add = true} : memref<10240xf32, #tpu.memory_space<vmem>>[vector<16xi32>], vector<16xf32>,
      %get3A_223 = arith.constant 2 : i32
      %get3A_224 = arith.index_cast %get3A_223 : i32 to index
      %get3A_225 = arith.constant 64 : index
      %get3A_226 = tpu.vector_load %arg9[%get3A_224, %get3A_225] {strides = array<i32>} : memref<8x128xi32, #tpu.memory_space<vmem>>, vector<16xi32>,
      tpu.vector_store_idx %arg15[%get3A_226], %broadcast_in_dim3A_11 {add = true} : memref<10240xf32, #tpu.memory_space<vmem>>[vector<16xi32>], vector<16xf32>,
      %get3A_227 = arith.constant 2 : i32
      %get3A_228 = arith.index_cast %get3A_227 : i32 to index
      %get3A_229 = arith.constant 80 : index
      %get3A_230 = tpu.vector_load %arg9[%get3A_228, %get3A_229] {strides = array<i32>} : memref<8x128xi32, #tpu.memory_space<vmem>>, vector<16xi32>,
      tpu.vector_store_idx %arg15[%get3A_230], %broadcast_in_dim3A_11 {add = true} : memref<10240xf32, #tpu.memory_space<vmem>>[vector<16xi32>], vector<16xf32>,
      %get3A_231 = arith.constant 2 : i32
      %get3A_232 = arith.index_cast %get3A_231 : i32 to index
      %get3A_233 = arith.constant 96 : index
      %get3A_234 = tpu.vector_load %arg9[%get3A_232, %get3A_233] {strides = array<i32>} : memref<8x128xi32, #tpu.memory_space<vmem>>, vector<16xi32>,
      tpu.vector_store_idx %arg15[%get3A_234], %broadcast_in_dim3A_11 {add = true} : memref<10240xf32, #tpu.memory_space<vmem>>[vector<16xi32>], vector<16xf32>,
      %get3A_235 = arith.constant 2 : i32
      %get3A_236 = arith.index_cast %get3A_235 : i32 to index
      %get3A_237 = arith.constant 112 : index
      %get3A_238 = tpu.vector_load %arg9[%get3A_236, %get3A_237] {strides = array<i32>} : memref<8x128xi32, #tpu.memory_space<vmem>>, vector<16xi32>,
      tpu.vector_store_idx %arg15[%get3A_238], %broadcast_in_dim3A_11 {add = true} : memref<10240xf32, #tpu.memory_space<vmem>>[vector<16xi32>], vector<16xf32>,
      %mul3A_239 = arith.constant 8 : i32
      %mul3A_240 = arith.muli %while3A_76, %mul3A_239 : i32
      %add3A_241 = arith.constant 3 : i32
      %add3A_242 = arith.addi %mul3A_240, %add3A_241 : i32
      %dma_wait3A_243 = arith.constant 0 : i32
      %dma_wait3A_244 = tpu.memref_slice %arg8[%add3A_242, %dma_wait3A_243] : memref<40x128xi32, #tpu.memory_space<vmem>> -> memref<1x128xi32, #tpu.memory_space<vmem>>
      %dma_wait3A_245 = tpu.memref_squeeze %dma_wait3A_244 : memref<1x128xi32, #tpu.memory_space<vmem>> -> memref<128xi32, #tpu.memory_space<vmem>>
      %dma_wait3A_246 = arith.constant 0 : i32
      %dma_wait3A_247 = arith.constant 0 : i32
      %dma_wait3A_248 = tpu.memref_slice %arg2[%dma_wait3A_246, %dma_wait3A_247] : memref<10000x128xf32, #tpu.memory_space<hbm>> -> memref<10000x128xf32, #tpu.memory_space<hbm>>
      tpu.wait_indirect_dma semaphore(%arg14 : memref<!tpu.dma_semaphore, #tpu.memory_space<semaphore_mem>>) src(%dma_wait3A_248 : memref<10000x128xf32, #tpu.memory_space<hbm>>) dst(%arg11 : memref<128x128xf32, #tpu.memory_space<vmem>>)
      %run_scoped3A_249 = arith.constant 3 : i32
      "tpu.region"() ({
        %run_scoped3A_509 = tpu.sem_alloc : memref<!tpu.dma_semaphore, #tpu.memory_space<semaphore_mem>>
        %dma_start3A_510 = arith.constant 0 : i32
        %dma_start3A_511 = tpu.memref_slice %arg9[%run_scoped3A_249, %dma_start3A_510] : memref<8x128xi32, #tpu.memory_space<vmem>> -> memref<1x128xi32, #tpu.memory_space<vmem>>
        %dma_start3A_512 = tpu.memref_squeeze %dma_start3A_511 : memref<1x128xi32, #tpu.memory_space<vmem>> -> memref<128xi32, #tpu.memory_space<vmem>>
        %dma_start3A_513 = arith.constant 0 : i32
        %dma_start3A_514 = arith.constant 0 : i32
        %dma_start3A_515 = tpu.memref_slice %arg12[%dma_start3A_513, %dma_start3A_514] : memref<10240x128xf32, #tpu.memory_space<vmem_shared>> -> memref<10240x128xf32, #tpu.memory_space<vmem_shared>>
        tpu.enqueue_indirect_dma source(%arg11 : memref<128x128xf32, #tpu.memory_space<vmem>>) target(%dma_start3A_515 : memref<10240x128xf32, #tpu.memory_space<vmem_shared>>) offsets(%dma_start3A_512 : memref<128xi32, #tpu.memory_space<vmem>>) semaphore(%run_scoped3A_509 : memref<!tpu.dma_semaphore, #tpu.memory_space<semaphore_mem>>) {add = true}
        %dma_wait3A_516 = arith.constant 0 : i32
        %dma_wait3A_517 = tpu.memref_slice %arg9[%run_scoped3A_249, %dma_wait3A_516] : memref<8x128xi32, #tpu.memory_space<vmem>> -> memref<1x128xi32, #tpu.memory_space<vmem>>
        %dma_wait3A_518 = tpu.memref_squeeze %dma_wait3A_517 : memref<1x128xi32, #tpu.memory_space<vmem>> -> memref<128xi32, #tpu.memory_space<vmem>>
        %dma_wait3A_519 = arith.constant 0 : i32
        %dma_wait3A_520 = arith.constant 0 : i32
        %dma_wait3A_521 = tpu.memref_slice %arg12[%dma_wait3A_519, %dma_wait3A_520] : memref<10240x128xf32, #tpu.memory_space<vmem_shared>> -> memref<10240x128xf32, #tpu.memory_space<vmem_shared>>
        tpu.wait_indirect_dma semaphore(%run_scoped3A_509 : memref<!tpu.dma_semaphore, #tpu.memory_space<semaphore_mem>>) src(%arg11 : memref<128x128xf32, #tpu.memory_space<vmem>>) dst(%dma_wait3A_521 : memref<10240x128xf32, #tpu.memory_space<vmem_shared>>)
        tpu.yield
      }) : () -> ()
      %add3A_250 = arith.constant 2 : i32
      %add3A_251 = arith.addi %add3A_242, %add3A_250 : i32
      %sub3A_252 = arith.constant 1 : i32
      %sub3A_253 = arith.subi %select_n3A_10, %sub3A_252 : i32
      %min3A_254 = arith.minsi %add3A_251, %sub3A_253 : i32
      %dma_start3A_255 = arith.constant 0 : i32
      %dma_start3A_256 = tpu.memref_slice %arg8[%min3A_254, %dma_start3A_255] : memref<40x128xi32, #tpu.memory_space<vmem>> -> memref<1x128xi32, #tpu.memory_space<vmem>>
      %dma_start3A_257 = tpu.memref_squeeze %dma_start3A_256 : memref<1x128xi32, #tpu.memory_space<vmem>> -> memref<128xi32, #tpu.memory_space<vmem>>
      %dma_start3A_258 = arith.constant 0 : i32
      %dma_start3A_259 = arith.constant 0 : i32
      %dma_start3A_260 = tpu.memref_slice %arg2[%dma_start3A_258, %dma_start3A_259] : memref<10000x128xf32, #tpu.memory_space<hbm>> -> memref<10000x128xf32, #tpu.memory_space<hbm>>
      tpu.enqueue_indirect_dma source(%dma_start3A_260 : memref<10000x128xf32, #tpu.memory_space<hbm>>) target(%arg11 : memref<128x128xf32, #tpu.memory_space<vmem>>) offsets(%dma_start3A_257 : memref<128xi32, #tpu.memory_space<vmem>>) semaphore(%arg14 : memref<!tpu.dma_semaphore, #tpu.memory_space<semaphore_mem>>)
      %get3A_261 = arith.constant 3 : i32
      %get3A_262 = arith.index_cast %get3A_261 : i32 to index
      %get3A_263 = arith.constant 0 : index
      %get3A_264 = tpu.vector_load %arg9[%get3A_262, %get3A_263] {strides = array<i32>} : memref<8x128xi32, #tpu.memory_space<vmem>>, vector<16xi32>,
      tpu.vector_store_idx %arg15[%get3A_264], %broadcast_in_dim3A_11 {add = true} : memref<10240xf32, #tpu.memory_space<vmem>>[vector<16xi32>], vector<16xf32>,
      %get3A_265 = arith.constant 3 : i32
      %get3A_266 = arith.index_cast %get3A_265 : i32 to index
      %get3A_267 = arith.constant 16 : index
      %get3A_268 = tpu.vector_load %arg9[%get3A_266, %get3A_267] {strides = array<i32>} : memref<8x128xi32, #tpu.memory_space<vmem>>, vector<16xi32>,
      tpu.vector_store_idx %arg15[%get3A_268], %broadcast_in_dim3A_11 {add = true} : memref<10240xf32, #tpu.memory_space<vmem>>[vector<16xi32>], vector<16xf32>,
      %get3A_269 = arith.constant 3 : i32
      %get3A_270 = arith.index_cast %get3A_269 : i32 to index
      %get3A_271 = arith.constant 32 : index
      %get3A_272 = tpu.vector_load %arg9[%get3A_270, %get3A_271] {strides = array<i32>} : memref<8x128xi32, #tpu.memory_space<vmem>>, vector<16xi32>,
      tpu.vector_store_idx %arg15[%get3A_272], %broadcast_in_dim3A_11 {add = true} : memref<10240xf32, #tpu.memory_space<vmem>>[vector<16xi32>], vector<16xf32>,
      %get3A_273 = arith.constant 3 : i32
      %get3A_274 = arith.index_cast %get3A_273 : i32 to index
      %get3A_275 = arith.constant 48 : index
      %get3A_276 = tpu.vector_load %arg9[%get3A_274, %get3A_275] {strides = array<i32>} : memref<8x128xi32, #tpu.memory_space<vmem>>, vector<16xi32>,
      tpu.vector_store_idx %arg15[%get3A_276], %broadcast_in_dim3A_11 {add = true} : memref<10240xf32, #tpu.memory_space<vmem>>[vector<16xi32>], vector<16xf32>,
      %get3A_277 = arith.constant 3 : i32
      %get3A_278 = arith.index_cast %get3A_277 : i32 to index
      %get3A_279 = arith.constant 64 : index
      %get3A_280 = tpu.vector_load %arg9[%get3A_278, %get3A_279] {strides = array<i32>} : memref<8x128xi32, #tpu.memory_space<vmem>>, vector<16xi32>,
      tpu.vector_store_idx %arg15[%get3A_280], %broadcast_in_dim3A_11 {add = true} : memref<10240xf32, #tpu.memory_space<vmem>>[vector<16xi32>], vector<16xf32>,
      %get3A_281 = arith.constant 3 : i32
      %get3A_282 = arith.index_cast %get3A_281 : i32 to index
      %get3A_283 = arith.constant 80 : index
      %get3A_284 = tpu.vector_load %arg9[%get3A_282, %get3A_283] {strides = array<i32>} : memref<8x128xi32, #tpu.memory_space<vmem>>, vector<16xi32>,
      tpu.vector_store_idx %arg15[%get3A_284], %broadcast_in_dim3A_11 {add = true} : memref<10240xf32, #tpu.memory_space<vmem>>[vector<16xi32>], vector<16xf32>,
      %get3A_285 = arith.constant 3 : i32
      %get3A_286 = arith.index_cast %get3A_285 : i32 to index
      %get3A_287 = arith.constant 96 : index
      %get3A_288 = tpu.vector_load %arg9[%get3A_286, %get3A_287] {strides = array<i32>} : memref<8x128xi32, #tpu.memory_space<vmem>>, vector<16xi32>,
      tpu.vector_store_idx %arg15[%get3A_288], %broadcast_in_dim3A_11 {add = true} : memref<10240xf32, #tpu.memory_space<vmem>>[vector<16xi32>], vector<16xf32>,
      %get3A_289 = arith.constant 3 : i32
      %get3A_290 = arith.index_cast %get3A_289 : i32 to index
      %get3A_291 = arith.constant 112 : index
      %get3A_292 = tpu.vector_load %arg9[%get3A_290, %get3A_291] {strides = array<i32>} : memref<8x128xi32, #tpu.memory_space<vmem>>, vector<16xi32>,
      tpu.vector_store_idx %arg15[%get3A_292], %broadcast_in_dim3A_11 {add = true} : memref<10240xf32, #tpu.memory_space<vmem>>[vector<16xi32>], vector<16xf32>,
      %mul3A_293 = arith.constant 8 : i32
      %mul3A_294 = arith.muli %while3A_76, %mul3A_293 : i32
      %add3A_295 = arith.constant 4 : i32
      %add3A_296 = arith.addi %mul3A_294, %add3A_295 : i32
      %dma_wait3A_297 = arith.constant 0 : i32
      %dma_wait3A_298 = tpu.memref_slice %arg8[%add3A_296, %dma_wait3A_297] : memref<40x128xi32, #tpu.memory_space<vmem>> -> memref<1x128xi32, #tpu.memory_space<vmem>>
      %dma_wait3A_299 = tpu.memref_squeeze %dma_wait3A_298 : memref<1x128xi32, #tpu.memory_space<vmem>> -> memref<128xi32, #tpu.memory_space<vmem>>
      %dma_wait3A_300 = arith.constant 0 : i32
      %dma_wait3A_301 = arith.constant 0 : i32
      %dma_wait3A_302 = tpu.memref_slice %arg2[%dma_wait3A_300, %dma_wait3A_301] : memref<10000x128xf32, #tpu.memory_space<hbm>> -> memref<10000x128xf32, #tpu.memory_space<hbm>>
      tpu.wait_indirect_dma semaphore(%arg13 : memref<!tpu.dma_semaphore, #tpu.memory_space<semaphore_mem>>) src(%dma_wait3A_302 : memref<10000x128xf32, #tpu.memory_space<hbm>>) dst(%arg10 : memref<128x128xf32, #tpu.memory_space<vmem>>)
      %run_scoped3A_303 = arith.constant 4 : i32
      "tpu.region"() ({
        %run_scoped3A_509 = tpu.sem_alloc : memref<!tpu.dma_semaphore, #tpu.memory_space<semaphore_mem>>
        %dma_start3A_510 = arith.constant 0 : i32
        %dma_start3A_511 = tpu.memref_slice %arg9[%run_scoped3A_303, %dma_start3A_510] : memref<8x128xi32, #tpu.memory_space<vmem>> -> memref<1x128xi32, #tpu.memory_space<vmem>>
        %dma_start3A_512 = tpu.memref_squeeze %dma_start3A_511 : memref<1x128xi32, #tpu.memory_space<vmem>> -> memref<128xi32, #tpu.memory_space<vmem>>
        %dma_start3A_513 = arith.constant 0 : i32
        %dma_start3A_514 = arith.constant 0 : i32
        %dma_start3A_515 = tpu.memref_slice %arg12[%dma_start3A_513, %dma_start3A_514] : memref<10240x128xf32, #tpu.memory_space<vmem_shared>> -> memref<10240x128xf32, #tpu.memory_space<vmem_shared>>
        tpu.enqueue_indirect_dma source(%arg10 : memref<128x128xf32, #tpu.memory_space<vmem>>) target(%dma_start3A_515 : memref<10240x128xf32, #tpu.memory_space<vmem_shared>>) offsets(%dma_start3A_512 : memref<128xi32, #tpu.memory_space<vmem>>) semaphore(%run_scoped3A_509 : memref<!tpu.dma_semaphore, #tpu.memory_space<semaphore_mem>>) {add = true}
        %dma_wait3A_516 = arith.constant 0 : i32
        %dma_wait3A_517 = tpu.memref_slice %arg9[%run_scoped3A_303, %dma_wait3A_516] : memref<8x128xi32, #tpu.memory_space<vmem>> -> memref<1x128xi32, #tpu.memory_space<vmem>>
        %dma_wait3A_518 = tpu.memref_squeeze %dma_wait3A_517 : memref<1x128xi32, #tpu.memory_space<vmem>> -> memref<128xi32, #tpu.memory_space<vmem>>
        %dma_wait3A_519 = arith.constant 0 : i32
        %dma_wait3A_520 = arith.constant 0 : i32
        %dma_wait3A_521 = tpu.memref_slice %arg12[%dma_wait3A_519, %dma_wait3A_520] : memref<10240x128xf32, #tpu.memory_space<vmem_shared>> -> memref<10240x128xf32, #tpu.memory_space<vmem_shared>>
        tpu.wait_indirect_dma semaphore(%run_scoped3A_509 : memref<!tpu.dma_semaphore, #tpu.memory_space<semaphore_mem>>) src(%arg10 : memref<128x128xf32, #tpu.memory_space<vmem>>) dst(%dma_wait3A_521 : memref<10240x128xf32, #tpu.memory_space<vmem_shared>>)
        tpu.yield
      }) : () -> ()
      %add3A_304 = arith.constant 2 : i32
      %add3A_305 = arith.addi %add3A_296, %add3A_304 : i32
      %sub3A_306 = arith.constant 1 : i32
      %sub3A_307 = arith.subi %select_n3A_10, %sub3A_306 : i32
      %min3A_308 = arith.minsi %add3A_305, %sub3A_307 : i32
      %dma_start3A_309 = arith.constant 0 : i32
      %dma_start3A_310 = tpu.memref_slice %arg8[%min3A_308, %dma_start3A_309] : memref<40x128xi32, #tpu.memory_space<vmem>> -> memref<1x128xi32, #tpu.memory_space<vmem>>
      %dma_start3A_311 = tpu.memref_squeeze %dma_start3A_310 : memref<1x128xi32, #tpu.memory_space<vmem>> -> memref<128xi32, #tpu.memory_space<vmem>>
      %dma_start3A_312 = arith.constant 0 : i32
      %dma_start3A_313 = arith.constant 0 : i32
      %dma_start3A_314 = tpu.memref_slice %arg2[%dma_start3A_312, %dma_start3A_313] : memref<10000x128xf32, #tpu.memory_space<hbm>> -> memref<10000x128xf32, #tpu.memory_space<hbm>>
      tpu.enqueue_indirect_dma source(%dma_start3A_314 : memref<10000x128xf32, #tpu.memory_space<hbm>>) target(%arg10 : memref<128x128xf32, #tpu.memory_space<vmem>>) offsets(%dma_start3A_311 : memref<128xi32, #tpu.memory_space<vmem>>) semaphore(%arg13 : memref<!tpu.dma_semaphore, #tpu.memory_space<semaphore_mem>>)
      %get3A_315 = arith.constant 4 : i32
      %get3A_316 = arith.index_cast %get3A_315 : i32 to index
      %get3A_317 = arith.constant 0 : index
      %get3A_318 = tpu.vector_load %arg9[%get3A_316, %get3A_317] {strides = array<i32>} : memref<8x128xi32, #tpu.memory_space<vmem>>, vector<16xi32>,
      tpu.vector_store_idx %arg15[%get3A_318], %broadcast_in_dim3A_11 {add = true} : memref<10240xf32, #tpu.memory_space<vmem>>[vector<16xi32>], vector<16xf32>,
      %get3A_319 = arith.constant 4 : i32
      %get3A_320 = arith.index_cast %get3A_319 : i32 to index
      %get3A_321 = arith.constant 16 : index
      %get3A_322 = tpu.vector_load %arg9[%get3A_320, %get3A_321] {strides = array<i32>} : memref<8x128xi32, #tpu.memory_space<vmem>>, vector<16xi32>,
      tpu.vector_store_idx %arg15[%get3A_322], %broadcast_in_dim3A_11 {add = true} : memref<10240xf32, #tpu.memory_space<vmem>>[vector<16xi32>], vector<16xf32>,
      %get3A_323 = arith.constant 4 : i32
      %get3A_324 = arith.index_cast %get3A_323 : i32 to index
      %get3A_325 = arith.constant 32 : index
      %get3A_326 = tpu.vector_load %arg9[%get3A_324, %get3A_325] {strides = array<i32>} : memref<8x128xi32, #tpu.memory_space<vmem>>, vector<16xi32>,
      tpu.vector_store_idx %arg15[%get3A_326], %broadcast_in_dim3A_11 {add = true} : memref<10240xf32, #tpu.memory_space<vmem>>[vector<16xi32>], vector<16xf32>,
      %get3A_327 = arith.constant 4 : i32
      %get3A_328 = arith.index_cast %get3A_327 : i32 to index
      %get3A_329 = arith.constant 48 : index
      %get3A_330 = tpu.vector_load %arg9[%get3A_328, %get3A_329] {strides = array<i32>} : memref<8x128xi32, #tpu.memory_space<vmem>>, vector<16xi32>,
      tpu.vector_store_idx %arg15[%get3A_330], %broadcast_in_dim3A_11 {add = true} : memref<10240xf32, #tpu.memory_space<vmem>>[vector<16xi32>], vector<16xf32>,
      %get3A_331 = arith.constant 4 : i32
      %get3A_332 = arith.index_cast %get3A_331 : i32 to index
      %get3A_333 = arith.constant 64 : index
      %get3A_334 = tpu.vector_load %arg9[%get3A_332, %get3A_333] {strides = array<i32>} : memref<8x128xi32, #tpu.memory_space<vmem>>, vector<16xi32>,
      tpu.vector_store_idx %arg15[%get3A_334], %broadcast_in_dim3A_11 {add = true} : memref<10240xf32, #tpu.memory_space<vmem>>[vector<16xi32>], vector<16xf32>,
      %get3A_335 = arith.constant 4 : i32
      %get3A_336 = arith.index_cast %get3A_335 : i32 to index
      %get3A_337 = arith.constant 80 : index
      %get3A_338 = tpu.vector_load %arg9[%get3A_336, %get3A_337] {strides = array<i32>} : memref<8x128xi32, #tpu.memory_space<vmem>>, vector<16xi32>,
      tpu.vector_store_idx %arg15[%get3A_338], %broadcast_in_dim3A_11 {add = true} : memref<10240xf32, #tpu.memory_space<vmem>>[vector<16xi32>], vector<16xf32>,
      %get3A_339 = arith.constant 4 : i32
      %get3A_340 = arith.index_cast %get3A_339 : i32 to index
      %get3A_341 = arith.constant 96 : index
      %get3A_342 = tpu.vector_load %arg9[%get3A_340, %get3A_341] {strides = array<i32>} : memref<8x128xi32, #tpu.memory_space<vmem>>, vector<16xi32>,
      tpu.vector_store_idx %arg15[%get3A_342], %broadcast_in_dim3A_11 {add = true} : memref<10240xf32, #tpu.memory_space<vmem>>[vector<16xi32>], vector<16xf32>,
      %get3A_343 = arith.constant 4 : i32
      %get3A_344 = arith.index_cast %get3A_343 : i32 to index
      %get3A_345 = arith.constant 112 : index
      %get3A_346 = tpu.vector_load %arg9[%get3A_344, %get3A_345] {strides = array<i32>} : memref<8x128xi32, #tpu.memory_space<vmem>>, vector<16xi32>,
      tpu.vector_store_idx %arg15[%get3A_346], %broadcast_in_dim3A_11 {add = true} : memref<10240xf32, #tpu.memory_space<vmem>>[vector<16xi32>], vector<16xf32>,
      %mul3A_347 = arith.constant 8 : i32
      %mul3A_348 = arith.muli %while3A_76, %mul3A_347 : i32
      %add3A_349 = arith.constant 5 : i32
      %add3A_350 = arith.addi %mul3A_348, %add3A_349 : i32
      %dma_wait3A_351 = arith.constant 0 : i32
      %dma_wait3A_352 = tpu.memref_slice %arg8[%add3A_350, %dma_wait3A_351] : memref<40x128xi32, #tpu.memory_space<vmem>> -> memref<1x128xi32, #tpu.memory_space<vmem>>
      %dma_wait3A_353 = tpu.memref_squeeze %dma_wait3A_352 : memref<1x128xi32, #tpu.memory_space<vmem>> -> memref<128xi32, #tpu.memory_space<vmem>>
      %dma_wait3A_354 = arith.constant 0 : i32
      %dma_wait3A_355 = arith.constant 0 : i32
      %dma_wait3A_356 = tpu.memref_slice %arg2[%dma_wait3A_354, %dma_wait3A_355] : memref<10000x128xf32, #tpu.memory_space<hbm>> -> memref<10000x128xf32, #tpu.memory_space<hbm>>
      tpu.wait_indirect_dma semaphore(%arg14 : memref<!tpu.dma_semaphore, #tpu.memory_space<semaphore_mem>>) src(%dma_wait3A_356 : memref<10000x128xf32, #tpu.memory_space<hbm>>) dst(%arg11 : memref<128x128xf32, #tpu.memory_space<vmem>>)
      %run_scoped3A_357 = arith.constant 5 : i32
      "tpu.region"() ({
        %run_scoped3A_509 = tpu.sem_alloc : memref<!tpu.dma_semaphore, #tpu.memory_space<semaphore_mem>>
        %dma_start3A_510 = arith.constant 0 : i32
        %dma_start3A_511 = tpu.memref_slice %arg9[%run_scoped3A_357, %dma_start3A_510] : memref<8x128xi32, #tpu.memory_space<vmem>> -> memref<1x128xi32, #tpu.memory_space<vmem>>
        %dma_start3A_512 = tpu.memref_squeeze %dma_start3A_511 : memref<1x128xi32, #tpu.memory_space<vmem>> -> memref<128xi32, #tpu.memory_space<vmem>>
        %dma_start3A_513 = arith.constant 0 : i32
        %dma_start3A_514 = arith.constant 0 : i32
        %dma_start3A_515 = tpu.memref_slice %arg12[%dma_start3A_513, %dma_start3A_514] : memref<10240x128xf32, #tpu.memory_space<vmem_shared>> -> memref<10240x128xf32, #tpu.memory_space<vmem_shared>>
        tpu.enqueue_indirect_dma source(%arg11 : memref<128x128xf32, #tpu.memory_space<vmem>>) target(%dma_start3A_515 : memref<10240x128xf32, #tpu.memory_space<vmem_shared>>) offsets(%dma_start3A_512 : memref<128xi32, #tpu.memory_space<vmem>>) semaphore(%run_scoped3A_509 : memref<!tpu.dma_semaphore, #tpu.memory_space<semaphore_mem>>) {add = true}
        %dma_wait3A_516 = arith.constant 0 : i32
        %dma_wait3A_517 = tpu.memref_slice %arg9[%run_scoped3A_357, %dma_wait3A_516] : memref<8x128xi32, #tpu.memory_space<vmem>> -> memref<1x128xi32, #tpu.memory_space<vmem>>
        %dma_wait3A_518 = tpu.memref_squeeze %dma_wait3A_517 : memref<1x128xi32, #tpu.memory_space<vmem>> -> memref<128xi32, #tpu.memory_space<vmem>>
        %dma_wait3A_519 = arith.constant 0 : i32
        %dma_wait3A_520 = arith.constant 0 : i32
        %dma_wait3A_521 = tpu.memref_slice %arg12[%dma_wait3A_519, %dma_wait3A_520] : memref<10240x128xf32, #tpu.memory_space<vmem_shared>> -> memref<10240x128xf32, #tpu.memory_space<vmem_shared>>
        tpu.wait_indirect_dma semaphore(%run_scoped3A_509 : memref<!tpu.dma_semaphore, #tpu.memory_space<semaphore_mem>>) src(%arg11 : memref<128x128xf32, #tpu.memory_space<vmem>>) dst(%dma_wait3A_521 : memref<10240x128xf32, #tpu.memory_space<vmem_shared>>)
        tpu.yield
      }) : () -> ()
      %add3A_358 = arith.constant 2 : i32
      %add3A_359 = arith.addi %add3A_350, %add3A_358 : i32
      %sub3A_360 = arith.constant 1 : i32
      %sub3A_361 = arith.subi %select_n3A_10, %sub3A_360 : i32
      %min3A_362 = arith.minsi %add3A_359, %sub3A_361 : i32
      %dma_start3A_363 = arith.constant 0 : i32
      %dma_start3A_364 = tpu.memref_slice %arg8[%min3A_362, %dma_start3A_363] : memref<40x128xi32, #tpu.memory_space<vmem>> -> memref<1x128xi32, #tpu.memory_space<vmem>>
      %dma_start3A_365 = tpu.memref_squeeze %dma_start3A_364 : memref<1x128xi32, #tpu.memory_space<vmem>> -> memref<128xi32, #tpu.memory_space<vmem>>
      %dma_start3A_366 = arith.constant 0 : i32
      %dma_start3A_367 = arith.constant 0 : i32
      %dma_start3A_368 = tpu.memref_slice %arg2[%dma_start3A_366, %dma_start3A_367] : memref<10000x128xf32, #tpu.memory_space<hbm>> -> memref<10000x128xf32, #tpu.memory_space<hbm>>
      tpu.enqueue_indirect_dma source(%dma_start3A_368 : memref<10000x128xf32, #tpu.memory_space<hbm>>) target(%arg11 : memref<128x128xf32, #tpu.memory_space<vmem>>) offsets(%dma_start3A_365 : memref<128xi32, #tpu.memory_space<vmem>>) semaphore(%arg14 : memref<!tpu.dma_semaphore, #tpu.memory_space<semaphore_mem>>)
      %get3A_369 = arith.constant 5 : i32
      %get3A_370 = arith.index_cast %get3A_369 : i32 to index
      %get3A_371 = arith.constant 0 : index
      %get3A_372 = tpu.vector_load %arg9[%get3A_370, %get3A_371] {strides = array<i32>} : memref<8x128xi32, #tpu.memory_space<vmem>>, vector<16xi32>,
      tpu.vector_store_idx %arg15[%get3A_372], %broadcast_in_dim3A_11 {add = true} : memref<10240xf32, #tpu.memory_space<vmem>>[vector<16xi32>], vector<16xf32>,
      %get3A_373 = arith.constant 5 : i32
      %get3A_374 = arith.index_cast %get3A_373 : i32 to index
      %get3A_375 = arith.constant 16 : index
      %get3A_376 = tpu.vector_load %arg9[%get3A_374, %get3A_375] {strides = array<i32>} : memref<8x128xi32, #tpu.memory_space<vmem>>, vector<16xi32>,
      tpu.vector_store_idx %arg15[%get3A_376], %broadcast_in_dim3A_11 {add = true} : memref<10240xf32, #tpu.memory_space<vmem>>[vector<16xi32>], vector<16xf32>,
      %get3A_377 = arith.constant 5 : i32
      %get3A_378 = arith.index_cast %get3A_377 : i32 to index
      %get3A_379 = arith.constant 32 : index
      %get3A_380 = tpu.vector_load %arg9[%get3A_378, %get3A_379] {strides = array<i32>} : memref<8x128xi32, #tpu.memory_space<vmem>>, vector<16xi32>,
      tpu.vector_store_idx %arg15[%get3A_380], %broadcast_in_dim3A_11 {add = true} : memref<10240xf32, #tpu.memory_space<vmem>>[vector<16xi32>], vector<16xf32>,
      %get3A_381 = arith.constant 5 : i32
      %get3A_382 = arith.index_cast %get3A_381 : i32 to index
      %get3A_383 = arith.constant 48 : index
      %get3A_384 = tpu.vector_load %arg9[%get3A_382, %get3A_383] {strides = array<i32>} : memref<8x128xi32, #tpu.memory_space<vmem>>, vector<16xi32>,
      tpu.vector_store_idx %arg15[%get3A_384], %broadcast_in_dim3A_11 {add = true} : memref<10240xf32, #tpu.memory_space<vmem>>[vector<16xi32>], vector<16xf32>,
      %get3A_385 = arith.constant 5 : i32
      %get3A_386 = arith.index_cast %get3A_385 : i32 to index
      %get3A_387 = arith.constant 64 : index
      %get3A_388 = tpu.vector_load %arg9[%get3A_386, %get3A_387] {strides = array<i32>} : memref<8x128xi32, #tpu.memory_space<vmem>>, vector<16xi32>,
      tpu.vector_store_idx %arg15[%get3A_388], %broadcast_in_dim3A_11 {add = true} : memref<10240xf32, #tpu.memory_space<vmem>>[vector<16xi32>], vector<16xf32>,
      %get3A_389 = arith.constant 5 : i32
      %get3A_390 = arith.index_cast %get3A_389 : i32 to index
      %get3A_391 = arith.constant 80 : index
      %get3A_392 = tpu.vector_load %arg9[%get3A_390, %get3A_391] {strides = array<i32>} : memref<8x128xi32, #tpu.memory_space<vmem>>, vector<16xi32>,
      tpu.vector_store_idx %arg15[%get3A_392], %broadcast_in_dim3A_11 {add = true} : memref<10240xf32, #tpu.memory_space<vmem>>[vector<16xi32>], vector<16xf32>,
      %get3A_393 = arith.constant 5 : i32
      %get3A_394 = arith.index_cast %get3A_393 : i32 to index
      %get3A_395 = arith.constant 96 : index
      %get3A_396 = tpu.vector_load %arg9[%get3A_394, %get3A_395] {strides = array<i32>} : memref<8x128xi32, #tpu.memory_space<vmem>>, vector<16xi32>,
      tpu.vector_store_idx %arg15[%get3A_396], %broadcast_in_dim3A_11 {add = true} : memref<10240xf32, #tpu.memory_space<vmem>>[vector<16xi32>], vector<16xf32>,
      %get3A_397 = arith.constant 5 : i32
      %get3A_398 = arith.index_cast %get3A_397 : i32 to index
      %get3A_399 = arith.constant 112 : index
      %get3A_400 = tpu.vector_load %arg9[%get3A_398, %get3A_399] {strides = array<i32>} : memref<8x128xi32, #tpu.memory_space<vmem>>, vector<16xi32>,
      tpu.vector_store_idx %arg15[%get3A_400], %broadcast_in_dim3A_11 {add = true} : memref<10240xf32, #tpu.memory_space<vmem>>[vector<16xi32>], vector<16xf32>,
      %mul3A_401 = arith.constant 8 : i32
      %mul3A_402 = arith.muli %while3A_76, %mul3A_401 : i32
      %add3A_403 = arith.constant 6 : i32
      %add3A_404 = arith.addi %mul3A_402, %add3A_403 : i32
      %dma_wait3A_405 = arith.constant 0 : i32
      %dma_wait3A_406 = tpu.memref_slice %arg8[%add3A_404, %dma_wait3A_405] : memref<40x128xi32, #tpu.memory_space<vmem>> -> memref<1x128xi32, #tpu.memory_space<vmem>>
      %dma_wait3A_407 = tpu.memref_squeeze %dma_wait3A_406 : memref<1x128xi32, #tpu.memory_space<vmem>> -> memref<128xi32, #tpu.memory_space<vmem>>
      %dma_wait3A_408 = arith.constant 0 : i32
      %dma_wait3A_409 = arith.constant 0 : i32
      %dma_wait3A_410 = tpu.memref_slice %arg2[%dma_wait3A_408, %dma_wait3A_409] : memref<10000x128xf32, #tpu.memory_space<hbm>> -> memref<10000x128xf32, #tpu.memory_space<hbm>>
      tpu.wait_indirect_dma semaphore(%arg13 : memref<!tpu.dma_semaphore, #tpu.memory_space<semaphore_mem>>) src(%dma_wait3A_410 : memref<10000x128xf32, #tpu.memory_space<hbm>>) dst(%arg10 : memref<128x128xf32, #tpu.memory_space<vmem>>)
      %run_scoped3A_411 = arith.constant 6 : i32
      "tpu.region"() ({
        %run_scoped3A_509 = tpu.sem_alloc : memref<!tpu.dma_semaphore, #tpu.memory_space<semaphore_mem>>
        %dma_start3A_510 = arith.constant 0 : i32
        %dma_start3A_511 = tpu.memref_slice %arg9[%run_scoped3A_411, %dma_start3A_510] : memref<8x128xi32, #tpu.memory_space<vmem>> -> memref<1x128xi32, #tpu.memory_space<vmem>>
        %dma_start3A_512 = tpu.memref_squeeze %dma_start3A_511 : memref<1x128xi32, #tpu.memory_space<vmem>> -> memref<128xi32, #tpu.memory_space<vmem>>
        %dma_start3A_513 = arith.constant 0 : i32
        %dma_start3A_514 = arith.constant 0 : i32
        %dma_start3A_515 = tpu.memref_slice %arg12[%dma_start3A_513, %dma_start3A_514] : memref<10240x128xf32, #tpu.memory_space<vmem_shared>> -> memref<10240x128xf32, #tpu.memory_space<vmem_shared>>
        tpu.enqueue_indirect_dma source(%arg10 : memref<128x128xf32, #tpu.memory_space<vmem>>) target(%dma_start3A_515 : memref<10240x128xf32, #tpu.memory_space<vmem_shared>>) offsets(%dma_start3A_512 : memref<128xi32, #tpu.memory_space<vmem>>) semaphore(%run_scoped3A_509 : memref<!tpu.dma_semaphore, #tpu.memory_space<semaphore_mem>>) {add = true}
        %dma_wait3A_516 = arith.constant 0 : i32
        %dma_wait3A_517 = tpu.memref_slice %arg9[%run_scoped3A_411, %dma_wait3A_516] : memref<8x128xi32, #tpu.memory_space<vmem>> -> memref<1x128xi32, #tpu.memory_space<vmem>>
        %dma_wait3A_518 = tpu.memref_squeeze %dma_wait3A_517 : memref<1x128xi32, #tpu.memory_space<vmem>> -> memref<128xi32, #tpu.memory_space<vmem>>
        %dma_wait3A_519 = arith.constant 0 : i32
        %dma_wait3A_520 = arith.constant 0 : i32
        %dma_wait3A_521 = tpu.memref_slice %arg12[%dma_wait3A_519, %dma_wait3A_520] : memref<10240x128xf32, #tpu.memory_space<vmem_shared>> -> memref<10240x128xf32, #tpu.memory_space<vmem_shared>>
        tpu.wait_indirect_dma semaphore(%run_scoped3A_509 : memref<!tpu.dma_semaphore, #tpu.memory_space<semaphore_mem>>) src(%arg10 : memref<128x128xf32, #tpu.memory_space<vmem>>) dst(%dma_wait3A_521 : memref<10240x128xf32, #tpu.memory_space<vmem_shared>>)
        tpu.yield
      }) : () -> ()
      %add3A_412 = arith.constant 2 : i32
      %add3A_413 = arith.addi %add3A_404, %add3A_412 : i32
      %sub3A_414 = arith.constant 1 : i32
      %sub3A_415 = arith.subi %select_n3A_10, %sub3A_414 : i32
      %min3A_416 = arith.minsi %add3A_413, %sub3A_415 : i32
      %dma_start3A_417 = arith.constant 0 : i32
      %dma_start3A_418 = tpu.memref_slice %arg8[%min3A_416, %dma_start3A_417] : memref<40x128xi32, #tpu.memory_space<vmem>> -> memref<1x128xi32, #tpu.memory_space<vmem>>
      %dma_start3A_419 = tpu.memref_squeeze %dma_start3A_418 : memref<1x128xi32, #tpu.memory_space<vmem>> -> memref<128xi32, #tpu.memory_space<vmem>>
      %dma_start3A_420 = arith.constant 0 : i32
      %dma_start3A_421 = arith.constant 0 : i32
      %dma_start3A_422 = tpu.memref_slice %arg2[%dma_start3A_420, %dma_start3A_421] : memref<10000x128xf32, #tpu.memory_space<hbm>> -> memref<10000x128xf32, #tpu.memory_space<hbm>>
      tpu.enqueue_indirect_dma source(%dma_start3A_422 : memref<10000x128xf32, #tpu.memory_space<hbm>>) target(%arg10 : memref<128x128xf32, #tpu.memory_space<vmem>>) offsets(%dma_start3A_419 : memref<128xi32, #tpu.memory_space<vmem>>) semaphore(%arg13 : memref<!tpu.dma_semaphore, #tpu.memory_space<semaphore_mem>>)
      %get3A_423 = arith.constant 6 : i32
      %get3A_424 = arith.index_cast %get3A_423 : i32 to index
      %get3A_425 = arith.constant 0 : index
      %get3A_426 = tpu.vector_load %arg9[%get3A_424, %get3A_425] {strides = array<i32>} : memref<8x128xi32, #tpu.memory_space<vmem>>, vector<16xi32>,
      tpu.vector_store_idx %arg15[%get3A_426], %broadcast_in_dim3A_11 {add = true} : memref<10240xf32, #tpu.memory_space<vmem>>[vector<16xi32>], vector<16xf32>,
      %get3A_427 = arith.constant 6 : i32
      %get3A_428 = arith.index_cast %get3A_427 : i32 to index
      %get3A_429 = arith.constant 16 : index
      %get3A_430 = tpu.vector_load %arg9[%get3A_428, %get3A_429] {strides = array<i32>} : memref<8x128xi32, #tpu.memory_space<vmem>>, vector<16xi32>,
      tpu.vector_store_idx %arg15[%get3A_430], %broadcast_in_dim3A_11 {add = true} : memref<10240xf32, #tpu.memory_space<vmem>>[vector<16xi32>], vector<16xf32>,
      %get3A_431 = arith.constant 6 : i32
      %get3A_432 = arith.index_cast %get3A_431 : i32 to index
      %get3A_433 = arith.constant 32 : index
      %get3A_434 = tpu.vector_load %arg9[%get3A_432, %get3A_433] {strides = array<i32>} : memref<8x128xi32, #tpu.memory_space<vmem>>, vector<16xi32>,
      tpu.vector_store_idx %arg15[%get3A_434], %broadcast_in_dim3A_11 {add = true} : memref<10240xf32, #tpu.memory_space<vmem>>[vector<16xi32>], vector<16xf32>,
      %get3A_435 = arith.constant 6 : i32
      %get3A_436 = arith.index_cast %get3A_435 : i32 to index
      %get3A_437 = arith.constant 48 : index
      %get3A_438 = tpu.vector_load %arg9[%get3A_436, %get3A_437] {strides = array<i32>} : memref<8x128xi32, #tpu.memory_space<vmem>>, vector<16xi32>,
      tpu.vector_store_idx %arg15[%get3A_438], %broadcast_in_dim3A_11 {add = true} : memref<10240xf32, #tpu.memory_space<vmem>>[vector<16xi32>], vector<16xf32>,
      %get3A_439 = arith.constant 6 : i32
      %get3A_440 = arith.index_cast %get3A_439 : i32 to index
      %get3A_441 = arith.constant 64 : index
      %get3A_442 = tpu.vector_load %arg9[%get3A_440, %get3A_441] {strides = array<i32>} : memref<8x128xi32, #tpu.memory_space<vmem>>, vector<16xi32>,
      tpu.vector_store_idx %arg15[%get3A_442], %broadcast_in_dim3A_11 {add = true} : memref<10240xf32, #tpu.memory_space<vmem>>[vector<16xi32>], vector<16xf32>,
      %get3A_443 = arith.constant 6 : i32
      %get3A_444 = arith.index_cast %get3A_443 : i32 to index
      %get3A_445 = arith.constant 80 : index
      %get3A_446 = tpu.vector_load %arg9[%get3A_444, %get3A_445] {strides = array<i32>} : memref<8x128xi32, #tpu.memory_space<vmem>>, vector<16xi32>,
      tpu.vector_store_idx %arg15[%get3A_446], %broadcast_in_dim3A_11 {add = true} : memref<10240xf32, #tpu.memory_space<vmem>>[vector<16xi32>], vector<16xf32>,
      %get3A_447 = arith.constant 6 : i32
      %get3A_448 = arith.index_cast %get3A_447 : i32 to index
      %get3A_449 = arith.constant 96 : index
      %get3A_450 = tpu.vector_load %arg9[%get3A_448, %get3A_449] {strides = array<i32>} : memref<8x128xi32, #tpu.memory_space<vmem>>, vector<16xi32>,
      tpu.vector_store_idx %arg15[%get3A_450], %broadcast_in_dim3A_11 {add = true} : memref<10240xf32, #tpu.memory_space<vmem>>[vector<16xi32>], vector<16xf32>,
      %get3A_451 = arith.constant 6 : i32
      %get3A_452 = arith.index_cast %get3A_451 : i32 to index
      %get3A_453 = arith.constant 112 : index
      %get3A_454 = tpu.vector_load %arg9[%get3A_452, %get3A_453] {strides = array<i32>} : memref<8x128xi32, #tpu.memory_space<vmem>>, vector<16xi32>,
      tpu.vector_store_idx %arg15[%get3A_454], %broadcast_in_dim3A_11 {add = true} : memref<10240xf32, #tpu.memory_space<vmem>>[vector<16xi32>], vector<16xf32>,
      %mul3A_455 = arith.constant 8 : i32
      %mul3A_456 = arith.muli %while3A_76, %mul3A_455 : i32
      %add3A_457 = arith.constant 7 : i32
      %add3A_458 = arith.addi %mul3A_456, %add3A_457 : i32
      %dma_wait3A_459 = arith.constant 0 : i32
      %dma_wait3A_460 = tpu.memref_slice %arg8[%add3A_458, %dma_wait3A_459] : memref<40x128xi32, #tpu.memory_space<vmem>> -> memref<1x128xi32, #tpu.memory_space<vmem>>
      %dma_wait3A_461 = tpu.memref_squeeze %dma_wait3A_460 : memref<1x128xi32, #tpu.memory_space<vmem>> -> memref<128xi32, #tpu.memory_space<vmem>>
      %dma_wait3A_462 = arith.constant 0 : i32
      %dma_wait3A_463 = arith.constant 0 : i32
      %dma_wait3A_464 = tpu.memref_slice %arg2[%dma_wait3A_462, %dma_wait3A_463] : memref<10000x128xf32, #tpu.memory_space<hbm>> -> memref<10000x128xf32, #tpu.memory_space<hbm>>
      tpu.wait_indirect_dma semaphore(%arg14 : memref<!tpu.dma_semaphore, #tpu.memory_space<semaphore_mem>>) src(%dma_wait3A_464 : memref<10000x128xf32, #tpu.memory_space<hbm>>) dst(%arg11 : memref<128x128xf32, #tpu.memory_space<vmem>>)
      %run_scoped3A_465 = arith.constant 7 : i32
      "tpu.region"() ({
        %run_scoped3A_509 = tpu.sem_alloc : memref<!tpu.dma_semaphore, #tpu.memory_space<semaphore_mem>>
        %dma_start3A_510 = arith.constant 0 : i32
        %dma_start3A_511 = tpu.memref_slice %arg9[%run_scoped3A_465, %dma_start3A_510] : memref<8x128xi32, #tpu.memory_space<vmem>> -> memref<1x128xi32, #tpu.memory_space<vmem>>
        %dma_start3A_512 = tpu.memref_squeeze %dma_start3A_511 : memref<1x128xi32, #tpu.memory_space<vmem>> -> memref<128xi32, #tpu.memory_space<vmem>>
        %dma_start3A_513 = arith.constant 0 : i32
        %dma_start3A_514 = arith.constant 0 : i32
        %dma_start3A_515 = tpu.memref_slice %arg12[%dma_start3A_513, %dma_start3A_514] : memref<10240x128xf32, #tpu.memory_space<vmem_shared>> -> memref<10240x128xf32, #tpu.memory_space<vmem_shared>>
        tpu.enqueue_indirect_dma source(%arg11 : memref<128x128xf32, #tpu.memory_space<vmem>>) target(%dma_start3A_515 : memref<10240x128xf32, #tpu.memory_space<vmem_shared>>) offsets(%dma_start3A_512 : memref<128xi32, #tpu.memory_space<vmem>>) semaphore(%run_scoped3A_509 : memref<!tpu.dma_semaphore, #tpu.memory_space<semaphore_mem>>) {add = true}
        %dma_wait3A_516 = arith.constant 0 : i32
        %dma_wait3A_517 = tpu.memref_slice %arg9[%run_scoped3A_465, %dma_wait3A_516] : memref<8x128xi32, #tpu.memory_space<vmem>> -> memref<1x128xi32, #tpu.memory_space<vmem>>
        %dma_wait3A_518 = tpu.memref_squeeze %dma_wait3A_517 : memref<1x128xi32, #tpu.memory_space<vmem>> -> memref<128xi32, #tpu.memory_space<vmem>>
        %dma_wait3A_519 = arith.constant 0 : i32
        %dma_wait3A_520 = arith.constant 0 : i32
        %dma_wait3A_521 = tpu.memref_slice %arg12[%dma_wait3A_519, %dma_wait3A_520] : memref<10240x128xf32, #tpu.memory_space<vmem_shared>> -> memref<10240x128xf32, #tpu.memory_space<vmem_shared>>
        tpu.wait_indirect_dma semaphore(%run_scoped3A_509 : memref<!tpu.dma_semaphore, #tpu.memory_space<semaphore_mem>>) src(%arg11 : memref<128x128xf32, #tpu.memory_space<vmem>>) dst(%dma_wait3A_521 : memref<10240x128xf32, #tpu.memory_space<vmem_shared>>)
        tpu.yield
      }) : () -> ()
      %add3A_466 = arith.constant 2 : i32
      %add3A_467 = arith.addi %add3A_458, %add3A_466 : i32
      %sub3A_468 = arith.constant 1 : i32
      %sub3A_469 = arith.subi %select_n3A_10, %sub3A_468 : i32
      %min3A_470 = arith.minsi %add3A_467, %sub3A_469 : i32
      %dma_start3A_471 = arith.constant 0 : i32
      %dma_start3A_472 = tpu.memref_slice %arg8[%min3A_470, %dma_start3A_471] : memref<40x128xi32, #tpu.memory_space<vmem>> -> memref<1x128xi32, #tpu.memory_space<vmem>>
      %dma_start3A_473 = tpu.memref_squeeze %dma_start3A_472 : memref<1x128xi32, #tpu.memory_space<vmem>> -> memref<128xi32, #tpu.memory_space<vmem>>
      %dma_start3A_474 = arith.constant 0 : i32
      %dma_start3A_475 = arith.constant 0 : i32
      %dma_start3A_476 = tpu.memref_slice %arg2[%dma_start3A_474, %dma_start3A_475] : memref<10000x128xf32, #tpu.memory_space<hbm>> -> memref<10000x128xf32, #tpu.memory_space<hbm>>
      tpu.enqueue_indirect_dma source(%dma_start3A_476 : memref<10000x128xf32, #tpu.memory_space<hbm>>) target(%arg11 : memref<128x128xf32, #tpu.memory_space<vmem>>) offsets(%dma_start3A_473 : memref<128xi32, #tpu.memory_space<vmem>>) semaphore(%arg14 : memref<!tpu.dma_semaphore, #tpu.memory_space<semaphore_mem>>)
      %get3A_477 = arith.constant 7 : i32
      %get3A_478 = arith.index_cast %get3A_477 : i32 to index
      %get3A_479 = arith.constant 0 : index
      %get3A_480 = tpu.vector_load %arg9[%get3A_478, %get3A_479] {strides = array<i32>} : memref<8x128xi32, #tpu.memory_space<vmem>>, vector<16xi32>,
      tpu.vector_store_idx %arg15[%get3A_480], %broadcast_in_dim3A_11 {add = true} : memref<10240xf32, #tpu.memory_space<vmem>>[vector<16xi32>], vector<16xf32>,
      %get3A_481 = arith.constant 7 : i32
      %get3A_482 = arith.index_cast %get3A_481 : i32 to index
      %get3A_483 = arith.constant 16 : index
      %get3A_484 = tpu.vector_load %arg9[%get3A_482, %get3A_483] {strides = array<i32>} : memref<8x128xi32, #tpu.memory_space<vmem>>, vector<16xi32>,
      tpu.vector_store_idx %arg15[%get3A_484], %broadcast_in_dim3A_11 {add = true} : memref<10240xf32, #tpu.memory_space<vmem>>[vector<16xi32>], vector<16xf32>,
      %get3A_485 = arith.constant 7 : i32
      %get3A_486 = arith.index_cast %get3A_485 : i32 to index
      %get3A_487 = arith.constant 32 : index
      %get3A_488 = tpu.vector_load %arg9[%get3A_486, %get3A_487] {strides = array<i32>} : memref<8x128xi32, #tpu.memory_space<vmem>>, vector<16xi32>,
      tpu.vector_store_idx %arg15[%get3A_488], %broadcast_in_dim3A_11 {add = true} : memref<10240xf32, #tpu.memory_space<vmem>>[vector<16xi32>], vector<16xf32>,
      %get3A_489 = arith.constant 7 : i32
      %get3A_490 = arith.index_cast %get3A_489 : i32 to index
      %get3A_491 = arith.constant 48 : index
      %get3A_492 = tpu.vector_load %arg9[%get3A_490, %get3A_491] {strides = array<i32>} : memref<8x128xi32, #tpu.memory_space<vmem>>, vector<16xi32>,
      tpu.vector_store_idx %arg15[%get3A_492], %broadcast_in_dim3A_11 {add = true} : memref<10240xf32, #tpu.memory_space<vmem>>[vector<16xi32>], vector<16xf32>,
      %get3A_493 = arith.constant 7 : i32
      %get3A_494 = arith.index_cast %get3A_493 : i32 to index
      %get3A_495 = arith.constant 64 : index
      %get3A_496 = tpu.vector_load %arg9[%get3A_494, %get3A_495] {strides = array<i32>} : memref<8x128xi32, #tpu.memory_space<vmem>>, vector<16xi32>,
      tpu.vector_store_idx %arg15[%get3A_496], %broadcast_in_dim3A_11 {add = true} : memref<10240xf32, #tpu.memory_space<vmem>>[vector<16xi32>], vector<16xf32>,
      %get3A_497 = arith.constant 7 : i32
      %get3A_498 = arith.index_cast %get3A_497 : i32 to index
      %get3A_499 = arith.constant 80 : index
      %get3A_500 = tpu.vector_load %arg9[%get3A_498, %get3A_499] {strides = array<i32>} : memref<8x128xi32, #tpu.memory_space<vmem>>, vector<16xi32>,
      tpu.vector_store_idx %arg15[%get3A_500], %broadcast_in_dim3A_11 {add = true} : memref<10240xf32, #tpu.memory_space<vmem>>[vector<16xi32>], vector<16xf32>,
      %get3A_501 = arith.constant 7 : i32
      %get3A_502 = arith.index_cast %get3A_501 : i32 to index
      %get3A_503 = arith.constant 96 : index
      %get3A_504 = tpu.vector_load %arg9[%get3A_502, %get3A_503] {strides = array<i32>} : memref<8x128xi32, #tpu.memory_space<vmem>>, vector<16xi32>,
      tpu.vector_store_idx %arg15[%get3A_504], %broadcast_in_dim3A_11 {add = true} : memref<10240xf32, #tpu.memory_space<vmem>>[vector<16xi32>], vector<16xf32>,
      %get3A_505 = arith.constant 7 : i32
      %get3A_506 = arith.index_cast %get3A_505 : i32 to index
      %get3A_507 = arith.constant 112 : index
      %get3A_508 = tpu.vector_load %arg9[%get3A_506, %get3A_507] {strides = array<i32>} : memref<8x128xi32, #tpu.memory_space<vmem>>, vector<16xi32>,
      tpu.vector_store_idx %arg15[%get3A_508], %broadcast_in_dim3A_11 {add = true} : memref<10240xf32, #tpu.memory_space<vmem>>[vector<16xi32>], vector<16xf32>,
    }
    %while3A_58 = arith.constant 1 : i32
    scf.for %while3A_76 = %while3A_56 to %while3A_52 step %while3A_58  : i32 {
      %mul3A_77 = arith.constant 8 : i32
      %mul3A_78 = arith.muli %while3A_76, %mul3A_77 : i32
      %add3A_79 = arith.addi %select_n3A, %mul3A_78 : i32
      "tpu.region"() ({
        %run_scoped3A_509 = tpu.sem_alloc : memref<!tpu.dma_semaphore, #tpu.memory_space<semaphore_mem>>
        %dma_start3A_510 = arith.constant 0 : i32
        %dma_start3A_511 = tpu.memref_slice %arg4[%add3A_79, %dma_start3A_510] : memref<1280x128xi32, #tpu.memory_space<hbm>> -> memref<8x128xi32, #tpu.memory_space<hbm>>
        %dma_start3A_512 = arith.constant 0 : i32
        %dma_start3A_513 = tpu.memref_slice %arg4[%add3A_79, %dma_start3A_512] : memref<1280x128xi32, #tpu.memory_space<hbm>> -> memref<8x128xi32, #tpu.memory_space<hbm>>
        tpu.enqueue_dma source(%dma_start3A_513 : memref<8x128xi32, #tpu.memory_space<hbm>>) target(%arg9 : memref<8x128xi32, #tpu.memory_space<vmem>>) target_semaphore(%run_scoped3A_509 : memref<!tpu.dma_semaphore, #tpu.memory_space<semaphore_mem>>)
        %dma_wait3A_514 = arith.constant 0 : i32
        %dma_wait3A_515 = tpu.memref_slice %arg4[%add3A_79, %dma_wait3A_514] : memref<1280x128xi32, #tpu.memory_space<hbm>> -> memref<8x128xi32, #tpu.memory_space<hbm>>
        %dma_wait3A_516 = arith.constant 0 : i32
        %dma_wait3A_517 = tpu.memref_slice %arg4[%add3A_79, %dma_wait3A_516] : memref<1280x128xi32, #tpu.memory_space<hbm>> -> memref<8x128xi32, #tpu.memory_space<hbm>>
        tpu.wait_dma2 semaphore(%run_scoped3A_509 : memref<!tpu.dma_semaphore, #tpu.memory_space<semaphore_mem>>) src(%dma_wait3A_517 : memref<8x128xi32, #tpu.memory_space<hbm>>) dst(%arg9 : memref<8x128xi32, #tpu.memory_space<vmem>>)
        tpu.yield
      }) : () -> ()
      %mul3A_80 = arith.constant 8 : i32
      %mul3A_81 = arith.muli %while3A_76, %mul3A_80 : i32
      %add3A_82 = arith.constant 0 : i32
      %add3A_83 = arith.addi %mul3A_81, %add3A_82 : i32
      %dma_wait3A_84 = arith.constant 0 : i32
      %dma_wait3A_85 = tpu.memref_slice %arg8[%add3A_83, %dma_wait3A_84] : memref<40x128xi32, #tpu.memory_space<vmem>> -> memref<1x128xi32, #tpu.memory_space<vmem>>
      %dma_wait3A_86 = tpu.memref_squeeze %dma_wait3A_85 : memref<1x128xi32, #tpu.memory_space<vmem>> -> memref<128xi32, #tpu.memory_space<vmem>>
      %dma_wait3A_87 = arith.constant 0 : i32
      %dma_wait3A_88 = arith.constant 0 : i32
      %dma_wait3A_89 = tpu.memref_slice %arg2[%dma_wait3A_87, %dma_wait3A_88] : memref<10000x128xf32, #tpu.memory_space<hbm>> -> memref<10000x128xf32, #tpu.memory_space<hbm>>
      tpu.wait_indirect_dma semaphore(%arg13 : memref<!tpu.dma_semaphore, #tpu.memory_space<semaphore_mem>>) src(%dma_wait3A_89 : memref<10000x128xf32, #tpu.memory_space<hbm>>) dst(%arg10 : memref<128x128xf32, #tpu.memory_space<vmem>>)
      %run_scoped3A = arith.constant 0 : i32
      "tpu.region"() ({
        %run_scoped3A_509 = tpu.sem_alloc : memref<!tpu.dma_semaphore, #tpu.memory_space<semaphore_mem>>
        %dma_start3A_510 = arith.constant 0 : i32
        %dma_start3A_511 = tpu.memref_slice %arg9[%run_scoped3A, %dma_start3A_510] : memref<8x128xi32, #tpu.memory_space<vmem>> -> memref<1x128xi32, #tpu.memory_space<vmem>>
        %dma_start3A_512 = tpu.memref_squeeze %dma_start3A_511 : memref<1x128xi32, #tpu.memory_space<vmem>> -> memref<128xi32, #tpu.memory_space<vmem>>
        %dma_start3A_513 = arith.constant 0 : i32
        %dma_start3A_514 = arith.constant 0 : i32
        %dma_start3A_515 = tpu.memref_slice %arg12[%dma_start3A_513, %dma_start3A_514] : memref<10240x128xf32, #tpu.memory_space<vmem_shared>> -> memref<10240x128xf32, #tpu.memory_space<vmem_shared>>
        tpu.enqueue_indirect_dma source(%arg10 : memref<128x128xf32, #tpu.memory_space<vmem>>) target(%dma_start3A_515 : memref<10240x128xf32, #tpu.memory_space<vmem_shared>>) offsets(%dma_start3A_512 : memref<128xi32, #tpu.memory_space<vmem>>) semaphore(%run_scoped3A_509 : memref<!tpu.dma_semaphore, #tpu.memory_space<semaphore_mem>>) {add = true}
        %dma_wait3A_516 = arith.constant 0 : i32
        %dma_wait3A_517 = tpu.memref_slice %arg9[%run_scoped3A, %dma_wait3A_516] : memref<8x128xi32, #tpu.memory_space<vmem>> -> memref<1x128xi32, #tpu.memory_space<vmem>>
        %dma_wait3A_518 = tpu.memref_squeeze %dma_wait3A_517 : memref<1x128xi32, #tpu.memory_space<vmem>> -> memref<128xi32, #tpu.memory_space<vmem>>
        %dma_wait3A_519 = arith.constant 0 : i32
        %dma_wait3A_520 = arith.constant 0 : i32
        %dma_wait3A_521 = tpu.memref_slice %arg12[%dma_wait3A_519, %dma_wait3A_520] : memref<10240x128xf32, #tpu.memory_space<vmem_shared>> -> memref<10240x128xf32, #tpu.memory_space<vmem_shared>>
        tpu.wait_indirect_dma semaphore(%run_scoped3A_509 : memref<!tpu.dma_semaphore, #tpu.memory_space<semaphore_mem>>) src(%arg10 : memref<128x128xf32, #tpu.memory_space<vmem>>) dst(%dma_wait3A_521 : memref<10240x128xf32, #tpu.memory_space<vmem_shared>>)
        tpu.yield
      }) : () -> ()
      %add3A_90 = arith.constant 2 : i32
      %add3A_91 = arith.addi %add3A_83, %add3A_90 : i32
      %sub3A_92 = arith.constant 1 : i32
      %sub3A_93 = arith.subi %select_n3A_10, %sub3A_92 : i32
      %min3A = arith.minsi %add3A_91, %sub3A_93 : i32
      %dma_start3A_94 = arith.constant 0 : i32
      %dma_start3A_95 = tpu.memref_slice %arg8[%min3A, %dma_start3A_94] : memref<40x128xi32, #tpu.memory_space<vmem>> -> memref<1x128xi32, #tpu.memory_space<vmem>>
      %dma_start3A_96 = tpu.memref_squeeze %dma_start3A_95 : memref<1x128xi32, #tpu.memory_space<vmem>> -> memref<128xi32, #tpu.memory_space<vmem>>
      %dma_start3A_97 = arith.constant 0 : i32
      %dma_start3A_98 = arith.constant 0 : i32
      %dma_start3A_99 = tpu.memref_slice %arg2[%dma_start3A_97, %dma_start3A_98] : memref<10000x128xf32, #tpu.memory_space<hbm>> -> memref<10000x128xf32, #tpu.memory_space<hbm>>
      tpu.enqueue_indirect_dma source(%dma_start3A_99 : memref<10000x128xf32, #tpu.memory_space<hbm>>) target(%arg10 : memref<128x128xf32, #tpu.memory_space<vmem>>) offsets(%dma_start3A_96 : memref<128xi32, #tpu.memory_space<vmem>>) semaphore(%arg13 : memref<!tpu.dma_semaphore, #tpu.memory_space<semaphore_mem>>)
      %get3A = arith.constant 0 : i32
      %get3A_100 = arith.index_cast %get3A : i32 to index
      %get3A_101 = arith.constant 0 : index
      %get3A_102 = tpu.vector_load %arg9[%get3A_100, %get3A_101] {strides = array<i32>} : memref<8x128xi32, #tpu.memory_space<vmem>>, vector<16xi32>,
      tpu.vector_store_idx %arg15[%get3A_102], %broadcast_in_dim3A_11 {add = true} : memref<10240xf32, #tpu.memory_space<vmem>>[vector<16xi32>], vector<16xf32>,
      %get3A_103 = arith.constant 0 : i32
      %get3A_104 = arith.index_cast %get3A_103 : i32 to index
      %get3A_105 = arith.constant 16 : index
      %get3A_106 = tpu.vector_load %arg9[%get3A_104, %get3A_105] {strides = array<i32>} : memref<8x128xi32, #tpu.memory_space<vmem>>, vector<16xi32>,
      tpu.vector_store_idx %arg15[%get3A_106], %broadcast_in_dim3A_11 {add = true} : memref<10240xf32, #tpu.memory_space<vmem>>[vector<16xi32>], vector<16xf32>,
      %get3A_107 = arith.constant 0 : i32
      %get3A_108 = arith.index_cast %get3A_107 : i32 to index
      %get3A_109 = arith.constant 32 : index
      %get3A_110 = tpu.vector_load %arg9[%get3A_108, %get3A_109] {strides = array<i32>} : memref<8x128xi32, #tpu.memory_space<vmem>>, vector<16xi32>,
      tpu.vector_store_idx %arg15[%get3A_110], %broadcast_in_dim3A_11 {add = true} : memref<10240xf32, #tpu.memory_space<vmem>>[vector<16xi32>], vector<16xf32>,
      %get3A_111 = arith.constant 0 : i32
      %get3A_112 = arith.index_cast %get3A_111 : i32 to index
      %get3A_113 = arith.constant 48 : index
      %get3A_114 = tpu.vector_load %arg9[%get3A_112, %get3A_113] {strides = array<i32>} : memref<8x128xi32, #tpu.memory_space<vmem>>, vector<16xi32>,
      tpu.vector_store_idx %arg15[%get3A_114], %broadcast_in_dim3A_11 {add = true} : memref<10240xf32, #tpu.memory_space<vmem>>[vector<16xi32>], vector<16xf32>,
      %get3A_115 = arith.constant 0 : i32
      %get3A_116 = arith.index_cast %get3A_115 : i32 to index
      %get3A_117 = arith.constant 64 : index
      %get3A_118 = tpu.vector_load %arg9[%get3A_116, %get3A_117] {strides = array<i32>} : memref<8x128xi32, #tpu.memory_space<vmem>>, vector<16xi32>,
      tpu.vector_store_idx %arg15[%get3A_118], %broadcast_in_dim3A_11 {add = true} : memref<10240xf32, #tpu.memory_space<vmem>>[vector<16xi32>], vector<16xf32>,
      %get3A_119 = arith.constant 0 : i32
      %get3A_120 = arith.index_cast %get3A_119 : i32 to index
      %get3A_121 = arith.constant 80 : index
      %get3A_122 = tpu.vector_load %arg9[%get3A_120, %get3A_121] {strides = array<i32>} : memref<8x128xi32, #tpu.memory_space<vmem>>, vector<16xi32>,
      tpu.vector_store_idx %arg15[%get3A_122], %broadcast_in_dim3A_11 {add = true} : memref<10240xf32, #tpu.memory_space<vmem>>[vector<16xi32>], vector<16xf32>,
      %get3A_123 = arith.constant 0 : i32
      %get3A_124 = arith.index_cast %get3A_123 : i32 to index
      %get3A_125 = arith.constant 96 : index
      %get3A_126 = tpu.vector_load %arg9[%get3A_124, %get3A_125] {strides = array<i32>} : memref<8x128xi32, #tpu.memory_space<vmem>>, vector<16xi32>,
      tpu.vector_store_idx %arg15[%get3A_126], %broadcast_in_dim3A_11 {add = true} : memref<10240xf32, #tpu.memory_space<vmem>>[vector<16xi32>], vector<16xf32>,
      %get3A_127 = arith.constant 0 : i32
      %get3A_128 = arith.index_cast %get3A_127 : i32 to index
      %get3A_129 = arith.constant 112 : index
      %get3A_130 = tpu.vector_load %arg9[%get3A_128, %get3A_129] {strides = array<i32>} : memref<8x128xi32, #tpu.memory_space<vmem>>, vector<16xi32>,
      tpu.vector_store_idx %arg15[%get3A_130], %broadcast_in_dim3A_11 {add = true} : memref<10240xf32, #tpu.memory_space<vmem>>[vector<16xi32>], vector<16xf32>,
      %mul3A_131 = arith.constant 8 : i32
      %mul3A_132 = arith.muli %while3A_76, %mul3A_131 : i32
      %add3A_133 = arith.constant 1 : i32
      %add3A_134 = arith.addi %mul3A_132, %add3A_133 : i32
      %dma_wait3A_135 = arith.constant 0 : i32
      %dma_wait3A_136 = tpu.memref_slice %arg8[%add3A_134, %dma_wait3A_135] : memref<40x128xi32, #tpu.memory_space<vmem>> -> memref<1x128xi32, #tpu.memory_space<vmem>>
      %dma_wait3A_137 = tpu.memref_squeeze %dma_wait3A_136 : memref<1x128xi32, #tpu.memory_space<vmem>> -> memref<128xi32, #tpu.memory_space<vmem>>
      %dma_wait3A_138 = arith.constant 0 : i32
      %dma_wait3A_139 = arith.constant 0 : i32
      %dma_wait3A_140 = tpu.memref_slice %arg2[%dma_wait3A_138, %dma_wait3A_139] : memref<10000x128xf32, #tpu.memory_space<hbm>> -> memref<10000x128xf32, #tpu.memory_space<hbm>>
      tpu.wait_indirect_dma semaphore(%arg14 : memref<!tpu.dma_semaphore, #tpu.memory_space<semaphore_mem>>) src(%dma_wait3A_140 : memref<10000x128xf32, #tpu.memory_space<hbm>>) dst(%arg11 : memref<128x128xf32, #tpu.memory_space<vmem>>)
      %run_scoped3A_141 = arith.constant 1 : i32
      "tpu.region"() ({
        %run_scoped3A_509 = tpu.sem_alloc : memref<!tpu.dma_semaphore, #tpu.memory_space<semaphore_mem>>
        %dma_start3A_510 = arith.constant 0 : i32
        %dma_start3A_511 = tpu.memref_slice %arg9[%run_scoped3A_141, %dma_start3A_510] : memref<8x128xi32, #tpu.memory_space<vmem>> -> memref<1x128xi32, #tpu.memory_space<vmem>>
        %dma_start3A_512 = tpu.memref_squeeze %dma_start3A_511 : memref<1x128xi32, #tpu.memory_space<vmem>> -> memref<128xi32, #tpu.memory_space<vmem>>
        %dma_start3A_513 = arith.constant 0 : i32
        %dma_start3A_514 = arith.constant 0 : i32
        %dma_start3A_515 = tpu.memref_slice %arg12[%dma_start3A_513, %dma_start3A_514] : memref<10240x128xf32, #tpu.memory_space<vmem_shared>> -> memref<10240x128xf32, #tpu.memory_space<vmem_shared>>
        tpu.enqueue_indirect_dma source(%arg11 : memref<128x128xf32, #tpu.memory_space<vmem>>) target(%dma_start3A_515 : memref<10240x128xf32, #tpu.memory_space<vmem_shared>>) offsets(%dma_start3A_512 : memref<128xi32, #tpu.memory_space<vmem>>) semaphore(%run_scoped3A_509 : memref<!tpu.dma_semaphore, #tpu.memory_space<semaphore_mem>>) {add = true}
        %dma_wait3A_516 = arith.constant 0 : i32
        %dma_wait3A_517 = tpu.memref_slice %arg9[%run_scoped3A_141, %dma_wait3A_516] : memref<8x128xi32, #tpu.memory_space<vmem>> -> memref<1x128xi32, #tpu.memory_space<vmem>>
        %dma_wait3A_518 = tpu.memref_squeeze %dma_wait3A_517 : memref<1x128xi32, #tpu.memory_space<vmem>> -> memref<128xi32, #tpu.memory_space<vmem>>
        %dma_wait3A_519 = arith.constant 0 : i32
        %dma_wait3A_520 = arith.constant 0 : i32
        %dma_wait3A_521 = tpu.memref_slice %arg12[%dma_wait3A_519, %dma_wait3A_520] : memref<10240x128xf32, #tpu.memory_space<vmem_shared>> -> memref<10240x128xf32, #tpu.memory_space<vmem_shared>>
        tpu.wait_indirect_dma semaphore(%run_scoped3A_509 : memref<!tpu.dma_semaphore, #tpu.memory_space<semaphore_mem>>) src(%arg11 : memref<128x128xf32, #tpu.memory_space<vmem>>) dst(%dma_wait3A_521 : memref<10240x128xf32, #tpu.memory_space<vmem_shared>>)
        tpu.yield
      }) : () -> ()
      %add3A_142 = arith.constant 2 : i32
      %add3A_143 = arith.addi %add3A_134, %add3A_142 : i32
      %sub3A_144 = arith.constant 1 : i32
      %sub3A_145 = arith.subi %select_n3A_10, %sub3A_144 : i32
      %min3A_146 = arith.minsi %add3A_143, %sub3A_145 : i32
      %dma_start3A_147 = arith.constant 0 : i32
      %dma_start3A_148 = tpu.memref_slice %arg8[%min3A_146, %dma_start3A_147] : memref<40x128xi32, #tpu.memory_space<vmem>> -> memref<1x128xi32, #tpu.memory_space<vmem>>
      %dma_start3A_149 = tpu.memref_squeeze %dma_start3A_148 : memref<1x128xi32, #tpu.memory_space<vmem>> -> memref<128xi32, #tpu.memory_space<vmem>>
      %dma_start3A_150 = arith.constant 0 : i32
      %dma_start3A_151 = arith.constant 0 : i32
      %dma_start3A_152 = tpu.memref_slice %arg2[%dma_start3A_150, %dma_start3A_151] : memref<10000x128xf32, #tpu.memory_space<hbm>> -> memref<10000x128xf32, #tpu.memory_space<hbm>>
      tpu.enqueue_indirect_dma source(%dma_start3A_152 : memref<10000x128xf32, #tpu.memory_space<hbm>>) target(%arg11 : memref<128x128xf32, #tpu.memory_space<vmem>>) offsets(%dma_start3A_149 : memref<128xi32, #tpu.memory_space<vmem>>) semaphore(%arg14 : memref<!tpu.dma_semaphore, #tpu.memory_space<semaphore_mem>>)
      %get3A_153 = arith.constant 1 : i32
      %get3A_154 = arith.index_cast %get3A_153 : i32 to index
      %get3A_155 = arith.constant 0 : index
      %get3A_156 = tpu.vector_load %arg9[%get3A_154, %get3A_155] {strides = array<i32>} : memref<8x128xi32, #tpu.memory_space<vmem>>, vector<16xi32>,
      tpu.vector_store_idx %arg15[%get3A_156], %broadcast_in_dim3A_11 {add = true} : memref<10240xf32, #tpu.memory_space<vmem>>[vector<16xi32>], vector<16xf32>,
      %get3A_157 = arith.constant 1 : i32
      %get3A_158 = arith.index_cast %get3A_157 : i32 to index
      %get3A_159 = arith.constant 16 : index
      %get3A_160 = tpu.vector_load %arg9[%get3A_158, %get3A_159] {strides = array<i32>} : memref<8x128xi32, #tpu.memory_space<vmem>>, vector<16xi32>,
      tpu.vector_store_idx %arg15[%get3A_160], %broadcast_in_dim3A_11 {add = true} : memref<10240xf32, #tpu.memory_space<vmem>>[vector<16xi32>], vector<16xf32>,
      %get3A_161 = arith.constant 1 : i32
      %get3A_162 = arith.index_cast %get3A_161 : i32 to index
      %get3A_163 = arith.constant 32 : index
      %get3A_164 = tpu.vector_load %arg9[%get3A_162, %get3A_163] {strides = array<i32>} : memref<8x128xi32, #tpu.memory_space<vmem>>, vector<16xi32>,
      tpu.vector_store_idx %arg15[%get3A_164], %broadcast_in_dim3A_11 {add = true} : memref<10240xf32, #tpu.memory_space<vmem>>[vector<16xi32>], vector<16xf32>,
      %get3A_165 = arith.constant 1 : i32
      %get3A_166 = arith.index_cast %get3A_165 : i32 to index
      %get3A_167 = arith.constant 48 : index
      %get3A_168 = tpu.vector_load %arg9[%get3A_166, %get3A_167] {strides = array<i32>} : memref<8x128xi32, #tpu.memory_space<vmem>>, vector<16xi32>,
      tpu.vector_store_idx %arg15[%get3A_168], %broadcast_in_dim3A_11 {add = true} : memref<10240xf32, #tpu.memory_space<vmem>>[vector<16xi32>], vector<16xf32>,
      %get3A_169 = arith.constant 1 : i32
      %get3A_170 = arith.index_cast %get3A_169 : i32 to index
      %get3A_171 = arith.constant 64 : index
      %get3A_172 = tpu.vector_load %arg9[%get3A_170, %get3A_171] {strides = array<i32>} : memref<8x128xi32, #tpu.memory_space<vmem>>, vector<16xi32>,
      tpu.vector_store_idx %arg15[%get3A_172], %broadcast_in_dim3A_11 {add = true} : memref<10240xf32, #tpu.memory_space<vmem>>[vector<16xi32>], vector<16xf32>,
      %get3A_173 = arith.constant 1 : i32
      %get3A_174 = arith.index_cast %get3A_173 : i32 to index
      %get3A_175 = arith.constant 80 : index
      %get3A_176 = tpu.vector_load %arg9[%get3A_174, %get3A_175] {strides = array<i32>} : memref<8x128xi32, #tpu.memory_space<vmem>>, vector<16xi32>,
      tpu.vector_store_idx %arg15[%get3A_176], %broadcast_in_dim3A_11 {add = true} : memref<10240xf32, #tpu.memory_space<vmem>>[vector<16xi32>], vector<16xf32>,
      %get3A_177 = arith.constant 1 : i32
      %get3A_178 = arith.index_cast %get3A_177 : i32 to index
      %get3A_179 = arith.constant 96 : index
      %get3A_180 = tpu.vector_load %arg9[%get3A_178, %get3A_179] {strides = array<i32>} : memref<8x128xi32, #tpu.memory_space<vmem>>, vector<16xi32>,
      tpu.vector_store_idx %arg15[%get3A_180], %broadcast_in_dim3A_11 {add = true} : memref<10240xf32, #tpu.memory_space<vmem>>[vector<16xi32>], vector<16xf32>,
      %get3A_181 = arith.constant 1 : i32
      %get3A_182 = arith.index_cast %get3A_181 : i32 to index
      %get3A_183 = arith.constant 112 : index
      %get3A_184 = tpu.vector_load %arg9[%get3A_182, %get3A_183] {strides = array<i32>} : memref<8x128xi32, #tpu.memory_space<vmem>>, vector<16xi32>,
      tpu.vector_store_idx %arg15[%get3A_184], %broadcast_in_dim3A_11 {add = true} : memref<10240xf32, #tpu.memory_space<vmem>>[vector<16xi32>], vector<16xf32>,
      %mul3A_185 = arith.constant 8 : i32
      %mul3A_186 = arith.muli %while3A_76, %mul3A_185 : i32
      %add3A_187 = arith.constant 2 : i32
      %add3A_188 = arith.addi %mul3A_186, %add3A_187 : i32
      %dma_wait3A_189 = arith.constant 0 : i32
      %dma_wait3A_190 = tpu.memref_slice %arg8[%add3A_188, %dma_wait3A_189] : memref<40x128xi32, #tpu.memory_space<vmem>> -> memref<1x128xi32, #tpu.memory_space<vmem>>
      %dma_wait3A_191 = tpu.memref_squeeze %dma_wait3A_190 : memref<1x128xi32, #tpu.memory_space<vmem>> -> memref<128xi32, #tpu.memory_space<vmem>>
      %dma_wait3A_192 = arith.constant 0 : i32
      %dma_wait3A_193 = arith.constant 0 : i32
      %dma_wait3A_194 = tpu.memref_slice %arg2[%dma_wait3A_192, %dma_wait3A_193] : memref<10000x128xf32, #tpu.memory_space<hbm>> -> memref<10000x128xf32, #tpu.memory_space<hbm>>
      tpu.wait_indirect_dma semaphore(%arg13 : memref<!tpu.dma_semaphore, #tpu.memory_space<semaphore_mem>>) src(%dma_wait3A_194 : memref<10000x128xf32, #tpu.memory_space<hbm>>) dst(%arg10 : memref<128x128xf32, #tpu.memory_space<vmem>>)
      %run_scoped3A_195 = arith.constant 2 : i32
      "tpu.region"() ({
        %run_scoped3A_509 = tpu.sem_alloc : memref<!tpu.dma_semaphore, #tpu.memory_space<semaphore_mem>>
        %dma_start3A_510 = arith.constant 0 : i32
        %dma_start3A_511 = tpu.memref_slice %arg9[%run_scoped3A_195, %dma_start3A_510] : memref<8x128xi32, #tpu.memory_space<vmem>> -> memref<1x128xi32, #tpu.memory_space<vmem>>
        %dma_start3A_512 = tpu.memref_squeeze %dma_start3A_511 : memref<1x128xi32, #tpu.memory_space<vmem>> -> memref<128xi32, #tpu.memory_space<vmem>>
        %dma_start3A_513 = arith.constant 0 : i32
        %dma_start3A_514 = arith.constant 0 : i32
        %dma_start3A_515 = tpu.memref_slice %arg12[%dma_start3A_513, %dma_start3A_514] : memref<10240x128xf32, #tpu.memory_space<vmem_shared>> -> memref<10240x128xf32, #tpu.memory_space<vmem_shared>>
        tpu.enqueue_indirect_dma source(%arg10 : memref<128x128xf32, #tpu.memory_space<vmem>>) target(%dma_start3A_515 : memref<10240x128xf32, #tpu.memory_space<vmem_shared>>) offsets(%dma_start3A_512 : memref<128xi32, #tpu.memory_space<vmem>>) semaphore(%run_scoped3A_509 : memref<!tpu.dma_semaphore, #tpu.memory_space<semaphore_mem>>) {add = true}
        %dma_wait3A_516 = arith.constant 0 : i32
        %dma_wait3A_517 = tpu.memref_slice %arg9[%run_scoped3A_195, %dma_wait3A_516] : memref<8x128xi32, #tpu.memory_space<vmem>> -> memref<1x128xi32, #tpu.memory_space<vmem>>
        %dma_wait3A_518 = tpu.memref_squeeze %dma_wait3A_517 : memref<1x128xi32, #tpu.memory_space<vmem>> -> memref<128xi32, #tpu.memory_space<vmem>>
        %dma_wait3A_519 = arith.constant 0 : i32
        %dma_wait3A_520 = arith.constant 0 : i32
        %dma_wait3A_521 = tpu.memref_slice %arg12[%dma_wait3A_519, %dma_wait3A_520] : memref<10240x128xf32, #tpu.memory_space<vmem_shared>> -> memref<10240x128xf32, #tpu.memory_space<vmem_shared>>
        tpu.wait_indirect_dma semaphore(%run_scoped3A_509 : memref<!tpu.dma_semaphore, #tpu.memory_space<semaphore_mem>>) src(%arg10 : memref<128x128xf32, #tpu.memory_space<vmem>>) dst(%dma_wait3A_521 : memref<10240x128xf32, #tpu.memory_space<vmem_shared>>)
        tpu.yield
      }) : () -> ()
      %add3A_196 = arith.constant 2 : i32
      %add3A_197 = arith.addi %add3A_188, %add3A_196 : i32
      %sub3A_198 = arith.constant 1 : i32
      %sub3A_199 = arith.subi %select_n3A_10, %sub3A_198 : i32
      %min3A_200 = arith.minsi %add3A_197, %sub3A_199 : i32
      %dma_start3A_201 = arith.constant 0 : i32
      %dma_start3A_202 = tpu.memref_slice %arg8[%min3A_200, %dma_start3A_201] : memref<40x128xi32, #tpu.memory_space<vmem>> -> memref<1x128xi32, #tpu.memory_space<vmem>>
      %dma_start3A_203 = tpu.memref_squeeze %dma_start3A_202 : memref<1x128xi32, #tpu.memory_space<vmem>> -> memref<128xi32, #tpu.memory_space<vmem>>
      %dma_start3A_204 = arith.constant 0 : i32
      %dma_start3A_205 = arith.constant 0 : i32
      %dma_start3A_206 = tpu.memref_slice %arg2[%dma_start3A_204, %dma_start3A_205] : memref<10000x128xf32, #tpu.memory_space<hbm>> -> memref<10000x128xf32, #tpu.memory_space<hbm>>
      tpu.enqueue_indirect_dma source(%dma_start3A_206 : memref<10000x128xf32, #tpu.memory_space<hbm>>) target(%arg10 : memref<128x128xf32, #tpu.memory_space<vmem>>) offsets(%dma_start3A_203 : memref<128xi32, #tpu.memory_space<vmem>>) semaphore(%arg13 : memref<!tpu.dma_semaphore, #tpu.memory_space<semaphore_mem>>)
      %get3A_207 = arith.constant 2 : i32
      %get3A_208 = arith.index_cast %get3A_207 : i32 to index
      %get3A_209 = arith.constant 0 : index
      %get3A_210 = tpu.vector_load %arg9[%get3A_208, %get3A_209] {strides = array<i32>} : memref<8x128xi32, #tpu.memory_space<vmem>>, vector<16xi32>,
      tpu.vector_store_idx %arg15[%get3A_210], %broadcast_in_dim3A_11 {add = true} : memref<10240xf32, #tpu.memory_space<vmem>>[vector<16xi32>], vector<16xf32>,
      %get3A_211 = arith.constant 2 : i32
      %get3A_212 = arith.index_cast %get3A_211 : i32 to index
      %get3A_213 = arith.constant 16 : index
      %get3A_214 = tpu.vector_load %arg9[%get3A_212, %get3A_213] {strides = array<i32>} : memref<8x128xi32, #tpu.memory_space<vmem>>, vector<16xi32>,
      tpu.vector_store_idx %arg15[%get3A_214], %broadcast_in_dim3A_11 {add = true} : memref<10240xf32, #tpu.memory_space<vmem>>[vector<16xi32>], vector<16xf32>,
      %get3A_215 = arith.constant 2 : i32
      %get3A_216 = arith.index_cast %get3A_215 : i32 to index
      %get3A_217 = arith.constant 32 : index
      %get3A_218 = tpu.vector_load %arg9[%get3A_216, %get3A_217] {strides = array<i32>} : memref<8x128xi32, #tpu.memory_space<vmem>>, vector<16xi32>,
      tpu.vector_store_idx %arg15[%get3A_218], %broadcast_in_dim3A_11 {add = true} : memref<10240xf32, #tpu.memory_space<vmem>>[vector<16xi32>], vector<16xf32>,
      %get3A_219 = arith.constant 2 : i32
      %get3A_220 = arith.index_cast %get3A_219 : i32 to index
      %get3A_221 = arith.constant 48 : index
      %get3A_222 = tpu.vector_load %arg9[%get3A_220, %get3A_221] {strides = array<i32>} : memref<8x128xi32, #tpu.memory_space<vmem>>, vector<16xi32>,
      tpu.vector_store_idx %arg15[%get3A_222], %broadcast_in_dim3A_11 {add = true} : memref<10240xf32, #tpu.memory_space<vmem>>[vector<16xi32>], vector<16xf32>,
      %get3A_223 = arith.constant 2 : i32
      %get3A_224 = arith.index_cast %get3A_223 : i32 to index
      %get3A_225 = arith.constant 64 : index
      %get3A_226 = tpu.vector_load %arg9[%get3A_224, %get3A_225] {strides = array<i32>} : memref<8x128xi32, #tpu.memory_space<vmem>>, vector<16xi32>,
      tpu.vector_store_idx %arg15[%get3A_226], %broadcast_in_dim3A_11 {add = true} : memref<10240xf32, #tpu.memory_space<vmem>>[vector<16xi32>], vector<16xf32>,
      %get3A_227 = arith.constant 2 : i32
      %get3A_228 = arith.index_cast %get3A_227 : i32 to index
      %get3A_229 = arith.constant 80 : index
      %get3A_230 = tpu.vector_load %arg9[%get3A_228, %get3A_229] {strides = array<i32>} : memref<8x128xi32, #tpu.memory_space<vmem>>, vector<16xi32>,
      tpu.vector_store_idx %arg15[%get3A_230], %broadcast_in_dim3A_11 {add = true} : memref<10240xf32, #tpu.memory_space<vmem>>[vector<16xi32>], vector<16xf32>,
      %get3A_231 = arith.constant 2 : i32
      %get3A_232 = arith.index_cast %get3A_231 : i32 to index
      %get3A_233 = arith.constant 96 : index
      %get3A_234 = tpu.vector_load %arg9[%get3A_232, %get3A_233] {strides = array<i32>} : memref<8x128xi32, #tpu.memory_space<vmem>>, vector<16xi32>,
      tpu.vector_store_idx %arg15[%get3A_234], %broadcast_in_dim3A_11 {add = true} : memref<10240xf32, #tpu.memory_space<vmem>>[vector<16xi32>], vector<16xf32>,
      %get3A_235 = arith.constant 2 : i32
      %get3A_236 = arith.index_cast %get3A_235 : i32 to index
      %get3A_237 = arith.constant 112 : index
      %get3A_238 = tpu.vector_load %arg9[%get3A_236, %get3A_237] {strides = array<i32>} : memref<8x128xi32, #tpu.memory_space<vmem>>, vector<16xi32>,
      tpu.vector_store_idx %arg15[%get3A_238], %broadcast_in_dim3A_11 {add = true} : memref<10240xf32, #tpu.memory_space<vmem>>[vector<16xi32>], vector<16xf32>,
      %mul3A_239 = arith.constant 8 : i32
      %mul3A_240 = arith.muli %while3A_76, %mul3A_239 : i32
      %add3A_241 = arith.constant 3 : i32
      %add3A_242 = arith.addi %mul3A_240, %add3A_241 : i32
      %dma_wait3A_243 = arith.constant 0 : i32
      %dma_wait3A_244 = tpu.memref_slice %arg8[%add3A_242, %dma_wait3A_243] : memref<40x128xi32, #tpu.memory_space<vmem>> -> memref<1x128xi32, #tpu.memory_space<vmem>>
      %dma_wait3A_245 = tpu.memref_squeeze %dma_wait3A_244 : memref<1x128xi32, #tpu.memory_space<vmem>> -> memref<128xi32, #tpu.memory_space<vmem>>
      %dma_wait3A_246 = arith.constant 0 : i32
      %dma_wait3A_247 = arith.constant 0 : i32
      %dma_wait3A_248 = tpu.memref_slice %arg2[%dma_wait3A_246, %dma_wait3A_247] : memref<10000x128xf32, #tpu.memory_space<hbm>> -> memref<10000x128xf32, #tpu.memory_space<hbm>>
      tpu.wait_indirect_dma semaphore(%arg14 : memref<!tpu.dma_semaphore, #tpu.memory_space<semaphore_mem>>) src(%dma_wait3A_248 : memref<10000x128xf32, #tpu.memory_space<hbm>>) dst(%arg11 : memref<128x128xf32, #tpu.memory_space<vmem>>)
      %run_scoped3A_249 = arith.constant 3 : i32
      "tpu.region"() ({
        %run_scoped3A_509 = tpu.sem_alloc : memref<!tpu.dma_semaphore, #tpu.memory_space<semaphore_mem>>
        %dma_start3A_510 = arith.constant 0 : i32
        %dma_start3A_511 = tpu.memref_slice %arg9[%run_scoped3A_249, %dma_start3A_510] : memref<8x128xi32, #tpu.memory_space<vmem>> -> memref<1x128xi32, #tpu.memory_space<vmem>>
        %dma_start3A_512 = tpu.memref_squeeze %dma_start3A_511 : memref<1x128xi32, #tpu.memory_space<vmem>> -> memref<128xi32, #tpu.memory_space<vmem>>
        %dma_start3A_513 = arith.constant 0 : i32
        %dma_start3A_514 = arith.constant 0 : i32
        %dma_start3A_515 = tpu.memref_slice %arg12[%dma_start3A_513, %dma_start3A_514] : memref<10240x128xf32, #tpu.memory_space<vmem_shared>> -> memref<10240x128xf32, #tpu.memory_space<vmem_shared>>
        tpu.enqueue_indirect_dma source(%arg11 : memref<128x128xf32, #tpu.memory_space<vmem>>) target(%dma_start3A_515 : memref<10240x128xf32, #tpu.memory_space<vmem_shared>>) offsets(%dma_start3A_512 : memref<128xi32, #tpu.memory_space<vmem>>) semaphore(%run_scoped3A_509 : memref<!tpu.dma_semaphore, #tpu.memory_space<semaphore_mem>>) {add = true}
        %dma_wait3A_516 = arith.constant 0 : i32
        %dma_wait3A_517 = tpu.memref_slice %arg9[%run_scoped3A_249, %dma_wait3A_516] : memref<8x128xi32, #tpu.memory_space<vmem>> -> memref<1x128xi32, #tpu.memory_space<vmem>>
        %dma_wait3A_518 = tpu.memref_squeeze %dma_wait3A_517 : memref<1x128xi32, #tpu.memory_space<vmem>> -> memref<128xi32, #tpu.memory_space<vmem>>
        %dma_wait3A_519 = arith.constant 0 : i32
        %dma_wait3A_520 = arith.constant 0 : i32
        %dma_wait3A_521 = tpu.memref_slice %arg12[%dma_wait3A_519, %dma_wait3A_520] : memref<10240x128xf32, #tpu.memory_space<vmem_shared>> -> memref<10240x128xf32, #tpu.memory_space<vmem_shared>>
        tpu.wait_indirect_dma semaphore(%run_scoped3A_509 : memref<!tpu.dma_semaphore, #tpu.memory_space<semaphore_mem>>) src(%arg11 : memref<128x128xf32, #tpu.memory_space<vmem>>) dst(%dma_wait3A_521 : memref<10240x128xf32, #tpu.memory_space<vmem_shared>>)
        tpu.yield
      }) : () -> ()
      %add3A_250 = arith.constant 2 : i32
      %add3A_251 = arith.addi %add3A_242, %add3A_250 : i32
      %sub3A_252 = arith.constant 1 : i32
      %sub3A_253 = arith.subi %select_n3A_10, %sub3A_252 : i32
      %min3A_254 = arith.minsi %add3A_251, %sub3A_253 : i32
      %dma_start3A_255 = arith.constant 0 : i32
      %dma_start3A_256 = tpu.memref_slice %arg8[%min3A_254, %dma_start3A_255] : memref<40x128xi32, #tpu.memory_space<vmem>> -> memref<1x128xi32, #tpu.memory_space<vmem>>
      %dma_start3A_257 = tpu.memref_squeeze %dma_start3A_256 : memref<1x128xi32, #tpu.memory_space<vmem>> -> memref<128xi32, #tpu.memory_space<vmem>>
      %dma_start3A_258 = arith.constant 0 : i32
      %dma_start3A_259 = arith.constant 0 : i32
      %dma_start3A_260 = tpu.memref_slice %arg2[%dma_start3A_258, %dma_start3A_259] : memref<10000x128xf32, #tpu.memory_space<hbm>> -> memref<10000x128xf32, #tpu.memory_space<hbm>>
      tpu.enqueue_indirect_dma source(%dma_start3A_260 : memref<10000x128xf32, #tpu.memory_space<hbm>>) target(%arg11 : memref<128x128xf32, #tpu.memory_space<vmem>>) offsets(%dma_start3A_257 : memref<128xi32, #tpu.memory_space<vmem>>) semaphore(%arg14 : memref<!tpu.dma_semaphore, #tpu.memory_space<semaphore_mem>>)
      %get3A_261 = arith.constant 3 : i32
      %get3A_262 = arith.index_cast %get3A_261 : i32 to index
      %get3A_263 = arith.constant 0 : index
      %get3A_264 = tpu.vector_load %arg9[%get3A_262, %get3A_263] {strides = array<i32>} : memref<8x128xi32, #tpu.memory_space<vmem>>, vector<16xi32>,
      tpu.vector_store_idx %arg15[%get3A_264], %broadcast_in_dim3A_11 {add = true} : memref<10240xf32, #tpu.memory_space<vmem>>[vector<16xi32>], vector<16xf32>,
      %get3A_265 = arith.constant 3 : i32
      %get3A_266 = arith.index_cast %get3A_265 : i32 to index
      %get3A_267 = arith.constant 16 : index
      %get3A_268 = tpu.vector_load %arg9[%get3A_266, %get3A_267] {strides = array<i32>} : memref<8x128xi32, #tpu.memory_space<vmem>>, vector<16xi32>,
      tpu.vector_store_idx %arg15[%get3A_268], %broadcast_in_dim3A_11 {add = true} : memref<10240xf32, #tpu.memory_space<vmem>>[vector<16xi32>], vector<16xf32>,
      %get3A_269 = arith.constant 3 : i32
      %get3A_270 = arith.index_cast %get3A_269 : i32 to index
      %get3A_271 = arith.constant 32 : index
      %get3A_272 = tpu.vector_load %arg9[%get3A_270, %get3A_271] {strides = array<i32>} : memref<8x128xi32, #tpu.memory_space<vmem>>, vector<16xi32>,
      tpu.vector_store_idx %arg15[%get3A_272], %broadcast_in_dim3A_11 {add = true} : memref<10240xf32, #tpu.memory_space<vmem>>[vector<16xi32>], vector<16xf32>,
      %get3A_273 = arith.constant 3 : i32
      %get3A_274 = arith.index_cast %get3A_273 : i32 to index
      %get3A_275 = arith.constant 48 : index
      %get3A_276 = tpu.vector_load %arg9[%get3A_274, %get3A_275] {strides = array<i32>} : memref<8x128xi32, #tpu.memory_space<vmem>>, vector<16xi32>,
      tpu.vector_store_idx %arg15[%get3A_276], %broadcast_in_dim3A_11 {add = true} : memref<10240xf32, #tpu.memory_space<vmem>>[vector<16xi32>], vector<16xf32>,
      %get3A_277 = arith.constant 3 : i32
      %get3A_278 = arith.index_cast %get3A_277 : i32 to index
      %get3A_279 = arith.constant 64 : index
      %get3A_280 = tpu.vector_load %arg9[%get3A_278, %get3A_279] {strides = array<i32>} : memref<8x128xi32, #tpu.memory_space<vmem>>, vector<16xi32>,
      tpu.vector_store_idx %arg15[%get3A_280], %broadcast_in_dim3A_11 {add = true} : memref<10240xf32, #tpu.memory_space<vmem>>[vector<16xi32>], vector<16xf32>,
      %get3A_281 = arith.constant 3 : i32
      %get3A_282 = arith.index_cast %get3A_281 : i32 to index
      %get3A_283 = arith.constant 80 : index
      %get3A_284 = tpu.vector_load %arg9[%get3A_282, %get3A_283] {strides = array<i32>} : memref<8x128xi32, #tpu.memory_space<vmem>>, vector<16xi32>,
      tpu.vector_store_idx %arg15[%get3A_284], %broadcast_in_dim3A_11 {add = true} : memref<10240xf32, #tpu.memory_space<vmem>>[vector<16xi32>], vector<16xf32>,
      %get3A_285 = arith.constant 3 : i32
      %get3A_286 = arith.index_cast %get3A_285 : i32 to index
      %get3A_287 = arith.constant 96 : index
      %get3A_288 = tpu.vector_load %arg9[%get3A_286, %get3A_287] {strides = array<i32>} : memref<8x128xi32, #tpu.memory_space<vmem>>, vector<16xi32>,
      tpu.vector_store_idx %arg15[%get3A_288], %broadcast_in_dim3A_11 {add = true} : memref<10240xf32, #tpu.memory_space<vmem>>[vector<16xi32>], vector<16xf32>,
      %get3A_289 = arith.constant 3 : i32
      %get3A_290 = arith.index_cast %get3A_289 : i32 to index
      %get3A_291 = arith.constant 112 : index
      %get3A_292 = tpu.vector_load %arg9[%get3A_290, %get3A_291] {strides = array<i32>} : memref<8x128xi32, #tpu.memory_space<vmem>>, vector<16xi32>,
      tpu.vector_store_idx %arg15[%get3A_292], %broadcast_in_dim3A_11 {add = true} : memref<10240xf32, #tpu.memory_space<vmem>>[vector<16xi32>], vector<16xf32>,
      %mul3A_293 = arith.constant 8 : i32
      %mul3A_294 = arith.muli %while3A_76, %mul3A_293 : i32
      %add3A_295 = arith.constant 4 : i32
      %add3A_296 = arith.addi %mul3A_294, %add3A_295 : i32
      %dma_wait3A_297 = arith.constant 0 : i32
      %dma_wait3A_298 = tpu.memref_slice %arg8[%add3A_296, %dma_wait3A_297] : memref<40x128xi32, #tpu.memory_space<vmem>> -> memref<1x128xi32, #tpu.memory_space<vmem>>
      %dma_wait3A_299 = tpu.memref_squeeze %dma_wait3A_298 : memref<1x128xi32, #tpu.memory_space<vmem>> -> memref<128xi32, #tpu.memory_space<vmem>>
      %dma_wait3A_300 = arith.constant 0 : i32
      %dma_wait3A_301 = arith.constant 0 : i32
      %dma_wait3A_302 = tpu.memref_slice %arg2[%dma_wait3A_300, %dma_wait3A_301] : memref<10000x128xf32, #tpu.memory_space<hbm>> -> memref<10000x128xf32, #tpu.memory_space<hbm>>
      tpu.wait_indirect_dma semaphore(%arg13 : memref<!tpu.dma_semaphore, #tpu.memory_space<semaphore_mem>>) src(%dma_wait3A_302 : memref<10000x128xf32, #tpu.memory_space<hbm>>) dst(%arg10 : memref<128x128xf32, #tpu.memory_space<vmem>>)
      %run_scoped3A_303 = arith.constant 4 : i32
      "tpu.region"() ({
        %run_scoped3A_509 = tpu.sem_alloc : memref<!tpu.dma_semaphore, #tpu.memory_space<semaphore_mem>>
        %dma_start3A_510 = arith.constant 0 : i32
        %dma_start3A_511 = tpu.memref_slice %arg9[%run_scoped3A_303, %dma_start3A_510] : memref<8x128xi32, #tpu.memory_space<vmem>> -> memref<1x128xi32, #tpu.memory_space<vmem>>
        %dma_start3A_512 = tpu.memref_squeeze %dma_start3A_511 : memref<1x128xi32, #tpu.memory_space<vmem>> -> memref<128xi32, #tpu.memory_space<vmem>>
        %dma_start3A_513 = arith.constant 0 : i32
        %dma_start3A_514 = arith.constant 0 : i32
        %dma_start3A_515 = tpu.memref_slice %arg12[%dma_start3A_513, %dma_start3A_514] : memref<10240x128xf32, #tpu.memory_space<vmem_shared>> -> memref<10240x128xf32, #tpu.memory_space<vmem_shared>>
        tpu.enqueue_indirect_dma source(%arg10 : memref<128x128xf32, #tpu.memory_space<vmem>>) target(%dma_start3A_515 : memref<10240x128xf32, #tpu.memory_space<vmem_shared>>) offsets(%dma_start3A_512 : memref<128xi32, #tpu.memory_space<vmem>>) semaphore(%run_scoped3A_509 : memref<!tpu.dma_semaphore, #tpu.memory_space<semaphore_mem>>) {add = true}
        %dma_wait3A_516 = arith.constant 0 : i32
        %dma_wait3A_517 = tpu.memref_slice %arg9[%run_scoped3A_303, %dma_wait3A_516] : memref<8x128xi32, #tpu.memory_space<vmem>> -> memref<1x128xi32, #tpu.memory_space<vmem>>
        %dma_wait3A_518 = tpu.memref_squeeze %dma_wait3A_517 : memref<1x128xi32, #tpu.memory_space<vmem>> -> memref<128xi32, #tpu.memory_space<vmem>>
        %dma_wait3A_519 = arith.constant 0 : i32
        %dma_wait3A_520 = arith.constant 0 : i32
        %dma_wait3A_521 = tpu.memref_slice %arg12[%dma_wait3A_519, %dma_wait3A_520] : memref<10240x128xf32, #tpu.memory_space<vmem_shared>> -> memref<10240x128xf32, #tpu.memory_space<vmem_shared>>
        tpu.wait_indirect_dma semaphore(%run_scoped3A_509 : memref<!tpu.dma_semaphore, #tpu.memory_space<semaphore_mem>>) src(%arg10 : memref<128x128xf32, #tpu.memory_space<vmem>>) dst(%dma_wait3A_521 : memref<10240x128xf32, #tpu.memory_space<vmem_shared>>)
        tpu.yield
      }) : () -> ()
      %add3A_304 = arith.constant 2 : i32
      %add3A_305 = arith.addi %add3A_296, %add3A_304 : i32
      %sub3A_306 = arith.constant 1 : i32
      %sub3A_307 = arith.subi %select_n3A_10, %sub3A_306 : i32
      %min3A_308 = arith.minsi %add3A_305, %sub3A_307 : i32
      %dma_start3A_309 = arith.constant 0 : i32
      %dma_start3A_310 = tpu.memref_slice %arg8[%min3A_308, %dma_start3A_309] : memref<40x128xi32, #tpu.memory_space<vmem>> -> memref<1x128xi32, #tpu.memory_space<vmem>>
      %dma_start3A_311 = tpu.memref_squeeze %dma_start3A_310 : memref<1x128xi32, #tpu.memory_space<vmem>> -> memref<128xi32, #tpu.memory_space<vmem>>
      %dma_start3A_312 = arith.constant 0 : i32
      %dma_start3A_313 = arith.constant 0 : i32
      %dma_start3A_314 = tpu.memref_slice %arg2[%dma_start3A_312, %dma_start3A_313] : memref<10000x128xf32, #tpu.memory_space<hbm>> -> memref<10000x128xf32, #tpu.memory_space<hbm>>
      tpu.enqueue_indirect_dma source(%dma_start3A_314 : memref<10000x128xf32, #tpu.memory_space<hbm>>) target(%arg10 : memref<128x128xf32, #tpu.memory_space<vmem>>) offsets(%dma_start3A_311 : memref<128xi32, #tpu.memory_space<vmem>>) semaphore(%arg13 : memref<!tpu.dma_semaphore, #tpu.memory_space<semaphore_mem>>)
      %get3A_315 = arith.constant 4 : i32
      %get3A_316 = arith.index_cast %get3A_315 : i32 to index
      %get3A_317 = arith.constant 0 : index
      %get3A_318 = tpu.vector_load %arg9[%get3A_316, %get3A_317] {strides = array<i32>} : memref<8x128xi32, #tpu.memory_space<vmem>>, vector<16xi32>,
      tpu.vector_store_idx %arg15[%get3A_318], %broadcast_in_dim3A_11 {add = true} : memref<10240xf32, #tpu.memory_space<vmem>>[vector<16xi32>], vector<16xf32>,
      %get3A_319 = arith.constant 4 : i32
      %get3A_320 = arith.index_cast %get3A_319 : i32 to index
      %get3A_321 = arith.constant 16 : index
      %get3A_322 = tpu.vector_load %arg9[%get3A_320, %get3A_321] {strides = array<i32>} : memref<8x128xi32, #tpu.memory_space<vmem>>, vector<16xi32>,
      tpu.vector_store_idx %arg15[%get3A_322], %broadcast_in_dim3A_11 {add = true} : memref<10240xf32, #tpu.memory_space<vmem>>[vector<16xi32>], vector<16xf32>,
      %get3A_323 = arith.constant 4 : i32
      %get3A_324 = arith.index_cast %get3A_323 : i32 to index
      %get3A_325 = arith.constant 32 : index
      %get3A_326 = tpu.vector_load %arg9[%get3A_324, %get3A_325] {strides = array<i32>} : memref<8x128xi32, #tpu.memory_space<vmem>>, vector<16xi32>,
      tpu.vector_store_idx %arg15[%get3A_326], %broadcast_in_dim3A_11 {add = true} : memref<10240xf32, #tpu.memory_space<vmem>>[vector<16xi32>], vector<16xf32>,
      %get3A_327 = arith.constant 4 : i32
      %get3A_328 = arith.index_cast %get3A_327 : i32 to index
      %get3A_329 = arith.constant 48 : index
      %get3A_330 = tpu.vector_load %arg9[%get3A_328, %get3A_329] {strides = array<i32>} : memref<8x128xi32, #tpu.memory_space<vmem>>, vector<16xi32>,
      tpu.vector_store_idx %arg15[%get3A_330], %broadcast_in_dim3A_11 {add = true} : memref<10240xf32, #tpu.memory_space<vmem>>[vector<16xi32>], vector<16xf32>,
      %get3A_331 = arith.constant 4 : i32
      %get3A_332 = arith.index_cast %get3A_331 : i32 to index
      %get3A_333 = arith.constant 64 : index
      %get3A_334 = tpu.vector_load %arg9[%get3A_332, %get3A_333] {strides = array<i32>} : memref<8x128xi32, #tpu.memory_space<vmem>>, vector<16xi32>,
      tpu.vector_store_idx %arg15[%get3A_334], %broadcast_in_dim3A_11 {add = true} : memref<10240xf32, #tpu.memory_space<vmem>>[vector<16xi32>], vector<16xf32>,
      %get3A_335 = arith.constant 4 : i32
      %get3A_336 = arith.index_cast %get3A_335 : i32 to index
      %get3A_337 = arith.constant 80 : index
      %get3A_338 = tpu.vector_load %arg9[%get3A_336, %get3A_337] {strides = array<i32>} : memref<8x128xi32, #tpu.memory_space<vmem>>, vector<16xi32>,
      tpu.vector_store_idx %arg15[%get3A_338], %broadcast_in_dim3A_11 {add = true} : memref<10240xf32, #tpu.memory_space<vmem>>[vector<16xi32>], vector<16xf32>,
      %get3A_339 = arith.constant 4 : i32
      %get3A_340 = arith.index_cast %get3A_339 : i32 to index
      %get3A_341 = arith.constant 96 : index
      %get3A_342 = tpu.vector_load %arg9[%get3A_340, %get3A_341] {strides = array<i32>} : memref<8x128xi32, #tpu.memory_space<vmem>>, vector<16xi32>,
      tpu.vector_store_idx %arg15[%get3A_342], %broadcast_in_dim3A_11 {add = true} : memref<10240xf32, #tpu.memory_space<vmem>>[vector<16xi32>], vector<16xf32>,
      %get3A_343 = arith.constant 4 : i32
      %get3A_344 = arith.index_cast %get3A_343 : i32 to index
      %get3A_345 = arith.constant 112 : index
      %get3A_346 = tpu.vector_load %arg9[%get3A_344, %get3A_345] {strides = array<i32>} : memref<8x128xi32, #tpu.memory_space<vmem>>, vector<16xi32>,
      tpu.vector_store_idx %arg15[%get3A_346], %broadcast_in_dim3A_11 {add = true} : memref<10240xf32, #tpu.memory_space<vmem>>[vector<16xi32>], vector<16xf32>,
      %mul3A_347 = arith.constant 8 : i32
      %mul3A_348 = arith.muli %while3A_76, %mul3A_347 : i32
      %add3A_349 = arith.constant 5 : i32
      %add3A_350 = arith.addi %mul3A_348, %add3A_349 : i32
      %dma_wait3A_351 = arith.constant 0 : i32
      %dma_wait3A_352 = tpu.memref_slice %arg8[%add3A_350, %dma_wait3A_351] : memref<40x128xi32, #tpu.memory_space<vmem>> -> memref<1x128xi32, #tpu.memory_space<vmem>>
      %dma_wait3A_353 = tpu.memref_squeeze %dma_wait3A_352 : memref<1x128xi32, #tpu.memory_space<vmem>> -> memref<128xi32, #tpu.memory_space<vmem>>
      %dma_wait3A_354 = arith.constant 0 : i32
      %dma_wait3A_355 = arith.constant 0 : i32
      %dma_wait3A_356 = tpu.memref_slice %arg2[%dma_wait3A_354, %dma_wait3A_355] : memref<10000x128xf32, #tpu.memory_space<hbm>> -> memref<10000x128xf32, #tpu.memory_space<hbm>>
      tpu.wait_indirect_dma semaphore(%arg14 : memref<!tpu.dma_semaphore, #tpu.memory_space<semaphore_mem>>) src(%dma_wait3A_356 : memref<10000x128xf32, #tpu.memory_space<hbm>>) dst(%arg11 : memref<128x128xf32, #tpu.memory_space<vmem>>)
      %run_scoped3A_357 = arith.constant 5 : i32
      "tpu.region"() ({
        %run_scoped3A_509 = tpu.sem_alloc : memref<!tpu.dma_semaphore, #tpu.memory_space<semaphore_mem>>
        %dma_start3A_510 = arith.constant 0 : i32
        %dma_start3A_511 = tpu.memref_slice %arg9[%run_scoped3A_357, %dma_start3A_510] : memref<8x128xi32, #tpu.memory_space<vmem>> -> memref<1x128xi32, #tpu.memory_space<vmem>>
        %dma_start3A_512 = tpu.memref_squeeze %dma_start3A_511 : memref<1x128xi32, #tpu.memory_space<vmem>> -> memref<128xi32, #tpu.memory_space<vmem>>
        %dma_start3A_513 = arith.constant 0 : i32
        %dma_start3A_514 = arith.constant 0 : i32
        %dma_start3A_515 = tpu.memref_slice %arg12[%dma_start3A_513, %dma_start3A_514] : memref<10240x128xf32, #tpu.memory_space<vmem_shared>> -> memref<10240x128xf32, #tpu.memory_space<vmem_shared>>
        tpu.enqueue_indirect_dma source(%arg11 : memref<128x128xf32, #tpu.memory_space<vmem>>) target(%dma_start3A_515 : memref<10240x128xf32, #tpu.memory_space<vmem_shared>>) offsets(%dma_start3A_512 : memref<128xi32, #tpu.memory_space<vmem>>) semaphore(%run_scoped3A_509 : memref<!tpu.dma_semaphore, #tpu.memory_space<semaphore_mem>>) {add = true}
        %dma_wait3A_516 = arith.constant 0 : i32
        %dma_wait3A_517 = tpu.memref_slice %arg9[%run_scoped3A_357, %dma_wait3A_516] : memref<8x128xi32, #tpu.memory_space<vmem>> -> memref<1x128xi32, #tpu.memory_space<vmem>>
        %dma_wait3A_518 = tpu.memref_squeeze %dma_wait3A_517 : memref<1x128xi32, #tpu.memory_space<vmem>> -> memref<128xi32, #tpu.memory_space<vmem>>
        %dma_wait3A_519 = arith.constant 0 : i32
        %dma_wait3A_520 = arith.constant 0 : i32
        %dma_wait3A_521 = tpu.memref_slice %arg12[%dma_wait3A_519, %dma_wait3A_520] : memref<10240x128xf32, #tpu.memory_space<vmem_shared>> -> memref<10240x128xf32, #tpu.memory_space<vmem_shared>>
        tpu.wait_indirect_dma semaphore(%run_scoped3A_509 : memref<!tpu.dma_semaphore, #tpu.memory_space<semaphore_mem>>) src(%arg11 : memref<128x128xf32, #tpu.memory_space<vmem>>) dst(%dma_wait3A_521 : memref<10240x128xf32, #tpu.memory_space<vmem_shared>>)
        tpu.yield
      }) : () -> ()
      %add3A_358 = arith.constant 2 : i32
      %add3A_359 = arith.addi %add3A_350, %add3A_358 : i32
      %sub3A_360 = arith.constant 1 : i32
      %sub3A_361 = arith.subi %select_n3A_10, %sub3A_360 : i32
      %min3A_362 = arith.minsi %add3A_359, %sub3A_361 : i32
      %dma_start3A_363 = arith.constant 0 : i32
      %dma_start3A_364 = tpu.memref_slice %arg8[%min3A_362, %dma_start3A_363] : memref<40x128xi32, #tpu.memory_space<vmem>> -> memref<1x128xi32, #tpu.memory_space<vmem>>
      %dma_start3A_365 = tpu.memref_squeeze %dma_start3A_364 : memref<1x128xi32, #tpu.memory_space<vmem>> -> memref<128xi32, #tpu.memory_space<vmem>>
      %dma_start3A_366 = arith.constant 0 : i32
      %dma_start3A_367 = arith.constant 0 : i32
      %dma_start3A_368 = tpu.memref_slice %arg2[%dma_start3A_366, %dma_start3A_367] : memref<10000x128xf32, #tpu.memory_space<hbm>> -> memref<10000x128xf32, #tpu.memory_space<hbm>>
      tpu.enqueue_indirect_dma source(%dma_start3A_368 : memref<10000x128xf32, #tpu.memory_space<hbm>>) target(%arg11 : memref<128x128xf32, #tpu.memory_space<vmem>>) offsets(%dma_start3A_365 : memref<128xi32, #tpu.memory_space<vmem>>) semaphore(%arg14 : memref<!tpu.dma_semaphore, #tpu.memory_space<semaphore_mem>>)
      %get3A_369 = arith.constant 5 : i32
      %get3A_370 = arith.index_cast %get3A_369 : i32 to index
      %get3A_371 = arith.constant 0 : index
      %get3A_372 = tpu.vector_load %arg9[%get3A_370, %get3A_371] {strides = array<i32>} : memref<8x128xi32, #tpu.memory_space<vmem>>, vector<16xi32>,
      tpu.vector_store_idx %arg15[%get3A_372], %broadcast_in_dim3A_11 {add = true} : memref<10240xf32, #tpu.memory_space<vmem>>[vector<16xi32>], vector<16xf32>,
      %get3A_373 = arith.constant 5 : i32
      %get3A_374 = arith.index_cast %get3A_373 : i32 to index
      %get3A_375 = arith.constant 16 : index
      %get3A_376 = tpu.vector_load %arg9[%get3A_374, %get3A_375] {strides = array<i32>} : memref<8x128xi32, #tpu.memory_space<vmem>>, vector<16xi32>,
      tpu.vector_store_idx %arg15[%get3A_376], %broadcast_in_dim3A_11 {add = true} : memref<10240xf32, #tpu.memory_space<vmem>>[vector<16xi32>], vector<16xf32>,
      %get3A_377 = arith.constant 5 : i32
      %get3A_378 = arith.index_cast %get3A_377 : i32 to index
      %get3A_379 = arith.constant 32 : index
      %get3A_380 = tpu.vector_load %arg9[%get3A_378, %get3A_379] {strides = array<i32>} : memref<8x128xi32, #tpu.memory_space<vmem>>, vector<16xi32>,
      tpu.vector_store_idx %arg15[%get3A_380], %broadcast_in_dim3A_11 {add = true} : memref<10240xf32, #tpu.memory_space<vmem>>[vector<16xi32>], vector<16xf32>,
      %get3A_381 = arith.constant 5 : i32
      %get3A_382 = arith.index_cast %get3A_381 : i32 to index
      %get3A_383 = arith.constant 48 : index
      %get3A_384 = tpu.vector_load %arg9[%get3A_382, %get3A_383] {strides = array<i32>} : memref<8x128xi32, #tpu.memory_space<vmem>>, vector<16xi32>,
      tpu.vector_store_idx %arg15[%get3A_384], %broadcast_in_dim3A_11 {add = true} : memref<10240xf32, #tpu.memory_space<vmem>>[vector<16xi32>], vector<16xf32>,
      %get3A_385 = arith.constant 5 : i32
      %get3A_386 = arith.index_cast %get3A_385 : i32 to index
      %get3A_387 = arith.constant 64 : index
      %get3A_388 = tpu.vector_load %arg9[%get3A_386, %get3A_387] {strides = array<i32>} : memref<8x128xi32, #tpu.memory_space<vmem>>, vector<16xi32>,
      tpu.vector_store_idx %arg15[%get3A_388], %broadcast_in_dim3A_11 {add = true} : memref<10240xf32, #tpu.memory_space<vmem>>[vector<16xi32>], vector<16xf32>,
      %get3A_389 = arith.constant 5 : i32
      %get3A_390 = arith.index_cast %get3A_389 : i32 to index
      %get3A_391 = arith.constant 80 : index
      %get3A_392 = tpu.vector_load %arg9[%get3A_390, %get3A_391] {strides = array<i32>} : memref<8x128xi32, #tpu.memory_space<vmem>>, vector<16xi32>,
      tpu.vector_store_idx %arg15[%get3A_392], %broadcast_in_dim3A_11 {add = true} : memref<10240xf32, #tpu.memory_space<vmem>>[vector<16xi32>], vector<16xf32>,
      %get3A_393 = arith.constant 5 : i32
      %get3A_394 = arith.index_cast %get3A_393 : i32 to index
      %get3A_395 = arith.constant 96 : index
      %get3A_396 = tpu.vector_load %arg9[%get3A_394, %get3A_395] {strides = array<i32>} : memref<8x128xi32, #tpu.memory_space<vmem>>, vector<16xi32>,
      tpu.vector_store_idx %arg15[%get3A_396], %broadcast_in_dim3A_11 {add = true} : memref<10240xf32, #tpu.memory_space<vmem>>[vector<16xi32>], vector<16xf32>,
      %get3A_397 = arith.constant 5 : i32
      %get3A_398 = arith.index_cast %get3A_397 : i32 to index
      %get3A_399 = arith.constant 112 : index
      %get3A_400 = tpu.vector_load %arg9[%get3A_398, %get3A_399] {strides = array<i32>} : memref<8x128xi32, #tpu.memory_space<vmem>>, vector<16xi32>,
      tpu.vector_store_idx %arg15[%get3A_400], %broadcast_in_dim3A_11 {add = true} : memref<10240xf32, #tpu.memory_space<vmem>>[vector<16xi32>], vector<16xf32>,
      %mul3A_401 = arith.constant 8 : i32
      %mul3A_402 = arith.muli %while3A_76, %mul3A_401 : i32
      %add3A_403 = arith.constant 6 : i32
      %add3A_404 = arith.addi %mul3A_402, %add3A_403 : i32
      %dma_wait3A_405 = arith.constant 0 : i32
      %dma_wait3A_406 = tpu.memref_slice %arg8[%add3A_404, %dma_wait3A_405] : memref<40x128xi32, #tpu.memory_space<vmem>> -> memref<1x128xi32, #tpu.memory_space<vmem>>
      %dma_wait3A_407 = tpu.memref_squeeze %dma_wait3A_406 : memref<1x128xi32, #tpu.memory_space<vmem>> -> memref<128xi32, #tpu.memory_space<vmem>>
      %dma_wait3A_408 = arith.constant 0 : i32
      %dma_wait3A_409 = arith.constant 0 : i32
      %dma_wait3A_410 = tpu.memref_slice %arg2[%dma_wait3A_408, %dma_wait3A_409] : memref<10000x128xf32, #tpu.memory_space<hbm>> -> memref<10000x128xf32, #tpu.memory_space<hbm>>
      tpu.wait_indirect_dma semaphore(%arg13 : memref<!tpu.dma_semaphore, #tpu.memory_space<semaphore_mem>>) src(%dma_wait3A_410 : memref<10000x128xf32, #tpu.memory_space<hbm>>) dst(%arg10 : memref<128x128xf32, #tpu.memory_space<vmem>>)
      %run_scoped3A_411 = arith.constant 6 : i32
      "tpu.region"() ({
        %run_scoped3A_509 = tpu.sem_alloc : memref<!tpu.dma_semaphore, #tpu.memory_space<semaphore_mem>>
        %dma_start3A_510 = arith.constant 0 : i32
        %dma_start3A_511 = tpu.memref_slice %arg9[%run_scoped3A_411, %dma_start3A_510] : memref<8x128xi32, #tpu.memory_space<vmem>> -> memref<1x128xi32, #tpu.memory_space<vmem>>
        %dma_start3A_512 = tpu.memref_squeeze %dma_start3A_511 : memref<1x128xi32, #tpu.memory_space<vmem>> -> memref<128xi32, #tpu.memory_space<vmem>>
        %dma_start3A_513 = arith.constant 0 : i32
        %dma_start3A_514 = arith.constant 0 : i32
        %dma_start3A_515 = tpu.memref_slice %arg12[%dma_start3A_513, %dma_start3A_514] : memref<10240x128xf32, #tpu.memory_space<vmem_shared>> -> memref<10240x128xf32, #tpu.memory_space<vmem_shared>>
        tpu.enqueue_indirect_dma source(%arg10 : memref<128x128xf32, #tpu.memory_space<vmem>>) target(%dma_start3A_515 : memref<10240x128xf32, #tpu.memory_space<vmem_shared>>) offsets(%dma_start3A_512 : memref<128xi32, #tpu.memory_space<vmem>>) semaphore(%run_scoped3A_509 : memref<!tpu.dma_semaphore, #tpu.memory_space<semaphore_mem>>) {add = true}
        %dma_wait3A_516 = arith.constant 0 : i32
        %dma_wait3A_517 = tpu.memref_slice %arg9[%run_scoped3A_411, %dma_wait3A_516] : memref<8x128xi32, #tpu.memory_space<vmem>> -> memref<1x128xi32, #tpu.memory_space<vmem>>
        %dma_wait3A_518 = tpu.memref_squeeze %dma_wait3A_517 : memref<1x128xi32, #tpu.memory_space<vmem>> -> memref<128xi32, #tpu.memory_space<vmem>>
        %dma_wait3A_519 = arith.constant 0 : i32
        %dma_wait3A_520 = arith.constant 0 : i32
        %dma_wait3A_521 = tpu.memref_slice %arg12[%dma_wait3A_519, %dma_wait3A_520] : memref<10240x128xf32, #tpu.memory_space<vmem_shared>> -> memref<10240x128xf32, #tpu.memory_space<vmem_shared>>
        tpu.wait_indirect_dma semaphore(%run_scoped3A_509 : memref<!tpu.dma_semaphore, #tpu.memory_space<semaphore_mem>>) src(%arg10 : memref<128x128xf32, #tpu.memory_space<vmem>>) dst(%dma_wait3A_521 : memref<10240x128xf32, #tpu.memory_space<vmem_shared>>)
        tpu.yield
      }) : () -> ()
      %add3A_412 = arith.constant 2 : i32
      %add3A_413 = arith.addi %add3A_404, %add3A_412 : i32
      %sub3A_414 = arith.constant 1 : i32
      %sub3A_415 = arith.subi %select_n3A_10, %sub3A_414 : i32
      %min3A_416 = arith.minsi %add3A_413, %sub3A_415 : i32
      %dma_start3A_417 = arith.constant 0 : i32
      %dma_start3A_418 = tpu.memref_slice %arg8[%min3A_416, %dma_start3A_417] : memref<40x128xi32, #tpu.memory_space<vmem>> -> memref<1x128xi32, #tpu.memory_space<vmem>>
      %dma_start3A_419 = tpu.memref_squeeze %dma_start3A_418 : memref<1x128xi32, #tpu.memory_space<vmem>> -> memref<128xi32, #tpu.memory_space<vmem>>
      %dma_start3A_420 = arith.constant 0 : i32
      %dma_start3A_421 = arith.constant 0 : i32
      %dma_start3A_422 = tpu.memref_slice %arg2[%dma_start3A_420, %dma_start3A_421] : memref<10000x128xf32, #tpu.memory_space<hbm>> -> memref<10000x128xf32, #tpu.memory_space<hbm>>
      tpu.enqueue_indirect_dma source(%dma_start3A_422 : memref<10000x128xf32, #tpu.memory_space<hbm>>) target(%arg10 : memref<128x128xf32, #tpu.memory_space<vmem>>) offsets(%dma_start3A_419 : memref<128xi32, #tpu.memory_space<vmem>>) semaphore(%arg13 : memref<!tpu.dma_semaphore, #tpu.memory_space<semaphore_mem>>)
      %get3A_423 = arith.constant 6 : i32
      %get3A_424 = arith.index_cast %get3A_423 : i32 to index
      %get3A_425 = arith.constant 0 : index
      %get3A_426 = tpu.vector_load %arg9[%get3A_424, %get3A_425] {strides = array<i32>} : memref<8x128xi32, #tpu.memory_space<vmem>>, vector<16xi32>,
      tpu.vector_store_idx %arg15[%get3A_426], %broadcast_in_dim3A_11 {add = true} : memref<10240xf32, #tpu.memory_space<vmem>>[vector<16xi32>], vector<16xf32>,
      %get3A_427 = arith.constant 6 : i32
      %get3A_428 = arith.index_cast %get3A_427 : i32 to index
      %get3A_429 = arith.constant 16 : index
      %get3A_430 = tpu.vector_load %arg9[%get3A_428, %get3A_429] {strides = array<i32>} : memref<8x128xi32, #tpu.memory_space<vmem>>, vector<16xi32>,
      tpu.vector_store_idx %arg15[%get3A_430], %broadcast_in_dim3A_11 {add = true} : memref<10240xf32, #tpu.memory_space<vmem>>[vector<16xi32>], vector<16xf32>,
      %get3A_431 = arith.constant 6 : i32
      %get3A_432 = arith.index_cast %get3A_431 : i32 to index
      %get3A_433 = arith.constant 32 : index
      %get3A_434 = tpu.vector_load %arg9[%get3A_432, %get3A_433] {strides = array<i32>} : memref<8x128xi32, #tpu.memory_space<vmem>>, vector<16xi32>,
      tpu.vector_store_idx %arg15[%get3A_434], %broadcast_in_dim3A_11 {add = true} : memref<10240xf32, #tpu.memory_space<vmem>>[vector<16xi32>], vector<16xf32>,
      %get3A_435 = arith.constant 6 : i32
      %get3A_436 = arith.index_cast %get3A_435 : i32 to index
      %get3A_437 = arith.constant 48 : index
      %get3A_438 = tpu.vector_load %arg9[%get3A_436, %get3A_437] {strides = array<i32>} : memref<8x128xi32, #tpu.memory_space<vmem>>, vector<16xi32>,
      tpu.vector_store_idx %arg15[%get3A_438], %broadcast_in_dim3A_11 {add = true} : memref<10240xf32, #tpu.memory_space<vmem>>[vector<16xi32>], vector<16xf32>,
      %get3A_439 = arith.constant 6 : i32
      %get3A_440 = arith.index_cast %get3A_439 : i32 to index
      %get3A_441 = arith.constant 64 : index
      %get3A_442 = tpu.vector_load %arg9[%get3A_440, %get3A_441] {strides = array<i32>} : memref<8x128xi32, #tpu.memory_space<vmem>>, vector<16xi32>,
      tpu.vector_store_idx %arg15[%get3A_442], %broadcast_in_dim3A_11 {add = true} : memref<10240xf32, #tpu.memory_space<vmem>>[vector<16xi32>], vector<16xf32>,
      %get3A_443 = arith.constant 6 : i32
      %get3A_444 = arith.index_cast %get3A_443 : i32 to index
      %get3A_445 = arith.constant 80 : index
      %get3A_446 = tpu.vector_load %arg9[%get3A_444, %get3A_445] {strides = array<i32>} : memref<8x128xi32, #tpu.memory_space<vmem>>, vector<16xi32>,
      tpu.vector_store_idx %arg15[%get3A_446], %broadcast_in_dim3A_11 {add = true} : memref<10240xf32, #tpu.memory_space<vmem>>[vector<16xi32>], vector<16xf32>,
      %get3A_447 = arith.constant 6 : i32
      %get3A_448 = arith.index_cast %get3A_447 : i32 to index
      %get3A_449 = arith.constant 96 : index
      %get3A_450 = tpu.vector_load %arg9[%get3A_448, %get3A_449] {strides = array<i32>} : memref<8x128xi32, #tpu.memory_space<vmem>>, vector<16xi32>,
      tpu.vector_store_idx %arg15[%get3A_450], %broadcast_in_dim3A_11 {add = true} : memref<10240xf32, #tpu.memory_space<vmem>>[vector<16xi32>], vector<16xf32>,
      %get3A_451 = arith.constant 6 : i32
      %get3A_452 = arith.index_cast %get3A_451 : i32 to index
      %get3A_453 = arith.constant 112 : index
      %get3A_454 = tpu.vector_load %arg9[%get3A_452, %get3A_453] {strides = array<i32>} : memref<8x128xi32, #tpu.memory_space<vmem>>, vector<16xi32>,
      tpu.vector_store_idx %arg15[%get3A_454], %broadcast_in_dim3A_11 {add = true} : memref<10240xf32, #tpu.memory_space<vmem>>[vector<16xi32>], vector<16xf32>,
      %mul3A_455 = arith.constant 8 : i32
      %mul3A_456 = arith.muli %while3A_76, %mul3A_455 : i32
      %add3A_457 = arith.constant 7 : i32
      %add3A_458 = arith.addi %mul3A_456, %add3A_457 : i32
      %dma_wait3A_459 = arith.constant 0 : i32
      %dma_wait3A_460 = tpu.memref_slice %arg8[%add3A_458, %dma_wait3A_459] : memref<40x128xi32, #tpu.memory_space<vmem>> -> memref<1x128xi32, #tpu.memory_space<vmem>>
      %dma_wait3A_461 = tpu.memref_squeeze %dma_wait3A_460 : memref<1x128xi32, #tpu.memory_space<vmem>> -> memref<128xi32, #tpu.memory_space<vmem>>
      %dma_wait3A_462 = arith.constant 0 : i32
      %dma_wait3A_463 = arith.constant 0 : i32
      %dma_wait3A_464 = tpu.memref_slice %arg2[%dma_wait3A_462, %dma_wait3A_463] : memref<10000x128xf32, #tpu.memory_space<hbm>> -> memref<10000x128xf32, #tpu.memory_space<hbm>>
      tpu.wait_indirect_dma semaphore(%arg14 : memref<!tpu.dma_semaphore, #tpu.memory_space<semaphore_mem>>) src(%dma_wait3A_464 : memref<10000x128xf32, #tpu.memory_space<hbm>>) dst(%arg11 : memref<128x128xf32, #tpu.memory_space<vmem>>)
      %run_scoped3A_465 = arith.constant 7 : i32
      "tpu.region"() ({
        %run_scoped3A_509 = tpu.sem_alloc : memref<!tpu.dma_semaphore, #tpu.memory_space<semaphore_mem>>
        %dma_start3A_510 = arith.constant 0 : i32
        %dma_start3A_511 = tpu.memref_slice %arg9[%run_scoped3A_465, %dma_start3A_510] : memref<8x128xi32, #tpu.memory_space<vmem>> -> memref<1x128xi32, #tpu.memory_space<vmem>>
        %dma_start3A_512 = tpu.memref_squeeze %dma_start3A_511 : memref<1x128xi32, #tpu.memory_space<vmem>> -> memref<128xi32, #tpu.memory_space<vmem>>
        %dma_start3A_513 = arith.constant 0 : i32
        %dma_start3A_514 = arith.constant 0 : i32
        %dma_start3A_515 = tpu.memref_slice %arg12[%dma_start3A_513, %dma_start3A_514] : memref<10240x128xf32, #tpu.memory_space<vmem_shared>> -> memref<10240x128xf32, #tpu.memory_space<vmem_shared>>
        tpu.enqueue_indirect_dma source(%arg11 : memref<128x128xf32, #tpu.memory_space<vmem>>) target(%dma_start3A_515 : memref<10240x128xf32, #tpu.memory_space<vmem_shared>>) offsets(%dma_start3A_512 : memref<128xi32, #tpu.memory_space<vmem>>) semaphore(%run_scoped3A_509 : memref<!tpu.dma_semaphore, #tpu.memory_space<semaphore_mem>>) {add = true}
        %dma_wait3A_516 = arith.constant 0 : i32
        %dma_wait3A_517 = tpu.memref_slice %arg9[%run_scoped3A_465, %dma_wait3A_516] : memref<8x128xi32, #tpu.memory_space<vmem>> -> memref<1x128xi32, #tpu.memory_space<vmem>>
        %dma_wait3A_518 = tpu.memref_squeeze %dma_wait3A_517 : memref<1x128xi32, #tpu.memory_space<vmem>> -> memref<128xi32, #tpu.memory_space<vmem>>
        %dma_wait3A_519 = arith.constant 0 : i32
        %dma_wait3A_520 = arith.constant 0 : i32
        %dma_wait3A_521 = tpu.memref_slice %arg12[%dma_wait3A_519, %dma_wait3A_520] : memref<10240x128xf32, #tpu.memory_space<vmem_shared>> -> memref<10240x128xf32, #tpu.memory_space<vmem_shared>>
        tpu.wait_indirect_dma semaphore(%run_scoped3A_509 : memref<!tpu.dma_semaphore, #tpu.memory_space<semaphore_mem>>) src(%arg11 : memref<128x128xf32, #tpu.memory_space<vmem>>) dst(%dma_wait3A_521 : memref<10240x128xf32, #tpu.memory_space<vmem_shared>>)
        tpu.yield
      }) : () -> ()
      %add3A_466 = arith.constant 2 : i32
      %add3A_467 = arith.addi %add3A_458, %add3A_466 : i32
      %sub3A_468 = arith.constant 1 : i32
      %sub3A_469 = arith.subi %select_n3A_10, %sub3A_468 : i32
      %min3A_470 = arith.minsi %add3A_467, %sub3A_469 : i32
      %dma_start3A_471 = arith.constant 0 : i32
      %dma_start3A_472 = tpu.memref_slice %arg8[%min3A_470, %dma_start3A_471] : memref<40x128xi32, #tpu.memory_space<vmem>> -> memref<1x128xi32, #tpu.memory_space<vmem>>
      %dma_start3A_473 = tpu.memref_squeeze %dma_start3A_472 : memref<1x128xi32, #tpu.memory_space<vmem>> -> memref<128xi32, #tpu.memory_space<vmem>>
      %dma_start3A_474 = arith.constant 0 : i32
      %dma_start3A_475 = arith.constant 0 : i32
      %dma_start3A_476 = tpu.memref_slice %arg2[%dma_start3A_474, %dma_start3A_475] : memref<10000x128xf32, #tpu.memory_space<hbm>> -> memref<10000x128xf32, #tpu.memory_space<hbm>>
      tpu.enqueue_indirect_dma source(%dma_start3A_476 : memref<10000x128xf32, #tpu.memory_space<hbm>>) target(%arg11 : memref<128x128xf32, #tpu.memory_space<vmem>>) offsets(%dma_start3A_473 : memref<128xi32, #tpu.memory_space<vmem>>) semaphore(%arg14 : memref<!tpu.dma_semaphore, #tpu.memory_space<semaphore_mem>>)
      %get3A_477 = arith.constant 7 : i32
      %get3A_478 = arith.index_cast %get3A_477 : i32 to index
      %get3A_479 = arith.constant 0 : index
      %get3A_480 = tpu.vector_load %arg9[%get3A_478, %get3A_479] {strides = array<i32>} : memref<8x128xi32, #tpu.memory_space<vmem>>, vector<16xi32>,
      tpu.vector_store_idx %arg15[%get3A_480], %broadcast_in_dim3A_11 {add = true} : memref<10240xf32, #tpu.memory_space<vmem>>[vector<16xi32>], vector<16xf32>,
      %get3A_481 = arith.constant 7 : i32
      %get3A_482 = arith.index_cast %get3A_481 : i32 to index
      %get3A_483 = arith.constant 16 : index
      %get3A_484 = tpu.vector_load %arg9[%get3A_482, %get3A_483] {strides = array<i32>} : memref<8x128xi32, #tpu.memory_space<vmem>>, vector<16xi32>,
      tpu.vector_store_idx %arg15[%get3A_484], %broadcast_in_dim3A_11 {add = true} : memref<10240xf32, #tpu.memory_space<vmem>>[vector<16xi32>], vector<16xf32>,
      %get3A_485 = arith.constant 7 : i32
      %get3A_486 = arith.index_cast %get3A_485 : i32 to index
      %get3A_487 = arith.constant 32 : index
      %get3A_488 = tpu.vector_load %arg9[%get3A_486, %get3A_487] {strides = array<i32>} : memref<8x128xi32, #tpu.memory_space<vmem>>, vector<16xi32>,
      tpu.vector_store_idx %arg15[%get3A_488], %broadcast_in_dim3A_11 {add = true} : memref<10240xf32, #tpu.memory_space<vmem>>[vector<16xi32>], vector<16xf32>,
      %get3A_489 = arith.constant 7 : i32
      %get3A_490 = arith.index_cast %get3A_489 : i32 to index
      %get3A_491 = arith.constant 48 : index
      %get3A_492 = tpu.vector_load %arg9[%get3A_490, %get3A_491] {strides = array<i32>} : memref<8x128xi32, #tpu.memory_space<vmem>>, vector<16xi32>,
      tpu.vector_store_idx %arg15[%get3A_492], %broadcast_in_dim3A_11 {add = true} : memref<10240xf32, #tpu.memory_space<vmem>>[vector<16xi32>], vector<16xf32>,
      %get3A_493 = arith.constant 7 : i32
      %get3A_494 = arith.index_cast %get3A_493 : i32 to index
      %get3A_495 = arith.constant 64 : index
      %get3A_496 = tpu.vector_load %arg9[%get3A_494, %get3A_495] {strides = array<i32>} : memref<8x128xi32, #tpu.memory_space<vmem>>, vector<16xi32>,
      tpu.vector_store_idx %arg15[%get3A_496], %broadcast_in_dim3A_11 {add = true} : memref<10240xf32, #tpu.memory_space<vmem>>[vector<16xi32>], vector<16xf32>,
      %get3A_497 = arith.constant 7 : i32
      %get3A_498 = arith.index_cast %get3A_497 : i32 to index
      %get3A_499 = arith.constant 80 : index
      %get3A_500 = tpu.vector_load %arg9[%get3A_498, %get3A_499] {strides = array<i32>} : memref<8x128xi32, #tpu.memory_space<vmem>>, vector<16xi32>,
      tpu.vector_store_idx %arg15[%get3A_500], %broadcast_in_dim3A_11 {add = true} : memref<10240xf32, #tpu.memory_space<vmem>>[vector<16xi32>], vector<16xf32>,
      %get3A_501 = arith.constant 7 : i32
      %get3A_502 = arith.index_cast %get3A_501 : i32 to index
      %get3A_503 = arith.constant 96 : index
      %get3A_504 = tpu.vector_load %arg9[%get3A_502, %get3A_503] {strides = array<i32>} : memref<8x128xi32, #tpu.memory_space<vmem>>, vector<16xi32>,
      tpu.vector_store_idx %arg15[%get3A_504], %broadcast_in_dim3A_11 {add = true} : memref<10240xf32, #tpu.memory_space<vmem>>[vector<16xi32>], vector<16xf32>,
      %get3A_505 = arith.constant 7 : i32
      %get3A_506 = arith.index_cast %get3A_505 : i32 to index
      %get3A_507 = arith.constant 112 : index
      %get3A_508 = tpu.vector_load %arg9[%get3A_506, %get3A_507] {strides = array<i32>} : memref<8x128xi32, #tpu.memory_space<vmem>>, vector<16xi32>,
      tpu.vector_store_idx %arg15[%get3A_508], %broadcast_in_dim3A_11 {add = true} : memref<10240xf32, #tpu.memory_space<vmem>>[vector<16xi32>], vector<16xf32>,
    }
    %dma_wait3A = arith.constant 0 : i32
    %dma_wait3A_59 = arith.constant 0 : i32
    %dma_wait3A_60 = tpu.memref_slice %arg8[%dma_wait3A, %dma_wait3A_59] : memref<40x128xi32, #tpu.memory_space<vmem>> -> memref<1x128xi32, #tpu.memory_space<vmem>>
    %dma_wait3A_61 = tpu.memref_squeeze %dma_wait3A_60 : memref<1x128xi32, #tpu.memory_space<vmem>> -> memref<128xi32, #tpu.memory_space<vmem>>
    %dma_wait3A_62 = arith.constant 0 : i32
    %dma_wait3A_63 = arith.constant 0 : i32
    %dma_wait3A_64 = tpu.memref_slice %arg2[%dma_wait3A_62, %dma_wait3A_63] : memref<10000x128xf32, #tpu.memory_space<hbm>> -> memref<10000x128xf32, #tpu.memory_space<hbm>>
    tpu.wait_indirect_dma semaphore(%arg13 : memref<!tpu.dma_semaphore, #tpu.memory_space<semaphore_mem>>) src(%dma_wait3A_64 : memref<10000x128xf32, #tpu.memory_space<hbm>>) dst(%arg10 : memref<128x128xf32, #tpu.memory_space<vmem>>)
    %dma_wait3A_65 = arith.constant 0 : i32
    %dma_wait3A_66 = arith.constant 0 : i32
    %dma_wait3A_67 = tpu.memref_slice %arg8[%dma_wait3A_65, %dma_wait3A_66] : memref<40x128xi32, #tpu.memory_space<vmem>> -> memref<1x128xi32, #tpu.memory_space<vmem>>
    %dma_wait3A_68 = tpu.memref_squeeze %dma_wait3A_67 : memref<1x128xi32, #tpu.memory_space<vmem>> -> memref<128xi32, #tpu.memory_space<vmem>>
    %dma_wait3A_69 = arith.constant 0 : i32
    %dma_wait3A_70 = arith.constant 0 : i32
    %dma_wait3A_71 = tpu.memref_slice %arg2[%dma_wait3A_69, %dma_wait3A_70] : memref<10000x128xf32, #tpu.memory_space<hbm>> -> memref<10000x128xf32, #tpu.memory_space<hbm>>
    tpu.wait_indirect_dma semaphore(%arg14 : memref<!tpu.dma_semaphore, #tpu.memory_space<semaphore_mem>>) src(%dma_wait3A_71 : memref<10000x128xf32, #tpu.memory_space<hbm>>) dst(%arg11 : memref<128x128xf32, #tpu.memory_space<vmem>>)
    %barrier3A_72 = arith.constant 0 : index
    tpu.barrier barrier_id(%barrier3A_72)
    "tpu.region"() ({
      %run_scoped3A = tpu.sem_alloc : memref<!tpu.dma_semaphore, #tpu.memory_space<semaphore_mem>>
      %dma_start3A_76 = arith.constant 0 : i32
      %dma_start3A_77 = tpu.memref_slice %arg6[%arg0, %mul3A_0, %dma_start3A_76] : memref<2x10240x128xf32, #tpu.memory_space<hbm>> -> memref<1x640x128xf32, #tpu.memory_space<hbm>>
      %dma_start3A_78 = tpu.memref_squeeze %dma_start3A_77 : memref<1x640x128xf32, #tpu.memory_space<hbm>> -> memref<640x128xf32, #tpu.memory_space<hbm>>
      %dma_start3A_79 = arith.constant 0 : i32
      %dma_start3A_80 = tpu.memref_slice %arg12[%mul3A_0, %dma_start3A_79] : memref<10240x128xf32, #tpu.memory_space<vmem_shared>> -> memref<640x128xf32, #tpu.memory_space<vmem_shared>>
      tpu.enqueue_dma source(%dma_start3A_80 : memref<640x128xf32, #tpu.memory_space<vmem_shared>>) target(%dma_start3A_78 : memref<640x128xf32, #tpu.memory_space<hbm>>) target_semaphore(%run_scoped3A : memref<!tpu.dma_semaphore, #tpu.memory_space<semaphore_mem>>)
      %dma_wait3A_81 = arith.constant 0 : i32
      %dma_wait3A_82 = tpu.memref_slice %arg6[%arg0, %mul3A_0, %dma_wait3A_81] : memref<2x10240x128xf32, #tpu.memory_space<hbm>> -> memref<1x640x128xf32, #tpu.memory_space<hbm>>
      %dma_wait3A_83 = tpu.memref_squeeze %dma_wait3A_82 : memref<1x640x128xf32, #tpu.memory_space<hbm>> -> memref<640x128xf32, #tpu.memory_space<hbm>>
      %dma_wait3A_84 = arith.constant 0 : i32
      %dma_wait3A_85 = tpu.memref_slice %arg12[%mul3A_0, %dma_wait3A_84] : memref<10240x128xf32, #tpu.memory_space<vmem_shared>> -> memref<640x128xf32, #tpu.memory_space<vmem_shared>>
      tpu.wait_dma2 semaphore(%run_scoped3A : memref<!tpu.dma_semaphore, #tpu.memory_space<semaphore_mem>>) src(%dma_wait3A_85 : memref<640x128xf32, #tpu.memory_space<vmem_shared>>) dst(%dma_wait3A_83 : memref<640x128xf32, #tpu.memory_space<hbm>>)
      tpu.yield
    }) : () -> ()
    %mul3A_73 = arith.constant 16 : i32
    %mul3A_74 = arith.muli %arg0, %mul3A_73 : i32
    %add3A_75 = arith.addi %mul3A_74, %arg1 : i32
    "tpu.region"() ({
      %run_scoped3A = tpu.sem_alloc : memref<!tpu.dma_semaphore, #tpu.memory_space<semaphore_mem>>
      %dma_start3A_76 = arith.constant 0 : i32
      %dma_start3A_77 = tpu.memref_slice %arg7[%add3A_75, %dma_start3A_76] : memref<32x10240xf32, #tpu.memory_space<hbm>> -> memref<1x10240xf32, #tpu.memory_space<hbm>>
      %dma_start3A_78 = tpu.memref_squeeze %dma_start3A_77 : memref<1x10240xf32, #tpu.memory_space<hbm>> -> memref<10240xf32, #tpu.memory_space<hbm>>
      %dma_start3A_79 = arith.constant 0 : i32
      %dma_start3A_80 = tpu.memref_slice %arg7[%add3A_75, %dma_start3A_79] : memref<32x10240xf32, #tpu.memory_space<hbm>> -> memref<1x10240xf32, #tpu.memory_space<hbm>>
      %dma_start3A_81 = tpu.memref_squeeze %dma_start3A_80 : memref<1x10240xf32, #tpu.memory_space<hbm>> -> memref<10240xf32, #tpu.memory_space<hbm>>
      tpu.enqueue_dma source(%arg15 : memref<10240xf32, #tpu.memory_space<vmem>>) target(%dma_start3A_81 : memref<10240xf32, #tpu.memory_space<hbm>>) target_semaphore(%run_scoped3A : memref<!tpu.dma_semaphore, #tpu.memory_space<semaphore_mem>>)
      %dma_wait3A_82 = arith.constant 0 : i32
      %dma_wait3A_83 = tpu.memref_slice %arg7[%add3A_75, %dma_wait3A_82] : memref<32x10240xf32, #tpu.memory_space<hbm>> -> memref<1x10240xf32, #tpu.memory_space<hbm>>
      %dma_wait3A_84 = tpu.memref_squeeze %dma_wait3A_83 : memref<1x10240xf32, #tpu.memory_space<hbm>> -> memref<10240xf32, #tpu.memory_space<hbm>>
      %dma_wait3A_85 = arith.constant 0 : i32
      %dma_wait3A_86 = tpu.memref_slice %arg7[%add3A_75, %dma_wait3A_85] : memref<32x10240xf32, #tpu.memory_space<hbm>> -> memref<1x10240xf32, #tpu.memory_space<hbm>>
      %dma_wait3A_87 = tpu.memref_squeeze %dma_wait3A_86 : memref<1x10240xf32, #tpu.memory_space<hbm>> -> memref<10240xf32, #tpu.memory_space<hbm>>
      tpu.wait_dma2 semaphore(%run_scoped3A : memref<!tpu.dma_semaphore, #tpu.memory_space<semaphore_mem>>) src(%arg15 : memref<10240xf32, #tpu.memory_space<vmem>>) dst(%dma_wait3A_87 : memref<10240xf32, #tpu.memory_space<hbm>>)
      tpu.yield
    }) : () -> ()
    return
  }
}

module attributes {stable_mosaic.version = 14 : i64} {
  func.func @body(%arg0: i32, %arg1: memref<2000x256xf32, #tpu.memory_space<vmem>>, %arg2: memref<256x128xf32, #tpu.memory_space<vmem>>, %arg3: memref<256x128xf32, #tpu.memory_space<vmem>>, %arg4: memref<1x128xf32, #tpu.memory_space<vmem>>, %arg5: memref<2000x128xf32, #tpu.memory_space<vmem>>, %arg6: memref<2000x128xf32, #tpu.memory_space<vmem>>) attributes {dimension_semantics = [#tpu.dimension_semantics<arbitrary>], iteration_bounds = array<i64: 5>, scalar_prefetch = 0 : i64, scratch_operands = 0 : i64, tpu.core_type = #tpu.core_type<tc>, window_params = [{transform_indices = @transform_0, window_bounds = array<i64: 2000, 256>}, {pipeline_mode = #tpu.pipeline_mode<synchronous>, transform_indices = @transform_1, window_bounds = array<i64: 256, 128>}, {pipeline_mode = #tpu.pipeline_mode<synchronous>, transform_indices = @transform_2, window_bounds = array<i64: 256, 128>}, {pipeline_mode = #tpu.pipeline_mode<synchronous>, transform_indices = @transform_3, window_bounds = array<i64: 1, 128>}, {transform_indices = @transform_4, window_bounds = array<i64: 2000, 128>}, {transform_indices = @transform_5, window_bounds = array<i64: 2000, 128>}]} {
    %get3A = arith.constant 0 : index
    %get3A_0 = arith.constant 0 : index
    %get3A_1 = vector.load %arg1[%get3A, %get3A_0] : memref<2000x256xf32, #tpu.memory_space<vmem>>, vector<2000x256xf32>
    %get3A_2 = arith.constant 0 : index
    %get3A_3 = arith.constant 0 : index
    %get3A_4 = vector.load %arg2[%get3A_2, %get3A_3] : memref<256x128xf32, #tpu.memory_space<vmem>>, vector<256x128xf32>
    %dot_general3A = arith.constant dense<0.000000e+00> : vector<2000x128xf32>
    %dot_general3A_5 = tpu.matmul %get3A_1, %get3A_4, %dot_general3A {dimension_numbers = #tpu.dot_dimension_numbers<[1], [0], [0], [1], [0, 0, 1, 1], [], []>, transpose_lhs_hint = false} : vector<2000x256xf32>, vector<256x128xf32>, vector<2000x128xf32> -> vector<2000x128xf32>
    %swap3A = arith.constant 0 : index
    %swap3A_6 = arith.constant 0 : index
    %swap3A_7 = vector.load %arg5[%swap3A, %swap3A_6] : memref<2000x128xf32, #tpu.memory_space<vmem>>, vector<2000x128xf32>
    tpu.vector_store %arg5[%swap3A, %swap3A_6], %dot_general3A_5 {strides = array<i32>} : memref<2000x128xf32, #tpu.memory_space<vmem>>, vector<2000x128xf32>,
    %get3A_8 = arith.constant 0 : index
    %get3A_9 = arith.constant 0 : index
    %get3A_10 = vector.load %arg3[%get3A_8, %get3A_9] : memref<256x128xf32, #tpu.memory_space<vmem>>, vector<256x128xf32>
    %dot_general3A_11 = arith.constant dense<0.000000e+00> : vector<2000x128xf32>
    %dot_general3A_12 = tpu.matmul %get3A_1, %get3A_10, %dot_general3A_11 {dimension_numbers = #tpu.dot_dimension_numbers<[1], [0], [0], [1], [0, 0, 1, 1], [], []>, transpose_lhs_hint = false} : vector<2000x256xf32>, vector<256x128xf32>, vector<2000x128xf32> -> vector<2000x128xf32>
    %get3A_13 = arith.constant 0 : index
    %get3A_14 = arith.constant 0 : index
    %get3A_15 = vector.load %arg4[%get3A_13, %get3A_14] : memref<1x128xf32, #tpu.memory_space<vmem>>, vector<1x128xf32>
    %add3A = vector.broadcast %get3A_15 : vector<1x128xf32> to vector<2000x128xf32>
    %add3A_16 = arith.addf %dot_general3A_12, %add3A : vector<2000x128xf32>
    %swap3A_17 = arith.constant 0 : index
    %swap3A_18 = arith.constant 0 : index
    %swap3A_19 = vector.load %arg6[%swap3A_17, %swap3A_18] : memref<2000x128xf32, #tpu.memory_space<vmem>>, vector<2000x128xf32>
    tpu.vector_store %arg6[%swap3A_17, %swap3A_18], %add3A_16 {strides = array<i32>} : memref<2000x128xf32, #tpu.memory_space<vmem>>, vector<2000x128xf32>,
    return
  }
  func.func @transform_0(%arg0: i32) -> (i32, i32) {
    %c0_i32 = arith.constant 0 : i32
    %c0_i32_0 = arith.constant 0 : i32
    return %arg0, %c0_i32 : i32, i32
  }
  func.func @transform_1(%arg0: i32) -> (i32, i32) {
    %c0_i32 = arith.constant 0 : i32
    %c0_i32_0 = arith.constant 0 : i32
    %c0_i32_1 = arith.constant 0 : i32
    return %c0_i32, %c0_i32_0 : i32, i32
  }
  func.func @transform_2(%arg0: i32) -> (i32, i32) {
    %c0_i32 = arith.constant 0 : i32
    %c0_i32_0 = arith.constant 0 : i32
    %c0_i32_1 = arith.constant 0 : i32
    return %c0_i32, %c0_i32_0 : i32, i32
  }
  func.func @transform_3(%arg0: i32) -> (i32, i32) {
    %c0_i32 = arith.constant 0 : i32
    %c0_i32_0 = arith.constant 0 : i32
    %c0_i32_1 = arith.constant 0 : i32
    return %c0_i32, %c0_i32_0 : i32, i32
  }
  func.func @transform_4(%arg0: i32) -> (i32, i32) {
    %c0_i32 = arith.constant 0 : i32
    %c0_i32_0 = arith.constant 0 : i32
    return %arg0, %c0_i32 : i32, i32
  }
  func.func @transform_5(%arg0: i32) -> (i32, i32) {
    %c0_i32 = arith.constant 0 : i32
    %c0_i32_0 = arith.constant 0 : i32
    return %arg0, %c0_i32 : i32, i32
  }
}

module attributes {stable_mosaic.version = 14 : i64} {
  func.func @body(%arg0: i32, %arg1: memref<1x2000x128xf32, #tpu.memory_space<vmem>>, %arg2: memref<1x2000x128xf32, #tpu.memory_space<vmem>>, %arg3: memref<2000x32xf32, #tpu.memory_space<vmem>>, %arg4: memref<2000x128xf32, #tpu.memory_space<vmem>>, %arg5: memref<128x128xf32, #tpu.memory_space<vmem>>, %arg6: memref<1x128xf32, #tpu.memory_space<vmem>>, %arg7: memref<2000x128xf32, #tpu.memory_space<vmem>>, %arg8: memref<2000x128xf32, #tpu.memory_space<vmem>>) attributes {dimension_semantics = [#tpu.dimension_semantics<arbitrary>], iteration_bounds = array<i64: 5>, scalar_prefetch = 0 : i64, scratch_operands = 0 : i64, tpu.core_type = #tpu.core_type<tc>, window_params = [{transform_indices = @transform_0, window_bounds = array<i64: 1, 2000, 128>}, {transform_indices = @transform_1, window_bounds = array<i64: 1, 2000, 128>}, {transform_indices = @transform_2, window_bounds = array<i64: 2000, 32>}, {transform_indices = @transform_3, window_bounds = array<i64: 2000, 128>}, {pipeline_mode = #tpu.pipeline_mode<synchronous>, transform_indices = @transform_4, window_bounds = array<i64: 128, 128>}, {pipeline_mode = #tpu.pipeline_mode<synchronous>, transform_indices = @transform_5, window_bounds = array<i64: 1, 128>}, {transform_indices = @transform_6, window_bounds = array<i64: 2000, 128>}, {transform_indices = @transform_7, window_bounds = array<i64: 2000, 128>}]} {
    %get3A = arith.constant 0 : index
    %get3A_0 = arith.constant 0 : index
    %get3A_1 = arith.constant 0 : index
    %get3A_2 = vector.load %arg1[%get3A, %get3A_0, %get3A_1] : memref<1x2000x128xf32, #tpu.memory_space<vmem>>, vector<1x2000x128xf32>
    %get3A_3 = vector.shape_cast %get3A_2 : vector<1x2000x128xf32> to vector<2000x128xf32>
    %get3A_4 = arith.constant 0 : index
    %get3A_5 = arith.constant 0 : index
    %get3A_6 = arith.constant 0 : index
    %get3A_7 = vector.load %arg2[%get3A_4, %get3A_5, %get3A_6] : memref<1x2000x128xf32, #tpu.memory_space<vmem>>, vector<1x2000x128xf32>
    %get3A_8 = vector.shape_cast %get3A_7 : vector<1x2000x128xf32> to vector<2000x128xf32>
    %add3A = arith.addf %get3A_3, %get3A_8 : vector<2000x128xf32>
    %get3A_9 = arith.constant 0 : index
    %get3A_10 = arith.constant 0 : index
    %get3A_11 = vector.load %arg3[%get3A_9, %get3A_10] : memref<2000x32xf32, #tpu.memory_space<vmem>>, vector<2000x32xf32>
    %reduce_sum3A = arith.constant dense<0.000000e+00> : vector<2000xf32>
    %reduce_sum3A_12 = vector.multi_reduction <add>, %get3A_11, %reduce_sum3A [1] : vector<2000x32xf32> to vector<2000xf32>
    %broadcast_in_dim3A = vector.shape_cast %reduce_sum3A_12 : vector<2000xf32> to vector<2000x1xf32>
    %max3A = arith.constant 1.000000e+00 : f32
    %max3A_13 = vector.broadcast %max3A : f32 to vector<2000x1xf32>
    %max3A_14 = arith.maximumf %broadcast_in_dim3A, %max3A_13 : vector<2000x1xf32>
    %div3A = vector.broadcast %max3A_14 : vector<2000x1xf32> to vector<2000x128xf32>
    %div3A_15 = arith.divf %add3A, %div3A : vector<2000x128xf32>
    %get3A_16 = arith.constant 0 : index
    %get3A_17 = arith.constant 0 : index
    %get3A_18 = vector.load %arg4[%get3A_16, %get3A_17] : memref<2000x128xf32, #tpu.memory_space<vmem>>, vector<2000x128xf32>
    %add3A_19 = arith.addf %div3A_15, %get3A_18 : vector<2000x128xf32>
    %max3A_20 = arith.constant 0.000000e+00 : f32
    %max3A_21 = vector.broadcast %max3A_20 : f32 to vector<2000x128xf32>
    %max3A_22 = arith.maximumf %add3A_19, %max3A_21 : vector<2000x128xf32>
    %swap3A = arith.constant 0 : index
    %swap3A_23 = arith.constant 0 : index
    %swap3A_24 = vector.load %arg7[%swap3A, %swap3A_23] : memref<2000x128xf32, #tpu.memory_space<vmem>>, vector<2000x128xf32>
    tpu.vector_store %arg7[%swap3A, %swap3A_23], %max3A_22 {strides = array<i32>} : memref<2000x128xf32, #tpu.memory_space<vmem>>, vector<2000x128xf32>,
    %get3A_25 = arith.constant 0 : index
    %get3A_26 = arith.constant 0 : index
    %get3A_27 = vector.load %arg5[%get3A_25, %get3A_26] : memref<128x128xf32, #tpu.memory_space<vmem>>, vector<128x128xf32>
    %dot_general3A = arith.constant dense<0.000000e+00> : vector<2000x128xf32>
    %dot_general3A_28 = tpu.matmul %max3A_22, %get3A_27, %dot_general3A {dimension_numbers = #tpu.dot_dimension_numbers<[1], [0], [0], [1], [0, 0, 1, 1], [], []>, transpose_lhs_hint = false} : vector<2000x128xf32>, vector<128x128xf32>, vector<2000x128xf32> -> vector<2000x128xf32>
    %get3A_29 = arith.constant 0 : index
    %get3A_30 = arith.constant 0 : index
    %get3A_31 = vector.load %arg6[%get3A_29, %get3A_30] : memref<1x128xf32, #tpu.memory_space<vmem>>, vector<1x128xf32>
    %add3A_32 = vector.broadcast %get3A_31 : vector<1x128xf32> to vector<2000x128xf32>
    %add3A_33 = arith.addf %dot_general3A_28, %add3A_32 : vector<2000x128xf32>
    %swap3A_34 = arith.constant 0 : index
    %swap3A_35 = arith.constant 0 : index
    %swap3A_36 = vector.load %arg8[%swap3A_34, %swap3A_35] : memref<2000x128xf32, #tpu.memory_space<vmem>>, vector<2000x128xf32>
    tpu.vector_store %arg8[%swap3A_34, %swap3A_35], %add3A_33 {strides = array<i32>} : memref<2000x128xf32, #tpu.memory_space<vmem>>, vector<2000x128xf32>,
    return
  }
  func.func @transform_0(%arg0: i32) -> (i32, i32, i32) {
    %c0_i32 = arith.constant 0 : i32
    %c0_i32_0 = arith.constant 0 : i32
    %c0_i32_1 = arith.constant 0 : i32
    return %c0_i32, %arg0, %c0_i32_0 : i32, i32, i32
  }
  func.func @transform_1(%arg0: i32) -> (i32, i32, i32) {
    %c1_i32 = arith.constant 1 : i32
    %c0_i32 = arith.constant 0 : i32
    %c0_i32_0 = arith.constant 0 : i32
    return %c1_i32, %arg0, %c0_i32 : i32, i32, i32
  }
  func.func @transform_2(%arg0: i32) -> (i32, i32) {
    %c0_i32 = arith.constant 0 : i32
    %c0_i32_0 = arith.constant 0 : i32
    return %arg0, %c0_i32 : i32, i32
  }
  func.func @transform_3(%arg0: i32) -> (i32, i32) {
    %c0_i32 = arith.constant 0 : i32
    %c0_i32_0 = arith.constant 0 : i32
    return %arg0, %c0_i32 : i32, i32
  }
  func.func @transform_4(%arg0: i32) -> (i32, i32) {
    %c0_i32 = arith.constant 0 : i32
    %c0_i32_0 = arith.constant 0 : i32
    %c0_i32_1 = arith.constant 0 : i32
    return %c0_i32, %c0_i32_0 : i32, i32
  }
  func.func @transform_5(%arg0: i32) -> (i32, i32) {
    %c0_i32 = arith.constant 0 : i32
    %c0_i32_0 = arith.constant 0 : i32
    %c0_i32_1 = arith.constant 0 : i32
    return %c0_i32, %c0_i32_0 : i32, i32
  }
  func.func @transform_6(%arg0: i32) -> (i32, i32) {
    %c0_i32 = arith.constant 0 : i32
    %c0_i32_0 = arith.constant 0 : i32
    return %arg0, %c0_i32 : i32, i32
  }
  func.func @transform_7(%arg0: i32) -> (i32, i32) {
    %c0_i32 = arith.constant 0 : i32
    %c0_i32_0 = arith.constant 0 : i32
    return %arg0, %c0_i32 : i32, i32
  }
}

module attributes {stable_mosaic.version = 14 : i64} {
  func.func @body(%arg0: i32, %arg1: memref<1x2000x128xf32, #tpu.memory_space<vmem>>, %arg2: memref<1x2000x128xf32, #tpu.memory_space<vmem>>, %arg3: memref<2000x32xf32, #tpu.memory_space<vmem>>, %arg4: memref<2000x128xf32, #tpu.memory_space<vmem>>, %arg5: memref<128x128xf32, #tpu.memory_space<vmem>>, %arg6: memref<128x64xf32, #tpu.memory_space<vmem>>, %arg7: memref<1x64xf32, #tpu.memory_space<vmem>>, %arg8: memref<64x32xf32, #tpu.memory_space<vmem>>, %arg9: memref<1x32xf32, #tpu.memory_space<vmem>>, %arg10: memref<1x32xf32, #tpu.memory_space<vmem>>, %arg11: memref<1x1xf32, #tpu.memory_space<vmem>>, %arg12: memref<2000x1xf32, #tpu.memory_space<vmem>>) attributes {dimension_semantics = [#tpu.dimension_semantics<arbitrary>], iteration_bounds = array<i64: 5>, scalar_prefetch = 0 : i64, scratch_operands = 0 : i64, tpu.core_type = #tpu.core_type<tc>, window_params = [{transform_indices = @transform_0, window_bounds = array<i64: 1, 2000, 128>}, {transform_indices = @transform_1, window_bounds = array<i64: 1, 2000, 128>}, {transform_indices = @transform_2, window_bounds = array<i64: 2000, 32>}, {transform_indices = @transform_3, window_bounds = array<i64: 2000, 128>}, {pipeline_mode = #tpu.pipeline_mode<synchronous>, transform_indices = @transform_4, window_bounds = array<i64: 128, 128>}, {pipeline_mode = #tpu.pipeline_mode<synchronous>, transform_indices = @transform_5, window_bounds = array<i64: 128, 64>}, {pipeline_mode = #tpu.pipeline_mode<synchronous>, transform_indices = @transform_6, window_bounds = array<i64: 1, 64>}, {pipeline_mode = #tpu.pipeline_mode<synchronous>, transform_indices = @transform_7, window_bounds = array<i64: 64, 32>}, {pipeline_mode = #tpu.pipeline_mode<synchronous>, transform_indices = @transform_8, window_bounds = array<i64: 1, 32>}, {pipeline_mode = #tpu.pipeline_mode<synchronous>, transform_indices = @transform_9, window_bounds = array<i64: 1, 32>}, {pipeline_mode = #tpu.pipeline_mode<synchronous>, transform_indices = @transform_10, window_bounds = array<i64: 1, 1>}, {transform_indices = @transform_11, window_bounds = array<i64: 2000, 1>}]} {
    %get3A = arith.constant 0 : index
    %get3A_0 = arith.constant 0 : index
    %get3A_1 = arith.constant 0 : index
    %get3A_2 = vector.load %arg1[%get3A, %get3A_0, %get3A_1] : memref<1x2000x128xf32, #tpu.memory_space<vmem>>, vector<1x2000x128xf32>
    %get3A_3 = vector.shape_cast %get3A_2 : vector<1x2000x128xf32> to vector<2000x128xf32>
    %get3A_4 = arith.constant 0 : index
    %get3A_5 = arith.constant 0 : index
    %get3A_6 = arith.constant 0 : index
    %get3A_7 = vector.load %arg2[%get3A_4, %get3A_5, %get3A_6] : memref<1x2000x128xf32, #tpu.memory_space<vmem>>, vector<1x2000x128xf32>
    %get3A_8 = vector.shape_cast %get3A_7 : vector<1x2000x128xf32> to vector<2000x128xf32>
    %add3A = arith.addf %get3A_3, %get3A_8 : vector<2000x128xf32>
    %get3A_9 = arith.constant 0 : index
    %get3A_10 = arith.constant 0 : index
    %get3A_11 = vector.load %arg3[%get3A_9, %get3A_10] : memref<2000x32xf32, #tpu.memory_space<vmem>>, vector<2000x32xf32>
    %reduce_sum3A = arith.constant dense<0.000000e+00> : vector<2000xf32>
    %reduce_sum3A_12 = vector.multi_reduction <add>, %get3A_11, %reduce_sum3A [1] : vector<2000x32xf32> to vector<2000xf32>
    %broadcast_in_dim3A = vector.shape_cast %reduce_sum3A_12 : vector<2000xf32> to vector<2000x1xf32>
    %max3A = arith.constant 1.000000e+00 : f32
    %max3A_13 = vector.broadcast %max3A : f32 to vector<2000x1xf32>
    %max3A_14 = arith.maximumf %broadcast_in_dim3A, %max3A_13 : vector<2000x1xf32>
    %div3A = vector.broadcast %max3A_14 : vector<2000x1xf32> to vector<2000x128xf32>
    %div3A_15 = arith.divf %add3A, %div3A : vector<2000x128xf32>
    %get3A_16 = arith.constant 0 : index
    %get3A_17 = arith.constant 0 : index
    %get3A_18 = vector.load %arg5[%get3A_16, %get3A_17] : memref<128x128xf32, #tpu.memory_space<vmem>>, vector<128x128xf32>
    %dot_general3A = arith.constant dense<0.000000e+00> : vector<2000x128xf32>
    %dot_general3A_19 = tpu.matmul %div3A_15, %get3A_18, %dot_general3A {dimension_numbers = #tpu.dot_dimension_numbers<[1], [0], [0], [1], [0, 0, 1, 1], [], []>, transpose_lhs_hint = false} : vector<2000x128xf32>, vector<128x128xf32>, vector<2000x128xf32> -> vector<2000x128xf32>
    %get3A_20 = arith.constant 0 : index
    %get3A_21 = arith.constant 0 : index
    %get3A_22 = vector.load %arg4[%get3A_20, %get3A_21] : memref<2000x128xf32, #tpu.memory_space<vmem>>, vector<2000x128xf32>
    %add3A_23 = arith.addf %dot_general3A_19, %get3A_22 : vector<2000x128xf32>
    %get3A_24 = arith.constant 0 : index
    %get3A_25 = arith.constant 0 : index
    %get3A_26 = vector.load %arg6[%get3A_24, %get3A_25] : memref<128x64xf32, #tpu.memory_space<vmem>>, vector<128x64xf32>
    %dot_general3A_27 = arith.constant dense<0.000000e+00> : vector<2000x64xf32>
    %dot_general3A_28 = tpu.matmul %add3A_23, %get3A_26, %dot_general3A_27 {dimension_numbers = #tpu.dot_dimension_numbers<[1], [0], [0], [1], [0, 0, 1, 1], [], []>, transpose_lhs_hint = false} : vector<2000x128xf32>, vector<128x64xf32>, vector<2000x64xf32> -> vector<2000x64xf32>
    %get3A_29 = arith.constant 0 : index
    %get3A_30 = arith.constant 0 : index
    %get3A_31 = vector.load %arg7[%get3A_29, %get3A_30] : memref<1x64xf32, #tpu.memory_space<vmem>>, vector<1x64xf32>
    %add3A_32 = vector.broadcast %get3A_31 : vector<1x64xf32> to vector<2000x64xf32>
    %add3A_33 = arith.addf %dot_general3A_28, %add3A_32 : vector<2000x64xf32>
    %max3A_34 = arith.constant 0.000000e+00 : f32
    %max3A_35 = vector.broadcast %max3A_34 : f32 to vector<2000x64xf32>
    %max3A_36 = arith.maximumf %add3A_33, %max3A_35 : vector<2000x64xf32>
    %get3A_37 = arith.constant 0 : index
    %get3A_38 = arith.constant 0 : index
    %get3A_39 = vector.load %arg8[%get3A_37, %get3A_38] : memref<64x32xf32, #tpu.memory_space<vmem>>, vector<64x32xf32>
    %dot_general3A_40 = arith.constant dense<0.000000e+00> : vector<2000x32xf32>
    %dot_general3A_41 = tpu.matmul %max3A_36, %get3A_39, %dot_general3A_40 {dimension_numbers = #tpu.dot_dimension_numbers<[1], [0], [0], [1], [0, 0, 1, 1], [], []>, transpose_lhs_hint = false} : vector<2000x64xf32>, vector<64x32xf32>, vector<2000x32xf32> -> vector<2000x32xf32>
    %get3A_42 = arith.constant 0 : index
    %get3A_43 = arith.constant 0 : index
    %get3A_44 = vector.load %arg9[%get3A_42, %get3A_43] : memref<1x32xf32, #tpu.memory_space<vmem>>, vector<1x32xf32>
    %add3A_45 = vector.broadcast %get3A_44 : vector<1x32xf32> to vector<2000x32xf32>
    %add3A_46 = arith.addf %dot_general3A_41, %add3A_45 : vector<2000x32xf32>
    %max3A_47 = arith.constant 0.000000e+00 : f32
    %max3A_48 = vector.broadcast %max3A_47 : f32 to vector<2000x32xf32>
    %max3A_49 = arith.maximumf %add3A_46, %max3A_48 : vector<2000x32xf32>
    %get3A_50 = arith.constant 0 : index
    %get3A_51 = arith.constant 0 : index
    %get3A_52 = vector.load %arg10[%get3A_50, %get3A_51] : memref<1x32xf32, #tpu.memory_space<vmem>>, vector<1x32xf32>
    %mul3A = vector.broadcast %get3A_52 : vector<1x32xf32> to vector<2000x32xf32>
    %mul3A_53 = arith.mulf %max3A_49, %mul3A : vector<2000x32xf32>
    %reduce_sum3A_54 = arith.constant dense<0.000000e+00> : vector<2000xf32>
    %reduce_sum3A_55 = vector.multi_reduction <add>, %mul3A_53, %reduce_sum3A_54 [1] : vector<2000x32xf32> to vector<2000xf32>
    %broadcast_in_dim3A_56 = vector.shape_cast %reduce_sum3A_55 : vector<2000xf32> to vector<2000x1xf32>
    %get3A_57 = arith.constant 0 : index
    %get3A_58 = arith.constant 0 : index
    %get3A_59 = vector.load %arg11[%get3A_57, %get3A_58] : memref<1x1xf32, #tpu.memory_space<vmem>>, vector<1x1xf32>
    %add3A_60 = vector.broadcast %get3A_59 : vector<1x1xf32> to vector<2000x1xf32>
    %add3A_61 = arith.addf %broadcast_in_dim3A_56, %add3A_60 : vector<2000x1xf32>
    %swap3A = arith.constant 0 : index
    %swap3A_62 = arith.constant 0 : index
    %swap3A_63 = vector.load %arg12[%swap3A, %swap3A_62] : memref<2000x1xf32, #tpu.memory_space<vmem>>, vector<2000x1xf32>
    tpu.vector_store %arg12[%swap3A, %swap3A_62], %add3A_61 {strides = array<i32>} : memref<2000x1xf32, #tpu.memory_space<vmem>>, vector<2000x1xf32>,
    return
  }
  func.func @transform_0(%arg0: i32) -> (i32, i32, i32) {
    %c0_i32 = arith.constant 0 : i32
    %c0_i32_0 = arith.constant 0 : i32
    %c0_i32_1 = arith.constant 0 : i32
    return %c0_i32, %arg0, %c0_i32_0 : i32, i32, i32
  }
  func.func @transform_1(%arg0: i32) -> (i32, i32, i32) {
    %c1_i32 = arith.constant 1 : i32
    %c0_i32 = arith.constant 0 : i32
    %c0_i32_0 = arith.constant 0 : i32
    return %c1_i32, %arg0, %c0_i32 : i32, i32, i32
  }
  func.func @transform_2(%arg0: i32) -> (i32, i32) {
    %c0_i32 = arith.constant 0 : i32
    %c0_i32_0 = arith.constant 0 : i32
    return %arg0, %c0_i32 : i32, i32
  }
  func.func @transform_3(%arg0: i32) -> (i32, i32) {
    %c0_i32 = arith.constant 0 : i32
    %c0_i32_0 = arith.constant 0 : i32
    return %arg0, %c0_i32 : i32, i32
  }
  func.func @transform_4(%arg0: i32) -> (i32, i32) {
    %c0_i32 = arith.constant 0 : i32
    %c0_i32_0 = arith.constant 0 : i32
    %c0_i32_1 = arith.constant 0 : i32
    return %c0_i32, %c0_i32_0 : i32, i32
  }
  func.func @transform_5(%arg0: i32) -> (i32, i32) {
    %c0_i32 = arith.constant 0 : i32
    %c0_i32_0 = arith.constant 0 : i32
    %c0_i32_1 = arith.constant 0 : i32
    return %c0_i32, %c0_i32_0 : i32, i32
  }
  func.func @transform_6(%arg0: i32) -> (i32, i32) {
    %c0_i32 = arith.constant 0 : i32
    %c0_i32_0 = arith.constant 0 : i32
    %c0_i32_1 = arith.constant 0 : i32
    return %c0_i32, %c0_i32_0 : i32, i32
  }
  func.func @transform_7(%arg0: i32) -> (i32, i32) {
    %c0_i32 = arith.constant 0 : i32
    %c0_i32_0 = arith.constant 0 : i32
    %c0_i32_1 = arith.constant 0 : i32
    return %c0_i32, %c0_i32_0 : i32, i32
  }
  func.func @transform_8(%arg0: i32) -> (i32, i32) {
    %c0_i32 = arith.constant 0 : i32
    %c0_i32_0 = arith.constant 0 : i32
    %c0_i32_1 = arith.constant 0 : i32
    return %c0_i32, %c0_i32_0 : i32, i32
  }
  func.func @transform_9(%arg0: i32) -> (i32, i32) {
    %c0_i32 = arith.constant 0 : i32
    %c0_i32_0 = arith.constant 0 : i32
    %c0_i32_1 = arith.constant 0 : i32
    return %c0_i32, %c0_i32_0 : i32, i32
  }
  func.func @transform_10(%arg0: i32) -> (i32, i32) {
    %c0_i32 = arith.constant 0 : i32
    %c0_i32_0 = arith.constant 0 : i32
    %c0_i32_1 = arith.constant 0 : i32
    return %c0_i32, %c0_i32_0 : i32, i32
  }
  func.func @transform_11(%arg0: i32) -> (i32, i32) {
    %c0_i32 = arith.constant 0 : i32
    %c0_i32_0 = arith.constant 0 : i32
    return %arg0, %c0_i32 : i32, i32
  }
}

</mosaic_0001>

<sc_bundles>
// kernel: kernel.10.cloned.1.call-start
scs
__scs_entry_jumppad:
0x0: {  	(pc) =	sbr.rel $0x88, $3  }
0x1: {  	(tag) =	ssettag $0x0;
	lr =	simm.s32 $0x1  }
0x2: {  	[smem:$0x3F93] =	sst lr;
	_ =	strace $0xD0000000  }
0x3: {  	_ = 	snop  }
0x4: {  	_ = 	snop  }
0x5: {  	_ = 	snop  }
0x6: {  	_ = 	snop  }
0x7: {  	_ = 	snop  }
__scs_overlays_trampoline_lowered:
0x8: {  	[smem:$0x3FA2] =	sst s0  }
0x9: {  	[smem:$0x3FA3] =	sst s1  }
0xa: {  	[smem:$0x3FA4] =	sst s2  }
0xb: {  	[smem:$0x3FA5] =	sst s3  }
0xc: {  	[smem:$0x3FA6] =	sst s4  }
0xd: {  	[smem:$0x3FA7] =	sst s5  }
0xe: {  	[smem:$0x3FA8] =	sst s6  }
0xf: {  	[smem:$0x3FA9] =	sst s7  }
0x10: {  	[smem:$0x3FAA] =	sst s8  }
0x11: {  	[smem:$0x3FAB] =	sst s9;
	s0 =	simm.s32 @!p0 $0x0  }
0x12: {  	s1 =	sld [smem:$0x3F91];
	s0 =	simm.s32 @p0 $0x1  }
0x13: {  	[smem:$0x3FAC] =	sst s0;
	s0 =	simm.s32 @!p1 $0x0  }
0x14: {  	s2 =	sld [smem:$0x3F90];
	s0 =	simm.s32 @p1 $0x1  }
0x15: {  	[smem:$0x3FAD] =	sst s0;
	s0 =	simm.s32 @!p2 $0x0  }
0x16: {  	s3 =	sld [smem:$0x3FDB];
	s0 =	simm.s32 @p2 $0x1  }
0x17: {  	s4 =	simm.s32 $0x1BF5;
	[smem:$0x3FAF] =	sst s0  }
0x18: {  	s0 =	sld [smem:$0x3F92];
	_ =	swait.ge [sflag:s4], $0x0  }
0x19: {  	s7 =	sld [smem:$0x3F93]  }
0x1a: {  	s8 =	sadd.s32 $0xFFFFE003, lr  }
0x1b: {  	s9 =	sadd.s32 $0xFFFFFEF7, lr;
	s5 =	simm.s32 $0xFFFFFFFF;
	p2 =	slt.u32 s8, $0xFFFFF086  }
0x1c: {  	p1 =	slt.u32 s9, $0xF7A;
	s5 =	simm.s32 @!p2 $0x0  }
0x1d: {  	s5 =	simm.s32 @p1 $0x1;
	p0 =	seq.s32 s7, s2  }
0x1e: {  	s7 =	smul.u32 @!p0 $0xF7A, s2;
	p2 =	seq.s32 @!p0 s5, $0x0  }
0x1f: {  	s9 =	smul.u32 $0xF7A, s1;
	s8 =	simm.s32 @!p0 $0x1BF5;
	p2 =	por !p2, p0  }
0x20: {  	[sflag:s8] =	ssyncset.s32 @!p0 $0xFFFFF086;
	s6 =	sadd.s32 @!p0 s3, s7;
	s7 =	simm.s32 @!p0 $0x108  }
0x21: {  	s3 =	sadd.s32 s3, s9;
	s6 =	sadd.s32 @!p0 $0x88, s6;
	s7 =	simm.s32 @p2 $0x1082  }
0x22: {  	[simem:s7], [sflag:s8] =	dma.local @!p0 [hbm:s6], $0xF7A  }
0x23: {  	s9 =	sor.u32 $0xD0000000, s2;
	s6 =	simm.s32 $0x108;
	_ =	swait.ge @!p0 [sflag:s8], $0x0  }
0x24: {  	s3 =	sadd.s32 $0x88, s3;
	s6 =	simm.s32 @!p1 $0x1082;
	[sflag:s4] =	ssyncset.s32 $0xFFFFF086  }
0x25: {  	[simem:s6], [sflag:s4] =	dma.local [hbm:s3], $0xF7A  }
0x26: {  	[smem:$0x3F93] =	sst s1;
	(tag) =	ssettag s2;
	_ =	strace s9  }
0x27: {  	s1 =	sld [smem:$0x3FA3]  }
0x28: {  	s2 =	sld [smem:$0x3FA4]  }
0x29: {  	s4 =	sld [smem:$0x3FA6]  }
0x2a: {  	p0 =	seq.s32 s5, $0x0;
	s5 =	sld [smem:$0x3FA7]  }
0x2b: {  	s6 =	sld [smem:$0x3FA8]  }
0x2c: {  	s7 =	sld [smem:$0x3FA9]  }
0x2d: {  	s3 =	simm.s32 $0x108;
	s8 =	sld [smem:$0x3FAA]  }
0x2e: {  	s3 =	simm.s32 @!p0 $0x1082;
	s9 =	sld [smem:$0x3FAB]  }
0x2f: {  	lr =	sadd.s32 s0, s3;
	s0 =	sld [smem:$0x3FA2]  }
0x30: {  	s3 =	sld [smem:$0x3FA5]  }
0x31: {  	[smem:$0x3FAE] =	sst s10  }
0x32: {  	s10 =	sld [smem:$0x3FAC];
	_ =	sdelay $0x3  }
0x33: {  	p0 =	seq.s32 s10, $0x1;
	s10 =	sld [smem:$0x3FAE];
	_ =	sdelay $0x3  }
0x34: {  	[smem:$0x3FAE] =	sst s10  }
0x35: {  	s10 =	sld [smem:$0x3FAD];
	_ =	sdelay $0x3  }
0x36: {  	p1 =	seq.s32 s10, $0x1;
	s10 =	sld [smem:$0x3FAE];
	_ =	sdelay $0x3  }
0x37: {  	[smem:$0x3FAE] =	sst s10  }
0x38: {  	s10 =	sld [smem:$0x3FAF]  }
0x39: {  	_ = 	snop;
	(pc) =	sbr.ind lr, $3  }
0x3a: {  	_ = 	snop  }
0x3b: {  	_ = 	snop  }
0x3c: {  	p2 =	seq.s32 s10, $0x1;
	s10 =	sld [smem:$0x3FAE]  }
0x3d: {  	_ =	shalt  }
0x3e: {  	_ =	shalt  }
0x3f: {  	_ =	shalt  }
0x40: {  	_ =	shalt  }
0x41: {  	_ =	shalt  }
0x42: {  	_ =	shalt  }
0x43: {  	_ =	shalt  }
0x44: {  	_ =	shalt  }
0x45: {  	_ =	shalt  }
0x46: {  	_ =	shalt  }
0x47: {  	_ =	shalt  }
0x48: {  	_ =	shalt  }
0x49: {  	_ =	shalt  }
0x4a: {  	_ =	shalt  }
0x4b: {  	_ =	shalt  }
0x4c: {  	_ =	shalt  }
0x4d: {  	_ =	shalt  }
0x4e: {  	_ =	shalt  }
0x4f: {  	_ =	shalt  }
0x50: {  	_ =	shalt  }
0x51: {  	_ =	shalt  }
0x52: {  	_ =	shalt  }
0x53: {  	_ =	shalt  }
0x54: {  	_ =	shalt  }
0x55: {  	_ =	shalt  }
0x56: {  	_ =	shalt  }
0x57: {  	_ =	shalt  }
0x58: {  	_ =	shalt  }
0x59: {  	_ =	shalt  }
0x5a: {  	_ =	shalt  }
0x5b: {  	_ =	shalt  }
0x5c: {  	_ =	shalt  }
0x5d: {  	_ =	shalt  }
0x5e: {  	_ =	shalt  }
0x5f: {  	_ =	shalt  }
0x60: {  	_ =	shalt  }
0x61: {  	_ =	shalt  }
0x62: {  	_ =	shalt  }
0x63: {  	_ =	shalt  }
0x64: {  	_ =	shalt  }
0x65: {  	_ =	shalt  }
0x66: {  	_ =	shalt  }
0x67: {  	_ =	shalt  }
0x68: {  	_ =	shalt  }
0x69: {  	_ =	shalt  }
0x6a: {  	_ =	shalt  }
0x6b: {  	_ =	shalt  }
0x6c: {  	_ =	shalt  }
0x6d: {  	_ =	shalt  }
0x6e: {  	_ =	shalt  }
0x6f: {  	_ =	shalt  }
0x70: {  	_ =	shalt  }
0x71: {  	_ =	shalt  }
0x72: {  	_ =	shalt  }
0x73: {  	_ =	shalt  }
0x74: {  	_ =	shalt  }
0x75: {  	_ =	shalt  }
0x76: {  	_ =	shalt  }
0x77: {  	_ =	shalt  }
0x78: {  	_ =	shalt  }
0x79: {  	_ =	shalt  }
0x7a: {  	_ =	shalt  }
0x7b: {  	_ =	shalt  }
0x7c: {  	_ =	shalt  }
0x7d: {  	_ =	shalt  }
0x7e: {  	_ =	shalt  }
0x7f: {  	_ =	shalt  }
0x80: {  	_ =	shalt  }
0x81: {  	_ =	shalt  }
0x82: {  	_ =	shalt  }
0x83: {  	_ =	shalt  }
0x84: {  	_ =	shalt  }
0x85: {  	_ =	shalt  }
0x86: {  	_ =	shalt  }
0x87: {  	_ =	shalt  }
.Lfunc_end0:
.L_simem_size_0:
called_computation.1_lowered:
.L_overlay_start_0:
0x88: {  	s2 =	sld [smem:$0x3FD9]  }
0x89: {  	s3 =	sld [smem:$0x3FFE];
	_ =	sdelay $0x1  }
0x8a: {  	s1 =	srdreg.scid  }
0x8b: {  	s0 =	sand.u32 $0x1, s1  }
0x8c: {  	s16 =	sshll.u32 s0, $0xA;
	s2 =	sadd.s32 s3, s2  }
0x8d: {  	s2 =	sadd.s32 s2, s16  }
0x8e: {  	[smem:$0x3FBA] =	sst s2  }
0x8f: {  	_ = 	snop  }
0x90: {  	(tm) =	ssettm $0x1  }
0x91: {  	s17 =	sld [smem:$0x3FFB];
	_ =	sdelay $0x3  }
0x92: {  	_ =	strace s17  }
0x93: {  	s2 =	sld [smem:$0x3FFC];
	_ =	sdelay $0x3  }
0x94: {  	_ =	strace s2  }
0x95: {  	s2 =	sld [smem:$0x3FFD];
	_ =	sdelay $0x3  }
0x96: {  	_ =	strace s2  }
0x97: {  	_ =	strace $0x8FFFFFFF  }
0x98: {  	s18 =	sld [smem:$0x3FDB];
	_ =	sdelay $0x1  }
0x99: {  	s19 =	simm.s32 $_scs_section_size  }
0x9a: {  	s4 =	simm.s32 $_size__tile_overlayer_lowered;
	s5 =	simm.s32 $_tile_overlayer_lowered  }
0x9b: {  	s22 =	simm.s32 $0x1BFF;
	s21 =	sshll.u32 s5, $0x1;
	s2 =	sadd.s32 s19, s18  }
0x9c: {  	s6 =	simm.s32 $0x0;
	s20 =	sshll.u32 s4, $0x1;
	s4 =	sadd.s32 s21, s2  }
0x9d: {  	[timem:s6], [sflag:s22] =	dma.local [hbm:s4], s20  }
0x9e: {  	_ =	swait.ge [sflag:s22], s20  }
0x9f: {  	s3 =	ssub.s32 $0x0, s20;
	[sflag:s22] =	ssyncset.done $0x0  }
0xa0: {  	[sflag:s22] =	ssyncadd.s32 s3;
	_ =	sdelay $0x1  }
0xa1: {  	s23 =	simm.s32 $0x1B8B  }
0xa2: {  	_ =	swait.ge [sflag:s23], $0x1  }
0xa3: {  	[sflag:s23] =	ssyncset.done $0x0  }
0xa4: {  	s25 =	simm.s32 $0x1B8E;
	s24 =	sld [smem:$0x3FFE];
	[sflag:s23] =	ssyncadd.s32 $0xFFFFFFFF  }
0xa5: {  	s26 =	simm.s32 $execute0_lowered;
	[smem:$0x3FD2] =	sst s25  }
0xa6: {  	s4 =	sshll.u32 s26, $0x1;
	_ =	strace $0x80000049;
	[dreg:$0x1] =	wrdreg $0xFFFFFFFF  }
0xa7: {  	s28 =	simm.s32 $_size_execute0_lowered;
	s2 =	sadd.s32 s2, s4;
	[dreg:$0x0] =	wrdreg $0x0  }
0xa8: {  	s4 =	sshll.u32 s28, $0x1;
	[dreg:$0x2] =	wrdreg s2  }
0xa9: {  	[dreg:$0x3] =	wrdreg s4  }
0xaa: {  	[dreg:$0x4] =	wrdreg $0xC0  }
0xab: {  	_ =	task [dreg:s6], $0x5FFFF  }
0xac: {  	[dreg:$0x1] =	wrdreg $0xFFFFFFFF  }
0xad: {  	[dreg:$0x0] =	wrdreg $0x60  }
0xae: {  	[dreg:$0x2] =	wrdreg s24  }
0xaf: {  	[dreg:$0x3] =	wrdreg $0xA8000  }
0xb0: {  	[dreg:$0x4] =	wrdreg $0x9  }
0xb1: {  	_ =	task.clear_ibuf [dreg:s6], $0x5FFFF;
	_ =	strace $0x90000049  }
0xb2: {  	s29 =	simm.s32 $0x9;
	_ =	strace $0x8000004B  }
0xb3: {  	_ =	swait.ge [sflag:s29], $0x1  }
0xb4: {  	[sflag:s29] =	ssyncadd.s32 $0xFFFFFFFF  }
0xb5: {  	_ =	strace $0x9000004B  }
0xb6: {  	_ =	sfence  }
0xb7: {  	s30 =	sld [smem:$0x0];
	_ =	sdelay $0x2  }
0xb8: {  	s31 =	sshll.u32 s1, $0xD;
	s1 =	sshrl.u32 s1, $0x2  }
0xb9: {  	s3 =	sand.u32 $0x4000, s31;
	s1 =	sadd.s32 s1, s30  }
0xba: {  	s0 =	sor.u32 s3, s0;
	s1 =	sshll.u32 s1, $0x11  }
0xbb: {  	s0 =	sor.u32 s1, s0  }
0xbc: {  	s0 =	sadd.s32 $0x8F2B, s0  }
0xbd: {  	[sflag:s0] =	ssyncadd.remote.s32 $0x1  }
0xbe: {  	_ =	sfence.sel $0xFFFF  }
0xbf: {  	[dreg:$0x0] =	wrdreg $0xFFFFFFFF;
	(pc) =	sbr.abs _section_cstart, $3  }
0xc0: {  	[dreg:$0x1] =	wrdreg $0xFFFFFFFF  }
0xc1: {  	_ =	task.clear_ibuf [dreg:s6], $0x2FFFF;
	_ =	strace $0x9FFFFFFF  }
0xc2: {  	(tm) =	ssettm $0x7FFFFFFF  }
0xc3: {  	_ =	shalt  }
tec
execute0_lowered:
.L_overlay_start_1:
0x0: {  	(tag) =	ssettag $0x1  }
0x1: {  	s5 =	rddreg [dreg:$0x0]  }
0x2: {  	s0 =	stileid.u32;
	s1 =	srdreg.scid  }
0x3: {  	s2 =	rddreg [dreg:$0x1];
	s3 =	simm.s32 $0x0;
	s14 =	simm.s32 $0x80  }
0x4: {  	s15 =	simm.s32 $0x2800;
	s16 =	simm.s32 $0x6800;
	s17 =	simm.s32 $0x1  }
0x5: {  	s18 =	simm.s32 $0x2;
	s19 =	simm.s32 $0x2600;
	s20 =	simm.s32 $0x1300  }
0x6: {  	s21 =	simm.s32 $0x2680;
	s22 =	simm.s32 $0x1380;
	s23 =	simm.s32 $0x2700  }
0x7: {  	s24 =	simm.s32 $0x2780;
	s25 =	simm.s32 $0x0;
	s4 =	smul.u32 $0x1400, s0  }
0x8: {  	s6 =	sand.u32 $0x1, s1;
	s1 =	rddreg [dreg:$0x2];
	s8 =	smul.u32 $0x14000, s0  }
0x9: {  	[smem:$0x7FF] =	sst s3;
	s28 =	smul.u32 $0x50000, s0;
	s31 =	sshll.u32 s0, $0x6  }
0xa: {  	p0 =	seq.s32 s6, $0x0;
	s9 =	smul.u32 $0x140000, s6;
	_ =	strace $0x8000004A  }
0xb: {  	s6 =	ssub.s32 $0x2, s6;
	s7 =	sadd.s32 $0x14000, s4;
	s26 =	sshrl.u32 s8, $0x3  }
0xc: {  	s29 =	sshrl.u32 s6, $0x1;
	s30 =	sshrl.u32 s28, $0x2;
	s7 =	smov.u32 @p0 s4  }
0xd: {  	s4 =	sadd.s32 $0xBC00, s5;
	s8 =	sadd.s32 s8, s9;
	s12 =	ssub.s32 s6, s29  }
0xe: {  	s13 =	sadd.s32 s30, s2;
	s6 =	sor.u32 $0x1C03, s31;
	s7 =	sshrl.u32 s7, $0x3  }
0xf: {  	s8 =	sshrl.u32 s8, $0x3;
	s10 =	sadd.s32 s7, s5;
	s7 =	sadd.s32 s26, s5  }
0x10: {  	s11 =	sadd.s32 s8, s5;
	s5 =	sadd.s32 $0x32E00, s7;
	s7 =	sadd.s32 $0x6C00, s10  }
0x11: {  	s8 =	sadd.s32 $0x1C00, s10;
	s9 =	sadd.s32 $0x5AE00, s11;
	s10 =	smax.u32 s12, $0x1  }
0x12: {  	s11 =	sshrl.u32 s13, $0x3;
	s12 =	simm.s32 $0x3;
	s13 =	simm.s32 $0x1400  }
.LBB2_1:
0x13: {  	[spmem:s11], [sflag:s6] =	dma.local [hbm:s5], $0x2800  }
0x14: {  	_ =	swait.ge [sflag:s12], $0x2800  }
0x15: {  	[sflag:s12] =	ssyncset.done $0x0  }
0x16: {  	[sflag:s12] =	ssyncadd.s32 $0xFFFFD800  }
0x17: {  	[bflag:$0x0] =	sbarrier.arrive $0xFFFF  }
0x18: {  	[tilespmem:s3], [sflag:$0x3] =	stream.linear.gather [hbm4b:s7+s3], $0x1400, $0x38;
	[tilespmem:$0x1E800] =	vst v63  }
0x19: {  	_ =	swait.ge [sflag:s12], $0x1400  }
0x1a: {  	[sflag:s12] =	ssyncset.done $0x0  }
0x1b: {  	[sflag:s12] =	ssyncadd.s32 $0xFFFFEC00  }
0x1c: {  	[tilespmem:s13], [sflag:$0x3] =	stream.linear.gather [hbm4b:s8+s3], $0x1400, $0x38;
	[tilespmem:$0x1E800] =	vst v63  }
0x1d: {  	_ =	swait.ge [sflag:s12], $0x1400  }
0x1e: {  	[sflag:s12] =	ssyncset.done $0x0  }
0x1f: {  	[sflag:s12] =	ssyncadd.s32 $0xFFFFEC00  }
0x20: {  	[tilespmem:s15], [sflag:$0x1] =	stream.indirect.gather [hbm4b:s4+s14], $0x80, s3, s14, $0xb8;
	[tilespmem:$0x1E800] =	vst v63  }
0x21: {  	_ = 	snop  }
0x22: {  	[tilespmem:s16], [sflag:$0x2] =	stream.indirect.gather [hbm4b:s4+s14], $0x80, s14, s14, $0xb8;
	[tilespmem:$0x1E800] =	vst v63  }
0x23: {  	_ =	swait.ge [sflag:s17], $0x4000  }
0x24: {  	[sflag:s17] =	ssyncset.done $0x0  }
0x25: {  	s26 =	simm.s32 $0x1400;
	[sflag:s17] =	ssyncadd.s32 $0xFFFFC000  }
0x26: {  	[spmem:s2] =	stream.indirect.scatter.add.f32 [tilespmem:s15], [sflag:$0x3], $0x80, s26, s14, $0xb8;
	[tilespmem:$0x1E800] =	vst v63  }
0x27: {  	_ =	swait.ge [sflag:s12], $0x4000  }
0x28: {  	[sflag:s12] =	ssyncset.done $0x0  }
0x29: {  	s30 =	simm.s32 $0x100;
	[sflag:s12] =	ssyncadd.s32 $0xFFFFC000  }
0x2a: {  	[tilespmem:s15], [sflag:$0x1] =	stream.indirect.gather [hbm4b:s4+s14], $0x80, s30, s14, $0xb8;
	[tilespmem:$0x1E800] =	vst v63  }
0x2b: {  	_ =	swait.ge [sflag:s18], $0x4000  }
0x2c: {  	[sflag:s18] =	ssyncset.done $0x0  }
0x2d: {  	s31 =	simm.s32 $0x1480;
	[sflag:s18] =	ssyncadd.s32 $0xFFFFC000  }
0x2e: {  	[spmem:s2] =	stream.indirect.scatter.add.f32 [tilespmem:s16], [sflag:$0x3], $0x80, s31, s14, $0xb8;
	[tilespmem:$0x1E800] =	vst v63  }
0x2f: {  	_ =	swait.ge [sflag:s12], $0x4000  }
0x30: {  	[sflag:s12] =	ssyncset.done $0x0  }
0x31: {  	s28 =	simm.s32 $0x180;
	s26 =	simm.s32 $0x400;
	[sflag:s12] =	ssyncadd.s32 $0xFFFFC000  }
.LBB2_2:
0x32: {  	[tilespmem:s16], [sflag:$0x2] =	stream.indirect.gather [hbm4b:s4+s14], $0x80, s28, s14, $0xb8;
	[tilespmem:$0x1E800] =	vst v63  }
0x33: {  	s28 =	smov.u32 s26  }
0x34: {  	p0 =	sne.s32 s26, $0x4400;
	s26 =	sadd.s32 $0x400, s26;
	_ =	swait.ge [sflag:s17], $0x4000  }
0x35: {  	s28 =	sshra.s32 s28, $0x2;
	[sflag:s17] =	ssyncset.done $0x0  }
0x36: {  	s29 =	sadd.s32 $0x1400, s28;
	[sflag:s17] =	ssyncadd.s32 $0xFFFFC000  }
0x37: {  	[spmem:s2] =	stream.indirect.scatter.add.f32 [tilespmem:s15], [sflag:$0x3], $0x80, s29, s14, $0xb8;
	[tilespmem:$0x1E800] =	vst v63  }
0x38: {  	_ =	swait.ge [sflag:s12], $0x4000  }
0x39: {  	[sflag:s12] =	ssyncset.done $0x0  }
0x3a: {  	s29 =	sadd.s32 $0x100, s28;
	[sflag:s12] =	ssyncadd.s32 $0xFFFFC000  }
0x3b: {  	[tilespmem:s15], [sflag:$0x1] =	stream.indirect.gather [hbm4b:s4+s14], $0x80, s29, s14, $0xb8;
	[tilespmem:$0x1E800] =	vst v63  }
0x3c: {  	_ =	swait.ge [sflag:s18], $0x4000  }
0x3d: {  	[sflag:s18] =	ssyncset.done $0x0  }
.Ltmp0:
0x3e: {  	s29 =	sadd.s32 $0x1480, s28;
	[sflag:s18] =	ssyncadd.s32 $0xFFFFC000;
	(pc) =	sbr.rel @p0 .LBB2_2-.Ltmp0, $4  }
0x3f: {  	[spmem:s2] =	stream.indirect.scatter.add.f32 [tilespmem:s16], [sflag:$0x3], $0x80, s29, s14, $0xb8;
	[tilespmem:$0x1E800] =	vst v63  }
0x40: {  	_ =	swait.ge [sflag:s12], $0x4000  }
0x41: {  	[sflag:s12] =	ssyncset.done $0x0  }
0x42: {  	s28 =	sadd.s32 $0x180, s28;
	[sflag:s12] =	ssyncadd.s32 $0xFFFFC000  }
0x43: {  	[tilespmem:s16], [sflag:$0x2] =	stream.indirect.gather [hbm4b:s4+s14], $0x80, s28, s14, $0xb8;
	[tilespmem:$0x1E800] =	vst v63  }
0x44: {  	_ =	swait.ge [sflag:s17], $0x4000  }
0x45: {  	[sflag:s17] =	ssyncset.done $0x0  }
0x46: {  	[sflag:s17] =	ssyncadd.s32 $0xFFFFC000  }
0x47: {  	[spmem:s2] =	stream.indirect.scatter.add.f32 [tilespmem:s15], [sflag:$0x3], $0x80, s19, s14, $0xb8;
	[tilespmem:$0x1E800] =	vst v63  }
0x48: {  	_ =	swait.ge [sflag:s12], $0x4000  }
0x49: {  	[sflag:s12] =	ssyncset.done $0x0  }
0x4a: {  	[sflag:s12] =	ssyncadd.s32 $0xFFFFC000  }
0x4b: {  	[tilespmem:s15], [sflag:$0x1] =	stream.indirect.gather [hbm4b:s4+s14], $0x80, s20, s14, $0xb8;
	[tilespmem:$0x1E800] =	vst v63  }
0x4c: {  	_ =	swait.ge [sflag:s18], $0x4000  }
0x4d: {  	[sflag:s18] =	ssyncset.done $0x0  }
0x4e: {  	[sflag:s18] =	ssyncadd.s32 $0xFFFFC000  }
0x4f: {  	[spmem:s2] =	stream.indirect.scatter.add.f32 [tilespmem:s16], [sflag:$0x3], $0x80, s21, s14, $0xb8;
	[tilespmem:$0x1E800] =	vst v63  }
0x50: {  	_ =	swait.ge [sflag:s12], $0x4000  }
0x51: {  	[sflag:s12] =	ssyncset.done $0x0  }
0x52: {  	[sflag:s12] =	ssyncadd.s32 $0xFFFFC000  }
0x53: {  	[tilespmem:s16], [sflag:$0x2] =	stream.indirect.gather [hbm4b:s4+s14], $0x80, s22, s14, $0xb8;
	[tilespmem:$0x1E800] =	vst v63  }
0x54: {  	_ =	swait.ge [sflag:s17], $0x4000  }
0x55: {  	[sflag:s17] =	ssyncset.done $0x0  }
0x56: {  	[sflag:s17] =	ssyncadd.s32 $0xFFFFC000  }
0x57: {  	[spmem:s2] =	stream.indirect.scatter.add.f32 [tilespmem:s15], [sflag:$0x3], $0x80, s23, s14, $0xb8;
	[tilespmem:$0x1E800] =	vst v63  }
0x58: {  	_ =	swait.ge [sflag:s12], $0x4000  }
0x59: {  	[sflag:s12] =	ssyncset.done $0x0  }
0x5a: {  	[sflag:s12] =	ssyncadd.s32 $0xFFFFC000  }
0x5b: {  	[tilespmem:s15], [sflag:$0x1] =	stream.indirect.gather [hbm4b:s4+s14], $0x80, s22, s14, $0xb8;
	[tilespmem:$0x1E800] =	vst v63  }
0x5c: {  	_ =	swait.ge [sflag:s18], $0x4000  }
0x5d: {  	[sflag:s18] =	ssyncset.done $0x0  }
0x5e: {  	[sflag:s18] =	ssyncadd.s32 $0xFFFFC000  }
0x5f: {  	[spmem:s2] =	stream.indirect.scatter.add.f32 [tilespmem:s16], [sflag:$0x3], $0x80, s24, s14, $0xb8;
	[tilespmem:$0x1E800] =	vst v63  }
0x60: {  	_ =	swait.ge [sflag:s12], $0x4000  }
0x61: {  	[sflag:s12] =	ssyncset.done $0x0  }
0x62: {  	[sflag:s12] =	ssyncadd.s32 $0xFFFFC000  }
0x63: {  	[tilespmem:s16], [sflag:$0x2] =	stream.indirect.gather [hbm4b:s4+s14], $0x80, s22, s14, $0xb8;
	[tilespmem:$0x1E800] =	vst v63  }
0x64: {  	_ =	swait.ge [sflag:s17], $0x4000  }
0x65: {  	[sflag:s17] =	ssyncset.done $0x0  }
0x66: {  	[sflag:s17] =	ssyncadd.s32 $0xFFFFC000  }
0x67: {  	_ =	swait.ge [sflag:s18], $0x4000  }
0x68: {  	s25 =	sadd.s32 $0x1, s25;
	[sflag:s18] =	ssyncset.done $0x0  }
0x69: {  	p0 =	sne.s32 s25, s10;
	[sflag:s18] =	ssyncadd.s32 $0xFFFFC000  }
.Ltmp1:
0x6a: {  	[bflag:$0x0] =	sbarrier.arrive $0xFFFF;
	(pc) =	sbr.rel @p0 .LBB2_1-.Ltmp1, $4  }
0x6b: {  	[hbm:s9], [sflag:s6] =	dma.local [spmem:s11], $0x2800  }
0x6c: {  	_ =	swait.ge [sflag:s12], $0x2800  }
0x6d: {  	[sflag:s12] =	ssyncset.done $0x0  }
0x6e: {  	[sflag:s12] =	ssyncadd.s32 $0xFFFFD800  }
0x6f: {  	_ =	sfence.sel $0x180000  }
0x70: {  	[bflag:$0x0] =	sbarrier.arrive $0xFFFF  }
0x71: {  	p0 =	sne.s32 s0, $0x0;
	_ =	strace $0x9000004A  }
0x72: {  	s0 =	sadd.s32 @!p0 $0x100000, s1;
	[bflag:$0x2] =	sbarrier.arrive $0xFFFF  }
0x73: {  	[sflag:s0] =	ssyncadd.tile.s32 @!p0 $0x1;
	_ =	shalt  }
.Lfunc_end2:
_tile_overlayer_lowered:
.L_overlay_start_2:
0x74: {  	(tag) =	ssettag $0x2  }
0x75: {  	s0 =	rddreg [dreg:$0x0];
	s2 =	stileid.u32  }
0x76: {  	s1 =	rddreg [dreg:$0x1];
	p0 =	sne.s32 s2, $0x0  }
0x77: {  	s3 =	rddreg [dreg:$0x2];
	[bflag:$0x3] =	sbarrier.arrive $0xFFFF;
	s2 =	simm.s32 @!p0 $0x1C03  }
0x78: {  	[timem:s3], [sflag:s2] =	dma.local @!p0 [hbm:s0], s1  }
0x79: {  	s0 =	simm.s32 @!p0 $0x3  }
0x7a: {  	_ =	swait.ge @!p0 [sflag:s0], s1  }
0x7b: {  	s1 =	ssub.s32 @!p0 $0x0, s1;
	[sflag:s0] =	ssyncset.done @!p0 $0x0  }
0x7c: {  	[sflag:s0] =	ssyncadd.s32 @!p0 s1  }
0x7d: {  	[bflag:$0x3] =	sbarrier.arrive $0xFFFF  }
0x7e: {  	_ =	shalt  }

// kernel: kernel.7.cloned.1.call-start
scs
__scs_entry_jumppad:
0x0: {  	(pc) =	sbr.rel $0x88, $3  }
0x1: {  	(tag) =	ssettag $0x0;
	lr =	simm.s32 $0x1  }
0x2: {  	[smem:$0x3F93] =	sst lr;
	_ =	strace $0xD0000000  }
0x3: {  	_ = 	snop  }
0x4: {  	_ = 	snop  }
0x5: {  	_ = 	snop  }
0x6: {  	_ = 	snop  }
0x7: {  	_ = 	snop  }
__scs_overlays_trampoline_lowered:
0x8: {  	[smem:$0x3FA2] =	sst s0  }
0x9: {  	[smem:$0x3FA3] =	sst s1  }
0xa: {  	[smem:$0x3FA4] =	sst s2  }
0xb: {  	[smem:$0x3FA5] =	sst s3  }
0xc: {  	[smem:$0x3FA6] =	sst s4  }
0xd: {  	[smem:$0x3FA7] =	sst s5  }
0xe: {  	[smem:$0x3FA8] =	sst s6  }
0xf: {  	[smem:$0x3FA9] =	sst s7  }
0x10: {  	[smem:$0x3FAA] =	sst s8  }
0x11: {  	[smem:$0x3FAB] =	sst s9;
	s0 =	simm.s32 @!p0 $0x0  }
0x12: {  	s1 =	sld [smem:$0x3F91];
	s0 =	simm.s32 @p0 $0x1  }
0x13: {  	[smem:$0x3FAC] =	sst s0;
	s0 =	simm.s32 @!p1 $0x0  }
0x14: {  	s2 =	sld [smem:$0x3F90];
	s0 =	simm.s32 @p1 $0x1  }
0x15: {  	[smem:$0x3FAD] =	sst s0;
	s0 =	simm.s32 @!p2 $0x0  }
0x16: {  	s3 =	sld [smem:$0x3FDB];
	s0 =	simm.s32 @p2 $0x1  }
0x17: {  	s4 =	simm.s32 $0x1BF5;
	[smem:$0x3FAF] =	sst s0  }
0x18: {  	s0 =	sld [smem:$0x3F92];
	_ =	swait.ge [sflag:s4], $0x0  }
0x19: {  	s7 =	sld [smem:$0x3F93]  }
0x1a: {  	s8 =	sadd.s32 $0xFFFFE003, lr  }
0x1b: {  	s9 =	sadd.s32 $0xFFFFFEF7, lr;
	s5 =	simm.s32 $0xFFFFFFFF;
	p2 =	slt.u32 s8, $0xFFFFF086  }
0x1c: {  	p1 =	slt.u32 s9, $0xF7A;
	s5 =	simm.s32 @!p2 $0x0  }
0x1d: {  	s5 =	simm.s32 @p1 $0x1;
	p0 =	seq.s32 s7, s2  }
0x1e: {  	s7 =	smul.u32 @!p0 $0xF7A, s2;
	p2 =	seq.s32 @!p0 s5, $0x0  }
0x1f: {  	s9 =	smul.u32 $0xF7A, s1;
	s8 =	simm.s32 @!p0 $0x1BF5;
	p2 =	por !p2, p0  }
0x20: {  	[sflag:s8] =	ssyncset.s32 @!p0 $0xFFFFF086;
	s6 =	sadd.s32 @!p0 s3, s7;
	s7 =	simm.s32 @!p0 $0x108  }
0x21: {  	s3 =	sadd.s32 s3, s9;
	s6 =	sadd.s32 @!p0 $0x88, s6;
	s7 =	simm.s32 @p2 $0x1082  }
0x22: {  	[simem:s7], [sflag:s8] =	dma.local @!p0 [hbm:s6], $0xF7A  }
0x23: {  	s9 =	sor.u32 $0xD0000000, s2;
	s6 =	simm.s32 $0x108;
	_ =	swait.ge @!p0 [sflag:s8], $0x0  }
0x24: {  	s3 =	sadd.s32 $0x88, s3;
	s6 =	simm.s32 @!p1 $0x1082;
	[sflag:s4] =	ssyncset.s32 $0xFFFFF086  }
0x25: {  	[simem:s6], [sflag:s4] =	dma.local [hbm:s3], $0xF7A  }
0x26: {  	[smem:$0x3F93] =	sst s1;
	(tag) =	ssettag s2;
	_ =	strace s9  }
0x27: {  	s1 =	sld [smem:$0x3FA3]  }
0x28: {  	s2 =	sld [smem:$0x3FA4]  }
0x29: {  	s4 =	sld [smem:$0x3FA6]  }
0x2a: {  	p0 =	seq.s32 s5, $0x0;
	s5 =	sld [smem:$0x3FA7]  }
0x2b: {  	s6 =	sld [smem:$0x3FA8]  }
0x2c: {  	s7 =	sld [smem:$0x3FA9]  }
0x2d: {  	s3 =	simm.s32 $0x108;
	s8 =	sld [smem:$0x3FAA]  }
0x2e: {  	s3 =	simm.s32 @!p0 $0x1082;
	s9 =	sld [smem:$0x3FAB]  }
0x2f: {  	lr =	sadd.s32 s0, s3;
	s0 =	sld [smem:$0x3FA2]  }
0x30: {  	s3 =	sld [smem:$0x3FA5]  }
0x31: {  	[smem:$0x3FAE] =	sst s10  }
0x32: {  	s10 =	sld [smem:$0x3FAC];
	_ =	sdelay $0x3  }
0x33: {  	p0 =	seq.s32 s10, $0x1;
	s10 =	sld [smem:$0x3FAE];
	_ =	sdelay $0x3  }
0x34: {  	[smem:$0x3FAE] =	sst s10  }
0x35: {  	s10 =	sld [smem:$0x3FAD];
	_ =	sdelay $0x3  }
0x36: {  	p1 =	seq.s32 s10, $0x1;
	s10 =	sld [smem:$0x3FAE];
	_ =	sdelay $0x3  }
0x37: {  	[smem:$0x3FAE] =	sst s10  }
0x38: {  	s10 =	sld [smem:$0x3FAF]  }
0x39: {  	_ = 	snop;
	(pc) =	sbr.ind lr, $3  }
0x3a: {  	_ = 	snop  }
0x3b: {  	_ = 	snop  }
0x3c: {  	p2 =	seq.s32 s10, $0x1;
	s10 =	sld [smem:$0x3FAE]  }
0x3d: {  	_ =	shalt  }
0x3e: {  	_ =	shalt  }
0x3f: {  	_ =	shalt  }
0x40: {  	_ =	shalt  }
0x41: {  	_ =	shalt  }
0x42: {  	_ =	shalt  }
0x43: {  	_ =	shalt  }
0x44: {  	_ =	shalt  }
0x45: {  	_ =	shalt  }
0x46: {  	_ =	shalt  }
0x47: {  	_ =	shalt  }
0x48: {  	_ =	shalt  }
0x49: {  	_ =	shalt  }
0x4a: {  	_ =	shalt  }
0x4b: {  	_ =	shalt  }
0x4c: {  	_ =	shalt  }
0x4d: {  	_ =	shalt  }
0x4e: {  	_ =	shalt  }
0x4f: {  	_ =	shalt  }
0x50: {  	_ =	shalt  }
0x51: {  	_ =	shalt  }
0x52: {  	_ =	shalt  }
0x53: {  	_ =	shalt  }
0x54: {  	_ =	shalt  }
0x55: {  	_ =	shalt  }
0x56: {  	_ =	shalt  }
0x57: {  	_ =	shalt  }
0x58: {  	_ =	shalt  }
0x59: {  	_ =	shalt  }
0x5a: {  	_ =	shalt  }
0x5b: {  	_ =	shalt  }
0x5c: {  	_ =	shalt  }
0x5d: {  	_ =	shalt  }
0x5e: {  	_ =	shalt  }
0x5f: {  	_ =	shalt  }
0x60: {  	_ =	shalt  }
0x61: {  	_ =	shalt  }
0x62: {  	_ =	shalt  }
0x63: {  	_ =	shalt  }
0x64: {  	_ =	shalt  }
0x65: {  	_ =	shalt  }
0x66: {  	_ =	shalt  }
0x67: {  	_ =	shalt  }
0x68: {  	_ =	shalt  }
0x69: {  	_ =	shalt  }
0x6a: {  	_ =	shalt  }
0x6b: {  	_ =	shalt  }
0x6c: {  	_ =	shalt  }
0x6d: {  	_ =	shalt  }
0x6e: {  	_ =	shalt  }
0x6f: {  	_ =	shalt  }
0x70: {  	_ =	shalt  }
0x71: {  	_ =	shalt  }
0x72: {  	_ =	shalt  }
0x73: {  	_ =	shalt  }
0x74: {  	_ =	shalt  }
0x75: {  	_ =	shalt  }
0x76: {  	_ =	shalt  }
0x77: {  	_ =	shalt  }
0x78: {  	_ =	shalt  }
0x79: {  	_ =	shalt  }
0x7a: {  	_ =	shalt  }
0x7b: {  	_ =	shalt  }
0x7c: {  	_ =	shalt  }
0x7d: {  	_ =	shalt  }
0x7e: {  	_ =	shalt  }
0x7f: {  	_ =	shalt  }
0x80: {  	_ =	shalt  }
0x81: {  	_ =	shalt  }
0x82: {  	_ =	shalt  }
0x83: {  	_ =	shalt  }
0x84: {  	_ =	shalt  }
0x85: {  	_ =	shalt  }
0x86: {  	_ =	shalt  }
0x87: {  	_ =	shalt  }
.Lfunc_end0:
.L_simem_size_0:
called_computation_lowered:
.L_overlay_start_0:
0x88: {  	s2 =	sld [smem:$0x3FD9]  }
0x89: {  	s3 =	sld [smem:$0x3FFE];
	_ =	sdelay $0x1  }
0x8a: {  	s1 =	srdreg.scid  }
0x8b: {  	s0 =	sand.u32 $0x1, s1  }
0x8c: {  	s16 =	sshll.u32 s0, $0xA;
	s2 =	sadd.s32 s3, s2  }
0x8d: {  	s2 =	sadd.s32 s2, s16  }
0x8e: {  	[smem:$0x3FBA] =	sst s2  }
0x8f: {  	_ = 	snop  }
0x90: {  	(tm) =	ssettm $0x1  }
0x91: {  	s17 =	sld [smem:$0x3FFB];
	_ =	sdelay $0x3  }
0x92: {  	_ =	strace s17  }
0x93: {  	s2 =	sld [smem:$0x3FFC];
	_ =	sdelay $0x3  }
0x94: {  	_ =	strace s2  }
0x95: {  	s2 =	sld [smem:$0x3FFD];
	_ =	sdelay $0x3  }
0x96: {  	_ =	strace s2  }
0x97: {  	_ =	strace $0x8FFFFFFF  }
0x98: {  	s18 =	sld [smem:$0x3FDB];
	_ =	sdelay $0x1  }
0x99: {  	s19 =	simm.s32 $_scs_section_size  }
0x9a: {  	s4 =	simm.s32 $_size__tile_overlayer_lowered;
	s5 =	simm.s32 $_tile_overlayer_lowered  }
0x9b: {  	s22 =	simm.s32 $0x1BFF;
	s21 =	sshll.u32 s5, $0x1;
	s2 =	sadd.s32 s19, s18  }
0x9c: {  	s6 =	simm.s32 $0x0;
	s20 =	sshll.u32 s4, $0x1;
	s4 =	sadd.s32 s21, s2  }
0x9d: {  	[timem:s6], [sflag:s22] =	dma.local [hbm:s4], s20  }
0x9e: {  	_ =	swait.ge [sflag:s22], s20  }
0x9f: {  	s3 =	ssub.s32 $0x0, s20;
	[sflag:s22] =	ssyncset.done $0x0  }
0xa0: {  	[sflag:s22] =	ssyncadd.s32 s3;
	_ =	sdelay $0x1  }
0xa1: {  	s23 =	simm.s32 $0x1B8B  }
0xa2: {  	_ =	swait.ge [sflag:s23], $0x1  }
0xa3: {  	[sflag:s23] =	ssyncset.done $0x0  }
0xa4: {  	s25 =	simm.s32 $0x1B8E;
	s24 =	sld [smem:$0x3FFE];
	[sflag:s23] =	ssyncadd.s32 $0xFFFFFFFF  }
0xa5: {  	s26 =	simm.s32 $execute0_lowered;
	[smem:$0x3FD2] =	sst s25  }
0xa6: {  	s4 =	sshll.u32 s26, $0x1;
	_ =	strace $0x80000046;
	[dreg:$0x1] =	wrdreg $0xFFFFFFFF  }
0xa7: {  	s28 =	simm.s32 $_size_execute0_lowered;
	s2 =	sadd.s32 s2, s4;
	[dreg:$0x0] =	wrdreg $0x0  }
0xa8: {  	s4 =	sshll.u32 s28, $0x1;
	[dreg:$0x2] =	wrdreg s2  }
0xa9: {  	[dreg:$0x3] =	wrdreg s4  }
0xaa: {  	[dreg:$0x4] =	wrdreg $0xC0  }
0xab: {  	_ =	task [dreg:s6], $0x5FFFF  }
0xac: {  	[dreg:$0x1] =	wrdreg $0xFFFFFFFF  }
0xad: {  	[dreg:$0x0] =	wrdreg $0x60  }
0xae: {  	[dreg:$0x2] =	wrdreg s24  }
0xaf: {  	[dreg:$0x3] =	wrdreg $0x98000  }
0xb0: {  	[dreg:$0x4] =	wrdreg $0x9  }
0xb1: {  	_ =	task.clear_ibuf [dreg:s6], $0x5FFFF;
	_ =	strace $0x90000046  }
0xb2: {  	s29 =	simm.s32 $0x9;
	_ =	strace $0x80000048  }
0xb3: {  	_ =	swait.ge [sflag:s29], $0x1  }
0xb4: {  	[sflag:s29] =	ssyncadd.s32 $0xFFFFFFFF  }
0xb5: {  	_ =	strace $0x90000048  }
0xb6: {  	_ =	sfence  }
0xb7: {  	s30 =	sld [smem:$0x0];
	_ =	sdelay $0x2  }
0xb8: {  	s31 =	sshll.u32 s1, $0xD;
	s1 =	sshrl.u32 s1, $0x2  }
0xb9: {  	s3 =	sand.u32 $0x4000, s31;
	s1 =	sadd.s32 s1, s30  }
0xba: {  	s0 =	sor.u32 s3, s0;
	s1 =	sshll.u32 s1, $0x11  }
0xbb: {  	s0 =	sor.u32 s1, s0  }
0xbc: {  	s0 =	sadd.s32 $0x8F2B, s0  }
0xbd: {  	[sflag:s0] =	ssyncadd.remote.s32 $0x1  }
0xbe: {  	_ =	sfence.sel $0xFFFF  }
0xbf: {  	[dreg:$0x0] =	wrdreg $0xFFFFFFFF;
	(pc) =	sbr.abs _section_cstart, $3  }
0xc0: {  	[dreg:$0x1] =	wrdreg $0xFFFFFFFF  }
0xc1: {  	_ =	task.clear_ibuf [dreg:s6], $0x2FFFF;
	_ =	strace $0x9FFFFFFF  }
0xc2: {  	(tm) =	ssettm $0x7FFFFFFF  }
0xc3: {  	_ =	shalt  }
tec
execute0_lowered:
.L_overlay_start_1:
0x0: {  	(tag) =	ssettag $0x1  }
0x1: {  	s5 =	rddreg [dreg:$0x0]  }
0x2: {  	s2 =	rddreg [dreg:$0x1];
	s3 =	simm.s32 $0x0  }
0x3: {  	s1 =	stileid.u32;
	s4 =	srdreg.scid;
	s16 =	simm.s32 $0x5800  }
0x4: {  	s18 =	simm.s32 $0x1480;
	s17 =	simm.s32 $0x1400;
	s19 =	simm.s32 $0x1500  }
0x5: {  	s21 =	simm.s32 $0x1580;
	s20 =	simm.s32 $0x2;
	s22 =	simm.s32 $0x1680  }
0x6: {  	[smem:$0x7FF] =	sst s3;
	s6 =	smul.u32 $0x28, s1;
	s7 =	sand.u32 $0x1, s4  }
0x7: {  	s4 =	sadd.s32 $0xBC00, s5;
	s23 =	smul.u32 $0x14000, s1;
	s25 =	sshll.u32 s1, $0x7  }
0x8: {  	s26 =	smul.u32 $0x50000, s1;
	s31 =	sshll.u32 s1, $0x6;
	_ =	strace $0x80000047  }
0x9: {  	p0 =	seq.s32 s7, $0x0;
	s9 =	sshll.u32 s7, $0x4;
	[dreg:$0x3] =	wrdreg s18  }
0xa: {  	s10 =	smul.u32 $0x140000, s7;
	s7 =	ssub.s32 $0x2, s7;
	[dreg:$0x4] =	wrdreg s19  }
0xb: {  	s18 =	simm.s32 $0x1;
	s19 =	simm.s32 $0x1D800;
	[dreg:$0x5] =	wrdreg s21  }
0xc: {  	s21 =	simm.s32 $0x1600;
	s8 =	sadd.s32 $0x280, s6;
	s9 =	sor.u32 s1, s9  }
0xd: {  	s24 =	sshrl.u32 s23, $0x3;
	s29 =	sshrl.u32 s7, $0x1;
	s30 =	sshrl.u32 s26, $0x2  }
0xe: {  	s26 =	simm.s32 $0x0;
	s8 =	smov.u32 @p0 s6;
	s9 =	sshrl.u32 s9, $0x3  }
0xf: {  	s6 =	sadd.s32 s23, s10;
	s10 =	sand.u32 $0x380, s25;
	s14 =	ssub.s32 s7, s29  }
0x10: {  	s15 =	sadd.s32 s30, s2;
	s23 =	simm.s32 $0x1700;
	s25 =	simm.s32 $0x400  }
0x11: {  	s8 =	sshll.u32 s8, $0x4;
	s9 =	smul.u32 $0x14000, s9;
	s6 =	sshrl.u32 s6, $0x3  }
0x12: {  	s11 =	sadd.s32 s8, s5;
	s8 =	sadd.s32 s24, s5;
	s12 =	sadd.s32 s6, s5  }
0x13: {  	s6 =	sor.u32 $0x1C03, s31;
	s24 =	simm.s32 $0x1780;
	s9 =	sor.u32 s10, s9  }
0x14: {  	s7 =	sadd.s32 $0x6C00, s11;
	s10 =	smax.u32 s14, $0x1;
	s28 =	sshrl.u32 s9, $0x3  }
0x15: {  	s11 =	sadd.s32 $0x1C00, s11;
	s14 =	simm.s32 $0x80;
	s13 =	sadd.s32 s28, s5  }
0x16: {  	s5 =	sadd.s32 $0x32E00, s8;
	s8 =	sadd.s32 $0x64E00, s12;
	s12 =	sshrl.u32 s15, $0x3  }
0x17: {  	v0 =	vimm.f32 $0.0e+00;
	v1 =	vimm.f32 $1.000000000e+00;
	s15 =	simm.s32 $0x1800;
	s9 =	sadd.s32 $0x5AE00, s13;
	s13 =	simm.s32 $0x3  }
.LBB2_1:
0x18: {  	[spmem:s12], [sflag:s6] =	dma.local [hbm:s5], $0x2800  }
0x19: {  	_ =	swait.ge [sflag:s13], $0x2800  }
0x1a: {  	[sflag:s13] =	ssyncset.done $0x0  }
0x1b: {  	s28 =	simm.s32 $0x0;
	s29 =	simm.s32 $0x200;
	[sflag:s13] =	ssyncadd.s32 $0xFFFFD800  }
.LBB2_2:
0x1c: {  	p0 =	sne.s32 s29, $0x9E00;
	[tilespmem:s28+$0x1D870] =	vst v0  }
0x1d: {  	[tilespmem:s28+$0x1D800] =	vst v0  }
0x1e: {  	[tilespmem:s28+$0x1D810] =	vst v0  }
.Ltmp0:
0x1f: {  	[tilespmem:s28+$0x1D820] =	vst v0;
	(pc) =	sbr.rel @p0 .LBB2_2-.Ltmp0, $4  }
0x20: {  	[tilespmem:s28+$0x1D830] =	vst v0  }
0x21: {  	[tilespmem:s28+$0x1D840] =	vst v0  }
0x22: {  	[tilespmem:s28+$0x1D850] =	vst v0  }
0x23: {  	[tilespmem:s28+$0x1D860] =	vst v0;
	s28 =	sshra.s32 s29, $0x2;
	s29 =	sadd.s32 $0x200, s29  }
0x24: {  	[tilespmem:s28+$0x1D870] =	vst v0  }
0x25: {  	[tilespmem:s28+$0x1D800] =	vst v0  }
0x26: {  	[tilespmem:s28+$0x1D810] =	vst v0  }
0x27: {  	[tilespmem:s28+$0x1D820] =	vst v0  }
0x28: {  	[tilespmem:s28+$0x1D830] =	vst v0  }
0x29: {  	[tilespmem:s28+$0x1D840] =	vst v0  }
0x2a: {  	[tilespmem:s28+$0x1D850] =	vst v0  }
0x2b: {  	[tilespmem:s28+$0x1D860] =	vst v0  }
0x2c: {  	s28 =	simm.s32 $0x0;
	[bflag:$0x0] =	sbarrier.arrive $0xFFFF  }
0x2d: {  	[tilespmem:s28], [sflag:$0x3] =	stream.linear.gather [hbm4b:s7+s28], $0x1400, $0x38;
	v63 =	vld [tilespmem:$0x0]  }
0x2e: {  	_ =	swait.ge [sflag:s13], $0x1400  }
0x2f: {  	[sflag:s13] =	ssyncset.done $0x0  }
0x30: {  	[sflag:s13] =	ssyncadd.s32 $0xFFFFEC00  }
0x31: {  	[tilespmem:s15], [sflag:$0x1] =	stream.indirect.gather [hbm4b:s4+s14], $0x80, s28, s14, $0xb8;
	v63 =	vld [tilespmem:$0x0]  }
0x32: {  	s29 =	smov.u32 s11;
	s30 =	simm.s32 $0x0  }
0x33: {  	[tilespmem:s16], [sflag:$0x2] =	stream.indirect.gather [hbm4b:s4+s14], $0x80, s14, s14, $0xb8;
	v63 =	vld [tilespmem:$0x0]  }
.LBB2_4:
0x34: {  	[tilespmem:s17], [sflag:$0x3] =	stream.linear.gather [hbm4b:s29+s3], $0x400, $0x38;
	v63 =	vld [tilespmem:$0x0]  }
0x35: {  	_ =	swait.ge [sflag:s13], $0x400  }
0x36: {  	[sflag:s13] =	ssyncset.done $0x0  }
0x37: {  	[sflag:s13] =	ssyncadd.s32 $0xFFFFFC00  }
0x38: {  	_ =	swait.ge [sflag:s18], $0x4000  }
0x39: {  	[sflag:s18] =	ssyncset.done $0x0  }
0x3a: {  	[sflag:s18] =	ssyncadd.s32 $0xFFFFC000  }
0x3b: {  	[spmem:s2] =	stream.indirect.scatter.add.f32 [tilespmem:s15], [sflag:$0x3], $0x80, s17, s14, $0xb8;
	v63 =	vld [tilespmem:$0x0]  }
0x3c: {  	_ =	swait.ge [sflag:s13], $0x4000  }
0x3d: {  	s31 =	sshra.s32 s30, $0x2;
	[sflag:s13] =	ssyncset.done $0x0  }
0x3e: {  	s0 =	sadd.s32 $0x100, s31;
	[sflag:s13] =	ssyncadd.s32 $0xFFFFC000  }
0x3f: {  	[tilespmem:s15], [sflag:$0x1] =	stream.indirect.gather [hbm4b:s4+s14], $0x80, s0, s14, $0xb8;
	v63 =	vld [tilespmem:$0x0]  }
0x40: {  	v2 =	vld [tilespmem:$0x1400];
	_ =	sdelay $0x7  }
0x41: {  	[tilespmem:v2+s19+$0x0] =	vst.idx.add.f32.msk $0xffff, v1  }
0x42: {  	v2 =	vld [tilespmem:$0x1410];
	_ =	sdelay $0x7  }
0x43: {  	[tilespmem:v2+s19+$0x0] =	vst.idx.add.f32.msk $0xffff, v1  }
0x44: {  	v2 =	vld [tilespmem:$0x1420];
	_ =	sdelay $0x7  }
0x45: {  	[tilespmem:v2+s19+$0x0] =	vst.idx.add.f32.msk $0xffff, v1  }
0x46: {  	v2 =	vld [tilespmem:$0x1430];
	_ =	sdelay $0x7  }
0x47: {  	[tilespmem:v2+s19+$0x0] =	vst.idx.add.f32.msk $0xffff, v1  }
0x48: {  	v2 =	vld [tilespmem:$0x1440];
	_ =	sdelay $0x7  }
0x49: {  	[tilespmem:v2+s19+$0x0] =	vst.idx.add.f32.msk $0xffff, v1  }
0x4a: {  	v2 =	vld [tilespmem:$0x1450];
	_ =	sdelay $0x7  }
0x4b: {  	[tilespmem:v2+s19+$0x0] =	vst.idx.add.f32.msk $0xffff, v1  }
0x4c: {  	v2 =	vld [tilespmem:$0x1460];
	_ =	sdelay $0x7  }
0x4d: {  	[tilespmem:v2+s19+$0x0] =	vst.idx.add.f32.msk $0xffff, v1  }
0x4e: {  	v2 =	vld [tilespmem:$0x1470];
	_ =	sdelay $0x7  }
0x4f: {  	[tilespmem:v2+s19+$0x0] =	vst.idx.add.f32.msk $0xffff, v1  }
0x50: {  	_ =	swait.ge [sflag:s20], $0x4000  }
0x51: {  	[sflag:s20] =	ssyncset.done $0x0  }
0x52: {  	s0 =	rddreg [dreg:$0x3];
	[sflag:s20] =	ssyncadd.s32 $0xFFFFC000  }
0x53: {  	[spmem:s2] =	stream.indirect.scatter.add.f32 [tilespmem:s16], [sflag:$0x3], $0x80, s0, s14, $0xb8;
	v63 =	vld [tilespmem:$0x0]  }
0x54: {  	_ =	swait.ge [sflag:s13], $0x4000  }
0x55: {  	[sflag:s13] =	ssyncset.done $0x0  }
0x56: {  	s0 =	sadd.s32 $0x180, s31;
	[sflag:s13] =	ssyncadd.s32 $0xFFFFC000  }
0x57: {  	[tilespmem:s16], [sflag:$0x2] =	stream.indirect.gather [hbm4b:s4+s14], $0x80, s0, s14, $0xb8;
	v63 =	vld [tilespmem:$0x0]  }
0x58: {  	v2 =	vld [tilespmem:$0x1480];
	_ =	sdelay $0x7  }
0x59: {  	[tilespmem:v2+s19+$0x0] =	vst.idx.add.f32.msk $0xffff, v1  }
0x5a: {  	v2 =	vld [tilespmem:$0x1490];
	_ =	sdelay $0x7  }
0x5b: {  	[tilespmem:v2+s19+$0x0] =	vst.idx.add.f32.msk $0xffff, v1  }
0x5c: {  	v2 =	vld [tilespmem:$0x14A0];
	_ =	sdelay $0x7  }
0x5d: {  	[tilespmem:v2+s19+$0x0] =	vst.idx.add.f32.msk $0xffff, v1  }
0x5e: {  	v2 =	vld [tilespmem:$0x14B0];
	_ =	sdelay $0x7  }
0x5f: {  	[tilespmem:v2+s19+$0x0] =	vst.idx.add.f32.msk $0xffff, v1  }
0x60: {  	v2 =	vld [tilespmem:$0x14C0];
	_ =	sdelay $0x7  }
0x61: {  	[tilespmem:v2+s19+$0x0] =	vst.idx.add.f32.msk $0xffff, v1  }
0x62: {  	v2 =	vld [tilespmem:$0x14D0];
	_ =	sdelay $0x7  }
0x63: {  	[tilespmem:v2+s19+$0x0] =	vst.idx.add.f32.msk $0xffff, v1  }
0x64: {  	v2 =	vld [tilespmem:$0x14E0];
	_ =	sdelay $0x7  }
0x65: {  	[tilespmem:v2+s19+$0x0] =	vst.idx.add.f32.msk $0xffff, v1  }
0x66: {  	v2 =	vld [tilespmem:$0x14F0];
	_ =	sdelay $0x7  }
0x67: {  	[tilespmem:v2+s19+$0x0] =	vst.idx.add.f32.msk $0xffff, v1  }
0x68: {  	_ =	swait.ge [sflag:s18], $0x4000  }
0x69: {  	[sflag:s18] =	ssyncset.done $0x0  }
0x6a: {  	s0 =	rddreg [dreg:$0x4];
	[sflag:s18] =	ssyncadd.s32 $0xFFFFC000  }
0x6b: {  	[spmem:s2] =	stream.indirect.scatter.add.f32 [tilespmem:s15], [sflag:$0x3], $0x80, s0, s14, $0xb8;
	v63 =	vld [tilespmem:$0x0]  }
0x6c: {  	_ =	swait.ge [sflag:s13], $0x4000  }
0x6d: {  	[sflag:s13] =	ssyncset.done $0x0  }
0x6e: {  	s0 =	sadd.s32 $0x200, s31;
	[sflag:s13] =	ssyncadd.s32 $0xFFFFC000  }
0x6f: {  	[tilespmem:s15], [sflag:$0x1] =	stream.indirect.gather [hbm4b:s4+s14], $0x80, s0, s14, $0xb8;
	v63 =	vld [tilespmem:$0x0]  }
0x70: {  	v2 =	vld [tilespmem:$0x1500];
	_ =	sdelay $0x7  }
0x71: {  	[tilespmem:v2+s19+$0x0] =	vst.idx.add.f32.msk $0xffff, v1  }
0x72: {  	v2 =	vld [tilespmem:$0x1510];
	_ =	sdelay $0x7  }
0x73: {  	[tilespmem:v2+s19+$0x0] =	vst.idx.add.f32.msk $0xffff, v1  }
0x74: {  	v2 =	vld [tilespmem:$0x1520];
	_ =	sdelay $0x7  }
0x75: {  	[tilespmem:v2+s19+$0x0] =	vst.idx.add.f32.msk $0xffff, v1  }
0x76: {  	v2 =	vld [tilespmem:$0x1530];
	_ =	sdelay $0x7  }
0x77: {  	[tilespmem:v2+s19+$0x0] =	vst.idx.add.f32.msk $0xffff, v1  }
0x78: {  	v2 =	vld [tilespmem:$0x1540];
	_ =	sdelay $0x7  }
0x79: {  	[tilespmem:v2+s19+$0x0] =	vst.idx.add.f32.msk $0xffff, v1  }
0x7a: {  	v2 =	vld [tilespmem:$0x1550];
	_ =	sdelay $0x7  }
0x7b: {  	[tilespmem:v2+s19+$0x0] =	vst.idx.add.f32.msk $0xffff, v1  }
0x7c: {  	v2 =	vld [tilespmem:$0x1560];
	_ =	sdelay $0x7  }
0x7d: {  	[tilespmem:v2+s19+$0x0] =	vst.idx.add.f32.msk $0xffff, v1  }
0x7e: {  	v2 =	vld [tilespmem:$0x1570];
	_ =	sdelay $0x7  }
0x7f: {  	[tilespmem:v2+s19+$0x0] =	vst.idx.add.f32.msk $0xffff, v1  }
0x80: {  	_ =	swait.ge [sflag:s20], $0x4000  }
0x81: {  	[sflag:s20] =	ssyncset.done $0x0  }
0x82: {  	s0 =	rddreg [dreg:$0x5];
	[sflag:s20] =	ssyncadd.s32 $0xFFFFC000  }
0x83: {  	[spmem:s2] =	stream.indirect.scatter.add.f32 [tilespmem:s16], [sflag:$0x3], $0x80, s0, s14, $0xb8;
	v63 =	vld [tilespmem:$0x0]  }
0x84: {  	_ =	swait.ge [sflag:s13], $0x4000  }
0x85: {  	[sflag:s13] =	ssyncset.done $0x0  }
0x86: {  	s0 =	sadd.s32 $0x280, s31;
	[sflag:s13] =	ssyncadd.s32 $0xFFFFC000  }
0x87: {  	[tilespmem:s16], [sflag:$0x2] =	stream.indirect.gather [hbm4b:s4+s14], $0x80, s0, s14, $0xb8;
	v63 =	vld [tilespmem:$0x0]  }
0x88: {  	v2 =	vld [tilespmem:$0x1580];
	_ =	sdelay $0x7  }
0x89: {  	[tilespmem:v2+s19+$0x0] =	vst.idx.add.f32.msk $0xffff, v1  }
0x8a: {  	v2 =	vld [tilespmem:$0x1590];
	_ =	sdelay $0x7  }
0x8b: {  	[tilespmem:v2+s19+$0x0] =	vst.idx.add.f32.msk $0xffff, v1  }
0x8c: {  	v2 =	vld [tilespmem:$0x15A0];
	_ =	sdelay $0x7  }
0x8d: {  	[tilespmem:v2+s19+$0x0] =	vst.idx.add.f32.msk $0xffff, v1  }
0x8e: {  	v2 =	vld [tilespmem:$0x15B0];
	_ =	sdelay $0x7  }
0x8f: {  	[tilespmem:v2+s19+$0x0] =	vst.idx.add.f32.msk $0xffff, v1  }
0x90: {  	v2 =	vld [tilespmem:$0x15C0];
	_ =	sdelay $0x7  }
0x91: {  	[tilespmem:v2+s19+$0x0] =	vst.idx.add.f32.msk $0xffff, v1  }
0x92: {  	v2 =	vld [tilespmem:$0x15D0];
	_ =	sdelay $0x7  }
0x93: {  	[tilespmem:v2+s19+$0x0] =	vst.idx.add.f32.msk $0xffff, v1  }
0x94: {  	v2 =	vld [tilespmem:$0x15E0];
	_ =	sdelay $0x7  }
0x95: {  	[tilespmem:v2+s19+$0x0] =	vst.idx.add.f32.msk $0xffff, v1  }
0x96: {  	v2 =	vld [tilespmem:$0x15F0];
	_ =	sdelay $0x7  }
0x97: {  	[tilespmem:v2+s19+$0x0] =	vst.idx.add.f32.msk $0xffff, v1  }
0x98: {  	_ =	swait.ge [sflag:s18], $0x4000  }
0x99: {  	[sflag:s18] =	ssyncset.done $0x0  }
0x9a: {  	[sflag:s18] =	ssyncadd.s32 $0xFFFFC000  }
0x9b: {  	[spmem:s2] =	stream.indirect.scatter.add.f32 [tilespmem:s15], [sflag:$0x3], $0x80, s21, s14, $0xb8;
	v63 =	vld [tilespmem:$0x0]  }
0x9c: {  	_ =	swait.ge [sflag:s13], $0x4000  }
0x9d: {  	[sflag:s13] =	ssyncset.done $0x0  }
0x9e: {  	s0 =	sadd.s32 $0x300, s31;
	[sflag:s13] =	ssyncadd.s32 $0xFFFFC000  }
0x9f: {  	[tilespmem:s15], [sflag:$0x1] =	stream.indirect.gather [hbm4b:s4+s14], $0x80, s0, s14, $0xb8;
	v63 =	vld [tilespmem:$0x0]  }
0xa0: {  	v2 =	vld [tilespmem:$0x1600];
	_ =	sdelay $0x7  }
0xa1: {  	[tilespmem:v2+s19+$0x0] =	vst.idx.add.f32.msk $0xffff, v1  }
0xa2: {  	v2 =	vld [tilespmem:$0x1610];
	_ =	sdelay $0x7  }
0xa3: {  	[tilespmem:v2+s19+$0x0] =	vst.idx.add.f32.msk $0xffff, v1  }
0xa4: {  	v2 =	vld [tilespmem:$0x1620];
	_ =	sdelay $0x7  }
0xa5: {  	[tilespmem:v2+s19+$0x0] =	vst.idx.add.f32.msk $0xffff, v1  }
0xa6: {  	v2 =	vld [tilespmem:$0x1630];
	_ =	sdelay $0x7  }
0xa7: {  	[tilespmem:v2+s19+$0x0] =	vst.idx.add.f32.msk $0xffff, v1  }
0xa8: {  	v2 =	vld [tilespmem:$0x1640];
	_ =	sdelay $0x7  }
0xa9: {  	[tilespmem:v2+s19+$0x0] =	vst.idx.add.f32.msk $0xffff, v1  }
0xaa: {  	v2 =	vld [tilespmem:$0x1650];
	_ =	sdelay $0x7  }
0xab: {  	[tilespmem:v2+s19+$0x0] =	vst.idx.add.f32.msk $0xffff, v1  }
0xac: {  	v2 =	vld [tilespmem:$0x1660];
	_ =	sdelay $0x7  }
0xad: {  	[tilespmem:v2+s19+$0x0] =	vst.idx.add.f32.msk $0xffff, v1  }
0xae: {  	v2 =	vld [tilespmem:$0x1670];
	_ =	sdelay $0x7  }
0xaf: {  	[tilespmem:v2+s19+$0x0] =	vst.idx.add.f32.msk $0xffff, v1  }
0xb0: {  	_ =	swait.ge [sflag:s20], $0x4000  }
0xb1: {  	[sflag:s20] =	ssyncset.done $0x0  }
0xb2: {  	[sflag:s20] =	ssyncadd.s32 $0xFFFFC000  }
0xb3: {  	[spmem:s2] =	stream.indirect.scatter.add.f32 [tilespmem:s16], [sflag:$0x3], $0x80, s22, s14, $0xb8;
	v63 =	vld [tilespmem:$0x0]  }
0xb4: {  	_ =	swait.ge [sflag:s13], $0x4000  }
0xb5: {  	[sflag:s13] =	ssyncset.done $0x0  }
0xb6: {  	s31 =	sadd.s32 $0x380, s31;
	[sflag:s13] =	ssyncadd.s32 $0xFFFFC000  }
0xb7: {  	[tilespmem:s16], [sflag:$0x2] =	stream.indirect.gather [hbm4b:s4+s14], $0x80, s31, s14, $0xb8;
	v63 =	vld [tilespmem:$0x0]  }
0xb8: {  	v2 =	vld [tilespmem:$0x1680];
	_ =	sdelay $0x7  }
0xb9: {  	[tilespmem:v2+s19+$0x0] =	vst.idx.add.f32.msk $0xffff, v1  }
0xba: {  	v2 =	vld [tilespmem:$0x1690];
	_ =	sdelay $0x7  }
0xbb: {  	[tilespmem:v2+s19+$0x0] =	vst.idx.add.f32.msk $0xffff, v1  }
0xbc: {  	v2 =	vld [tilespmem:$0x16A0];
	_ =	sdelay $0x7  }
0xbd: {  	[tilespmem:v2+s19+$0x0] =	vst.idx.add.f32.msk $0xffff, v1  }
0xbe: {  	v2 =	vld [tilespmem:$0x16B0];
	_ =	sdelay $0x7  }
0xbf: {  	[tilespmem:v2+s19+$0x0] =	vst.idx.add.f32.msk $0xffff, v1  }
0xc0: {  	v2 =	vld [tilespmem:$0x16C0];
	_ =	sdelay $0x7  }
0xc1: {  	[tilespmem:v2+s19+$0x0] =	vst.idx.add.f32.msk $0xffff, v1  }
0xc2: {  	v2 =	vld [tilespmem:$0x16D0];
	_ =	sdelay $0x7  }
0xc3: {  	[tilespmem:v2+s19+$0x0] =	vst.idx.add.f32.msk $0xffff, v1  }
0xc4: {  	v2 =	vld [tilespmem:$0x16E0];
	_ =	sdelay $0x7  }
0xc5: {  	[tilespmem:v2+s19+$0x0] =	vst.idx.add.f32.msk $0xffff, v1  }
0xc6: {  	v2 =	vld [tilespmem:$0x16F0];
	_ =	sdelay $0x7  }
0xc7: {  	[tilespmem:v2+s19+$0x0] =	vst.idx.add.f32.msk $0xffff, v1  }
0xc8: {  	_ =	swait.ge [sflag:s18], $0x4000  }
0xc9: {  	[sflag:s18] =	ssyncset.done $0x0  }
0xca: {  	[sflag:s18] =	ssyncadd.s32 $0xFFFFC000  }
0xcb: {  	[spmem:s2] =	stream.indirect.scatter.add.f32 [tilespmem:s15], [sflag:$0x3], $0x80, s23, s14, $0xb8;
	v63 =	vld [tilespmem:$0x0]  }
0xcc: {  	s31 =	smin.u32 s28, $0x1F;
	_ =	swait.ge [sflag:s13], $0x4000  }
0xcd: {  	s0 =	sshll.u32 s31, $0x7;
	[sflag:s13] =	ssyncset.done $0x0  }
0xce: {  	s0 =	sadd.s32 $0x400, s0;
	[sflag:s13] =	ssyncadd.s32 $0xFFFFC000  }
0xcf: {  	[tilespmem:s15], [sflag:$0x1] =	stream.indirect.gather [hbm4b:s4+s14], $0x80, s0, s14, $0xb8;
	v63 =	vld [tilespmem:$0x0]  }
0xd0: {  	v2 =	vld [tilespmem:$0x1700];
	_ =	sdelay $0x7  }
0xd1: {  	[tilespmem:v2+s19+$0x0] =	vst.idx.add.f32.msk $0xffff, v1  }
0xd2: {  	v2 =	vld [tilespmem:$0x1710];
	_ =	sdelay $0x7  }
0xd3: {  	[tilespmem:v2+s19+$0x0] =	vst.idx.add.f32.msk $0xffff, v1  }
0xd4: {  	v2 =	vld [tilespmem:$0x1720];
	_ =	sdelay $0x7  }
0xd5: {  	[tilespmem:v2+s19+$0x0] =	vst.idx.add.f32.msk $0xffff, v1  }
0xd6: {  	v2 =	vld [tilespmem:$0x1730];
	_ =	sdelay $0x7  }
0xd7: {  	[tilespmem:v2+s19+$0x0] =	vst.idx.add.f32.msk $0xffff, v1  }
0xd8: {  	v2 =	vld [tilespmem:$0x1740];
	_ =	sdelay $0x7  }
0xd9: {  	[tilespmem:v2+s19+$0x0] =	vst.idx.add.f32.msk $0xffff, v1  }
0xda: {  	v2 =	vld [tilespmem:$0x1750];
	_ =	sdelay $0x7  }
0xdb: {  	[tilespmem:v2+s19+$0x0] =	vst.idx.add.f32.msk $0xffff, v1  }
0xdc: {  	v2 =	vld [tilespmem:$0x1760];
	_ =	sdelay $0x7  }
0xdd: {  	[tilespmem:v2+s19+$0x0] =	vst.idx.add.f32.msk $0xffff, v1  }
0xde: {  	v2 =	vld [tilespmem:$0x1770];
	_ =	sdelay $0x7  }
0xdf: {  	[tilespmem:v2+s19+$0x0] =	vst.idx.add.f32.msk $0xffff, v1  }
0xe0: {  	_ =	swait.ge [sflag:s20], $0x4000  }
0xe1: {  	[sflag:s20] =	ssyncset.done $0x0  }
0xe2: {  	[sflag:s20] =	ssyncadd.s32 $0xFFFFC000  }
0xe3: {  	[spmem:s2] =	stream.indirect.scatter.add.f32 [tilespmem:s16], [sflag:$0x3], $0x80, s24, s14, $0xb8;
	v63 =	vld [tilespmem:$0x0]  }
0xe4: {  	s31 =	smin.u32 s28, $0x1E;
	_ =	swait.ge [sflag:s13], $0x4000  }
0xe5: {  	s0 =	sshll.u32 s31, $0x7;
	[sflag:s13] =	ssyncset.done $0x0  }
0xe6: {  	s0 =	sadd.s32 $0x480, s0;
	[sflag:s13] =	ssyncadd.s32 $0xFFFFC000  }
0xe7: {  	[tilespmem:s16], [sflag:$0x2] =	stream.indirect.gather [hbm4b:s4+s14], $0x80, s0, s14, $0xb8;
	v63 =	vld [tilespmem:$0x0]  }
0xe8: {  	v2 =	vld [tilespmem:$0x1780];
	_ =	sdelay $0x7  }
0xe9: {  	[tilespmem:v2+s19+$0x0] =	vst.idx.add.f32.msk $0xffff, v1  }
0xea: {  	v2 =	vld [tilespmem:$0x1790];
	_ =	sdelay $0x7  }
0xeb: {  	[tilespmem:v2+s19+$0x0] =	vst.idx.add.f32.msk $0xffff, v1  }
0xec: {  	v2 =	vld [tilespmem:$0x17A0];
	_ =	sdelay $0x7  }
0xed: {  	[tilespmem:v2+s19+$0x0] =	vst.idx.add.f32.msk $0xffff, v1  }
0xee: {  	v2 =	vld [tilespmem:$0x17B0];
	_ =	sdelay $0x7  }
0xef: {  	[tilespmem:v2+s19+$0x0] =	vst.idx.add.f32.msk $0xffff, v1  }
0xf0: {  	v2 =	vld [tilespmem:$0x17C0];
	_ =	sdelay $0x7  }
0xf1: {  	[tilespmem:v2+s19+$0x0] =	vst.idx.add.f32.msk $0xffff, v1  }
0xf2: {  	v2 =	vld [tilespmem:$0x17D0];
	_ =	sdelay $0x7  }
0xf3: {  	[tilespmem:v2+s19+$0x0] =	vst.idx.add.f32.msk $0xffff, v1  }
0xf4: {  	v2 =	vld [tilespmem:$0x17E0];
	_ =	sdelay $0x7  }
0xf5: {  	[tilespmem:v2+s19+$0x0] =	vst.idx.add.f32.msk $0xffff, v1  }
0xf6: {  	v2 =	vld [tilespmem:$0x17F0];
	_ =	sdelay $0x2  }
0xf7: {  	p0 =	sne.s32 s30, $0x4000  }
.Ltmp1:
0xf8: {  	_ = 	snop;
	(pc) =	sbr.rel @p0 .LBB2_4-.Ltmp1, $2  }
0xf9: {  	_ =	sdelay $0x2  }
0xfa: {  	s29 =	sadd.s32 $0x80, s29;
	s30 =	sadd.s32 $0x1000, s30;
	s28 =	sadd.s32 $0x8, s28;
	[tilespmem:v2+s19+$0x0] =	vst.idx.add.f32.msk $0xffff, v1  }
0xfb: {  	_ =	swait.ge [sflag:s18], $0x4000  }
0xfc: {  	[sflag:s18] =	ssyncset.done $0x0  }
0xfd: {  	[sflag:s18] =	ssyncadd.s32 $0xFFFFC000  }
0xfe: {  	_ =	swait.ge [sflag:s20], $0x4000  }
0xff: {  	[sflag:s20] =	ssyncset.done $0x0  }
0x100: {  	[sflag:s20] =	ssyncadd.s32 $0xFFFFC000  }
0x101: {  	[bflag:$0x0] =	sbarrier.arrive $0xFFFF  }
0x102: {  	[hbm:s8], [sflag:s6] =	dma.local [spmem:s12], $0x2800  }
0x103: {  	s26 =	sadd.s32 $0x1, s26;
	_ =	swait.ge [sflag:s13], $0x2800  }
0x104: {  	p0 =	sne.s32 s26, s10;
	[sflag:s13] =	ssyncset.done $0x0  }
.Ltmp2:
0x105: {  	[sflag:s13] =	ssyncadd.s32 $0xFFFFD800;
	(pc) =	sbr.rel @p0 .LBB2_1-.Ltmp2, $4  }
0x106: {  	[hbm4b:s9+s14] =	stream.strided.scatter [tilespmem:s19], [sflag:$0x3], $0x2800, s25, s14, $0x38;
	v63 =	vld [tilespmem:$0x0]  }
0x107: {  	_ =	swait.ge [sflag:s13], $0x2800  }
0x108: {  	[sflag:s13] =	ssyncset.done $0x0  }
0x109: {  	[sflag:s13] =	ssyncadd.s32 $0xFFFFD800  }
0x10a: {  	_ =	sfence.sel $0x180000  }
0x10b: {  	[bflag:$0x0] =	sbarrier.arrive $0xFFFF  }
0x10c: {  	_ =	strace $0x90000047  }
0x10d: {  	[bflag:$0x2] =	sbarrier.arrive $0xFFFF  }
0x10e: {  	p0 =	sne.s32 s1, $0x0;
	s0 =	rddreg [dreg:$0x2]  }
0x10f: {  	s0 =	sadd.s32 @!p0 $0x100000, s0  }
0x110: {  	[sflag:s0] =	ssyncadd.tile.s32 @!p0 $0x1;
	_ =	shalt  }
.Lfunc_end2:
_tile_overlayer_lowered:
.L_overlay_start_2:
0x111: {  	(tag) =	ssettag $0x2  }
0x112: {  	s0 =	rddreg [dreg:$0x0];
	s2 =	stileid.u32  }
0x113: {  	s1 =	rddreg [dreg:$0x1];
	p0 =	sne.s32 s2, $0x0  }
0x114: {  	s3 =	rddreg [dreg:$0x2];
	[bflag:$0x3] =	sbarrier.arrive $0xFFFF;
	s2 =	simm.s32 @!p0 $0x1C03  }
0x115: {  	[timem:s3], [sflag:s2] =	dma.local @!p0 [hbm:s0], s1  }
0x116: {  	s0 =	simm.s32 @!p0 $0x3  }
0x117: {  	_ =	swait.ge @!p0 [sflag:s0], s1  }
0x118: {  	s1 =	ssub.s32 @!p0 $0x0, s1;
	[sflag:s0] =	ssyncset.done @!p0 $0x0  }
0x119: {  	[sflag:s0] =	ssyncadd.s32 @!p0 s1  }
0x11a: {  	[bflag:$0x3] =	sbarrier.arrive $0xFFFF  }
0x11b: {  	_ =	shalt  }

</sc_bundles>
